<compile_context>
chip_gen: v7x
topology: tpu7x:2x2x1
jax: 0.10.2.dev20260603
libtpu: 0.0.44.dev20260713+nightly
codegen_flags: <defaults>
</compile_context>

<pallas_src>
import functools

import jax
import jax.numpy as jnp
from jax import lax
from jax.experimental import pallas as pl
from jax.experimental.pallas import tpu as pltpu
from jax.experimental.pallas import tpu_sc as plsc

N = 10000
E = 320000
D_IN = 128
H = 32
K = 30
B = 128
EPS = 1e-5

NC = 2
NS = 16
NW = NC * NS
EPW = E // NW
CH = 80
NCHUNK = EPW // CH

D0 = 144

NPAD = 10240
NPT = NPAD // NS
PPW = NPAD // NW
PCH = 4
POOL = B * K
POOLP = 3968
PPT = POOLP // NS
BIGB = 1 << 20


@functools.cache
def _mesh():
  return plsc.VectorSubcoreMesh(core_axis_name="c", subcore_axis_name="s",
                                num_cores=NC, num_subcores=NS)



@functools.cache
def _edge_pass(d):

  @functools.partial(
      pl.kernel,
      out_type=jax.ShapeDtypeStruct((NC, NPAD, d), jnp.float32),
      mesh=_mesh(),
      compiler_params=pltpu.CompilerParams(use_tc_tiling_on_sc=False),
      scratch_types=[
          pltpu.VMEM((NCHUNK, CH), jnp.int32),
          pltpu.VMEM((NCHUNK, CH), jnp.int32),
          pltpu.VMEM((CH, d), jnp.float32),
          pltpu.VMEM_SHARED((NPAD, d), jnp.float32),
          pltpu.SemaphoreType.DMA,
      ],
  )
  def kern(src_hbm, dst_hbm, table_hbm, zeros_hbm, out_hbm,
           srcv, dstv, rows, acc, sem):
    c = lax.axis_index("c")
    s = lax.axis_index("s")
    wid = c * NS + s
    pltpu.sync_copy(zeros_hbm.at[pl.ds(s * NPT, NPT)],
                    acc.at[pl.ds(s * NPT, NPT)])
    pltpu.sync_copy(src_hbm.at[wid], srcv)
    pltpu.sync_copy(dst_hbm.at[wid], dstv)
    plsc.subcore_barrier()

    def body(j, carry):
      pltpu.async_copy(table_hbm.at[srcv.at[j]], rows, sem).wait()
      pltpu.sync_copy(rows, acc.at[dstv.at[j]], add=True)
      return carry

    lax.fori_loop(0, NCHUNK, body, 0)
    plsc.subcore_barrier()
    pltpu.sync_copy(acc.at[pl.ds(s * NPT, NPT)],
                    out_hbm.at[c, pl.ds(s * NPT, NPT)])

  return kern


@functools.cache
def _pool_scatter_kernel():
  @functools.partial(
      pl.kernel,
      out_type=jax.ShapeDtypeStruct((NC, POOLP, H), jnp.float32),
      mesh=_mesh(),
      compiler_params=pltpu.CompilerParams(use_tc_tiling_on_sc=False),
      scratch_types=[
          pltpu.VMEM((PCH, CH), jnp.int32),
          pltpu.VMEM((PPW, H), jnp.float32),
          pltpu.VMEM_SHARED((POOLP, H), jnp.float32),
      ],
  )
  def kern(slot_hbm, h2_hbm, zeros_hbm, out_hbm, slotv, rows, acc):
    c = lax.axis_index("c")
    s = lax.axis_index("s")
    wid = c * NS + s
    pltpu.sync_copy(zeros_hbm.at[pl.ds(s * PPT, PPT)],
                    acc.at[pl.ds(s * PPT, PPT)])
    pltpu.sync_copy(slot_hbm.at[wid], slotv)
    pltpu.sync_copy(h2_hbm.at[pl.ds(wid * PPW, PPW)], rows)
    plsc.subcore_barrier()
    for j in range(PCH):
      pltpu.sync_copy(rows.at[pl.ds(j * CH, CH)], acc.at[slotv.at[j]],
                      add=True)
    plsc.subcore_barrier()
    pltpu.sync_copy(acc.at[pl.ds(s * PPT, PPT)],
                    out_hbm.at[c, pl.ds(s * PPT, PPT)])

  return kern



def _colsum(v):
  h = v.shape[1]
  acc = jnp.zeros((128, h), jnp.float32)
  for k in range(N // 128):
    acc = acc + v[k * 128:(k + 1) * 128]
  rem = v[(N // 128) * 128:]
  acc = acc + jnp.concatenate(
      [rem, jnp.zeros((128 - rem.shape[0], h), jnp.float32)], axis=0)
  s = acc[0:8]
  for i in range(1, 16):
    s = s + acc[8 * i:8 * i + 8]
  t4 = s[0:4] + s[4:8]
  t2 = t4[0:2] + t4[2:4]
  return t2[0:1] + t2[1:2]


def _bn_block(a, g, be):
  inv = jnp.float32(1.0 / N)
  mu = _colsum(a) * inv
  c = a - mu
  var = _colsum(c * c) * inv
  return c / jnp.sqrt(var + EPS) * g + be


def _pad_rows(a):
  return jnp.concatenate(
      [a, jnp.zeros((NPAD - N, a.shape[1]), jnp.float32)], axis=0)


def _t2_body(parts_ref, x_ref, wl_ref, bl_ref, wr_ref, g_ref, be_ref,
             h_ref, deg_ref):
  agg = (parts_ref[0] + parts_ref[1])[:N]
  deg = jnp.maximum(agg[:, D_IN:D_IN + 1], 1.0)
  aggx = agg[:, :D_IN] / jnp.broadcast_to(deg, (N, D_IN))
  a = (jnp.dot(aggx.astype(jnp.bfloat16), wl_ref[...].astype(jnp.bfloat16),
               preferred_element_type=jnp.float32)
       + bl_ref[...]
       + jnp.dot(x_ref[...].astype(jnp.bfloat16),
                 wr_ref[...].astype(jnp.bfloat16),
                 preferred_element_type=jnp.float32))
  h = jax.nn.relu(_bn_block(a, g_ref[...], be_ref[...]))
  h_ref[...] = _pad_rows(h)
  deg_ref[...] = deg


def _t3_body(parts_ref, hprev_ref, wl_ref, bl_ref, wr_ref, g_ref, be_ref,
             deg_ref, h_ref, *, use_relu):
  agg = ((parts_ref[0] + parts_ref[1])[:N]
         / jnp.broadcast_to(deg_ref[...], (N, H)))
  a = (jnp.dot(agg.astype(jnp.bfloat16), wl_ref[...].astype(jnp.bfloat16),
               preferred_element_type=jnp.float32)
       + bl_ref[...]
       + jnp.dot(hprev_ref[:N].astype(jnp.bfloat16),
                 wr_ref[...].astype(jnp.bfloat16),
                 preferred_element_type=jnp.float32))
  h = _bn_block(a, g_ref[...], be_ref[...])
  if use_relu:
    h = jax.nn.relu(h)
  h_ref[...] = _pad_rows(h)


_IB = 128
_JB = 256
_NIB = NPAD // _IB


def _t4b_body(vc_ref, vr_ref, bc_ref, br_ref, slot_ref):
  br = br_ref[...]

  def iblk(ic, carry):
    vi = vc_ref[pl.ds(ic * _IB, _IB), :]
    bi = bc_ref[pl.ds(ic * _IB, _IB), :]
    ii = lax.broadcasted_iota(jnp.int32, (_IB, 1), 0) + ic * _IB
    b_lo = jnp.min(bi)
    b_hi = jnp.max(bi)
    jmin = jnp.sum((br < b_lo).astype(jnp.int32))
    jmax = jnp.sum((br <= b_hi).astype(jnp.int32))
    jc0 = jmin // _JB
    jc1 = (jmax + _JB - 1) // _JB

    def jblk(jc, rank):
      vj = vr_ref[:, pl.ds(jc * _JB, _JB)]
      bj = br_ref[:, pl.ds(jc * _JB, _JB)]
      jj = lax.broadcasted_iota(jnp.int32, (1, _JB), 1) + jc * _JB
      beats = (vj > vi) | ((vj == vi) & (jj < ii))
      m = (bj == bi) & beats
      return rank + jnp.sum(m.astype(jnp.int32), axis=1, keepdims=True)

    rank = lax.fori_loop(jc0, jc1, jblk, jnp.zeros((_IB, 1), jnp.int32))
    slot = jnp.where((rank < K) & (bi < B), bi * K + rank, POOL)
    slot_ref[pl.ds(ic * _IB, _IB), :] = slot
    return carry

  lax.fori_loop(0, _NIB, iblk, 0)


def _t5_body(p0_ref, p1_ref, w1_ref, b1_ref, w2_ref, b2_ref, out_ref):
  p = p0_ref[...] + p1_ref[...]
  hid = jax.nn.relu(
      jnp.dot(p.astype(jnp.bfloat16), w1_ref[...].astype(jnp.bfloat16),
              preferred_element_type=jnp.float32)
      + b1_ref[...])
  out_ref[...] = (jnp.dot(hid.astype(jnp.bfloat16),
                          w2_ref[...].astype(jnp.bfloat16),
                          preferred_element_type=jnp.float32) + b2_ref[...])


def _tc_call(body, out_shapes, *args):
  return pl.pallas_call(body, out_shape=out_shapes)(*args)



def kernel(x, edge_index, batch, Wl0, bl0, Wr0, g0, be0, Wl1, bl1, Wr1, g1,
           be1, Wl2, bl2, Wr2, g2, be2, W1, b1, W2, b2):
  f32 = jnp.float32
  src = edge_index[0].reshape(NW, NCHUNK, CH)
  dst = edge_index[1].reshape(NW, NCHUNK, CH)
  z144 = jnp.zeros((NPAD, D0), f32)
  z32 = jnp.zeros((NPAD, H), f32)
  zpool = jnp.zeros((POOLP, H), f32)

  xext = jnp.concatenate(
      [x, jnp.ones((N, 1), f32), jnp.zeros((N, D0 - D_IN - 1), f32)], axis=1)
  xext = jnp.concatenate([xext, jnp.zeros((NPAD - N, D0), f32)], axis=0)

  parts0 = _edge_pass(D0)(src, dst, xext, z144)
  h0pad, deg = _tc_call(
      _t2_body,
      [jax.ShapeDtypeStruct((NPAD, H), f32), jax.ShapeDtypeStruct((N, 1), f32)],
      parts0, x, Wl0, bl0.reshape(1, H), Wr0, g0.reshape(1, H),
      be0.reshape(1, H))

  parts1 = _edge_pass(H)(src, dst, h0pad, z32)
  h1pad = _tc_call(
      functools.partial(_t3_body, use_relu=True),
      jax.ShapeDtypeStruct((NPAD, H), f32),
      parts1, h0pad, Wl1, bl1.reshape(1, H), Wr1, g1.reshape(1, H),
      be1.reshape(1, H), deg)

  parts2 = _edge_pass(H)(src, dst, h1pad, z32)
  h2pad = _tc_call(
      functools.partial(_t3_body, use_relu=False),
      jax.ShapeDtypeStruct((NPAD, H), f32),
      parts2, h1pad, Wl2, bl2.reshape(1, H), Wr2, g2.reshape(1, H),
      be2.reshape(1, H), deg)

  bpad = jnp.concatenate(
      [batch, jnp.full((NPAD - N,), BIGB, jnp.int32)]).reshape(NPAD, 1)
  vcol = h2pad[:, H - 1:H]
  slots = _tc_call(
      _t4b_body, jax.ShapeDtypeStruct((NPAD, 1), jnp.int32),
      vcol, vcol.reshape(1, NPAD), bpad, bpad.reshape(1, NPAD))

  pooled = _pool_scatter_kernel()(slots.reshape(NW, PCH, CH), h2pad, zpool)

  pr = pooled[:, :POOL, :].reshape(NC, B, K * H)
  out = _tc_call(
      _t5_body, jax.ShapeDtypeStruct((B, 1), f32),
      pr[0], pr[1], W1, b1.reshape(1, H), W2, b2.reshape(1, 1))
  return out.reshape(B)

# --- scband reference (transcript-rebuilt; emitter-appended) ---
"""Pipeline reference for scband-sealmodel-21260088115561 (READ-ONLY COPY).

The authoritative reference and input builder live on the scoring server;
editing this copy changes nothing except your own understanding.
"""

import jax, jax.numpy as jnp
import numpy as np

N_NODES = 10000
N_EDGES = 320000
D_IN = 128
H = 32
K = 30
B = 128
EPS = 1e-5


def _glorot(key, shape):
    return jax.random.normal(key, shape, jnp.float32) * (1.0 / np.sqrt(shape[0]))


def setup_inputs(seed: int = 0):
    key = jax.random.key(seed)
    ks = jax.random.split(key, 16)
    inp = {}
    inp["x"] = jax.random.normal(ks[0], (N_NODES, D_IN), jnp.float32)
    inp["edge_index"] = jax.random.randint(ks[1], (2, N_EDGES), 0, N_NODES, dtype=jnp.int32)
    inp["batch"] = jnp.sort(jax.random.randint(ks[2], (N_NODES,), 0, B, dtype=jnp.int32))
    dims = [(D_IN, H), (H, H), (H, H)]
    for i, (di, do) in enumerate(dims):
        inp[f"Wl{i}"] = _glorot(ks[3 + 3 * i], (di, do))
        inp[f"bl{i}"] = jnp.zeros((do,), jnp.float32)
        inp[f"Wr{i}"] = _glorot(ks[4 + 3 * i], (di, do))
        inp[f"g{i}"] = jnp.ones((do,), jnp.float32)
        inp[f"be{i}"] = jnp.zeros((do,), jnp.float32)
    inp["W1"] = _glorot(ks[13], (K * H, H))
    inp["b1"] = jnp.zeros((H,), jnp.float32)
    inp["W2"] = _glorot(ks[14], (H, 1))
    inp["b2"] = jnp.zeros((1,), jnp.float32)
    return inp


def _sage(x, Wl, bl, Wr, src, dst):
    n = x.shape[0]
    agg = jax.ops.segment_sum(x[src], dst, num_segments=n)
    deg = jax.ops.segment_sum(jnp.ones((src.shape[0],), x.dtype), dst, num_segments=n)
    agg = agg / jnp.clip(deg, 1.0)[:, None]
    return agg @ Wl + bl + x @ Wr


def _bn(x, g, b):
    mu = jnp.mean(x, axis=0)
    var = jnp.var(x, axis=0)
    return (x - mu) / jnp.sqrt(var + EPS) * g + b


def _sort_pool(x, batch):
    n = x.shape[0]
    h = x.shape[1]
    last = x[:, -1]
    order = jnp.lexsort((-last, batch))
    sb = batch[order]
    counts = jnp.bincount(batch, length=B)
    starts = jnp.concatenate([jnp.zeros((1,), counts.dtype), jnp.cumsum(counts)[:-1]])
    rank = jnp.arange(n, dtype=counts.dtype) - starts[sb]
    mask = rank < K
    rs = jnp.where(mask, rank, 0)
    vals = jnp.where(mask[:, None], x[order], 0.0)
    pooled = jnp.zeros((B, K, h), x.dtype).at[sb, rs].add(vals)
    return pooled.reshape(B, K * h)


def reference(x, edge_index, batch, Wl0, bl0, Wr0, g0, be0, Wl1, bl1, Wr1, g1, be1, Wl2, bl2, Wr2, g2, be2, W1, b1, W2, b2):
    src, dst = edge_index[0], edge_index[1]
    h = _sage(x, Wl0, bl0, Wr0, src, dst)
    h = _bn(h, g0, be0)
    h = jax.nn.relu(h)
    h = _sage(h, Wl1, bl1, Wr1, src, dst)
    h = _bn(h, g1, be1)
    h = jax.nn.relu(h)
    h = _sage(h, Wl2, bl2, Wr2, src, dst)
    h = _bn(h, g2, be2)
    p = _sort_pool(h, batch)
    hid = jax.nn.relu(p @ W1 + b1)
    out = hid @ W2 + b2
    return out.squeeze(-1)

if __name__ == "__main__":
    import jax
    _d = setup_inputs()
    print(jax.jit(kernel)(*tuple(_d.values())))

</pallas_src>

<mosaic_0001>
#map = affine_map<(d0, d1) -> (0, 0, 0)>
#map1 = affine_map<(d0, d1) -> (0, 0)>
module attributes {stable_mosaic.version = 14 : i64} {
  func.func @kern(%arg0: i32, %arg1: i32, %arg2: memref<32x125x80xi32, #tpu.memory_space<hbm>>, %arg3: memref<32x125x80xi32, #tpu.memory_space<hbm>>, %arg4: memref<10240x32xf32, #tpu.memory_space<hbm>>, %arg5: memref<10240x32xf32, #tpu.memory_space<hbm>>, %arg6: memref<2x10240x32xf32, #tpu.memory_space<hbm>>, %arg7: memref<125x80xi32, #tpu.memory_space<vmem>>, %arg8: memref<125x80xi32, #tpu.memory_space<vmem>>, %arg9: memref<80x32xf32, #tpu.memory_space<vmem>>, %arg10: memref<10240x32xf32, #tpu.memory_space<vmem_shared>>, %arg11: memref<!tpu.dma_semaphore, #tpu.memory_space<semaphore_mem>>) attributes {dimension_semantics = [#tpu.dimension_semantics<core_parallel>, #tpu.dimension_semantics<subcore_parallel>], iteration_bounds = array<i64: 2, 16>, scalar_prefetch = 0 : i64, scratch_operands = 5 : i64, tpu.core_type = #tpu.core_type<sc_vector_subcore>, window_params = [{transform_indices = #map}, {transform_indices = #map}, {transform_indices = #map1}, {transform_indices = #map1}, {transform_indices = #map}]} {
    %mul3A = arith.constant 16 : i32
    %mul3A_0 = arith.muli %arg0, %mul3A : i32
    %add3A = arith.addi %mul3A_0, %arg1 : i32
    %mul3A_1 = arith.constant 640 : i32
    %mul3A_2 = arith.muli %arg1, %mul3A_1 : i32
    %mul3A_3 = arith.constant 640 : i32
    %mul3A_4 = arith.muli %arg1, %mul3A_3 : i32
    "tpu.region"() ({
      %run_scoped3A = tpu.sem_alloc : memref<!tpu.dma_semaphore, #tpu.memory_space<semaphore_mem>>
      %dma_start3A = arith.constant 0 : i32
      %dma_start3A_15 = tpu.memref_slice %arg10[%mul3A_4, %dma_start3A] : memref<10240x32xf32, #tpu.memory_space<vmem_shared>> -> memref<640x32xf32, #tpu.memory_space<vmem_shared>>
      %dma_start3A_16 = arith.constant 0 : i32
      %dma_start3A_17 = tpu.memref_slice %arg5[%mul3A_2, %dma_start3A_16] : memref<10240x32xf32, #tpu.memory_space<hbm>> -> memref<640x32xf32, #tpu.memory_space<hbm>>
      tpu.enqueue_dma source(%dma_start3A_17 : memref<640x32xf32, #tpu.memory_space<hbm>>) target(%dma_start3A_15 : memref<640x32xf32, #tpu.memory_space<vmem_shared>>) target_semaphore(%run_scoped3A : memref<!tpu.dma_semaphore, #tpu.memory_space<semaphore_mem>>)
      %dma_wait3A = arith.constant 0 : i32
      %dma_wait3A_18 = tpu.memref_slice %arg10[%mul3A_4, %dma_wait3A] : memref<10240x32xf32, #tpu.memory_space<vmem_shared>> -> memref<640x32xf32, #tpu.memory_space<vmem_shared>>
      %dma_wait3A_19 = arith.constant 0 : i32
      %dma_wait3A_20 = tpu.memref_slice %arg5[%mul3A_2, %dma_wait3A_19] : memref<10240x32xf32, #tpu.memory_space<hbm>> -> memref<640x32xf32, #tpu.memory_space<hbm>>
      tpu.wait_dma2 semaphore(%run_scoped3A : memref<!tpu.dma_semaphore, #tpu.memory_space<semaphore_mem>>) src(%dma_wait3A_20 : memref<640x32xf32, #tpu.memory_space<hbm>>) dst(%dma_wait3A_18 : memref<640x32xf32, #tpu.memory_space<vmem_shared>>)
      tpu.yield
    }) : () -> ()
    "tpu.region"() ({
      %run_scoped3A = tpu.sem_alloc : memref<!tpu.dma_semaphore, #tpu.memory_space<semaphore_mem>>
      %dma_start3A = arith.constant 0 : i32
      %dma_start3A_15 = arith.constant 0 : i32
      %dma_start3A_16 = tpu.memref_slice %arg2[%add3A, %dma_start3A, %dma_start3A_15] : memref<32x125x80xi32, #tpu.memory_space<hbm>> -> memref<1x125x80xi32, #tpu.memory_space<hbm>>
      %dma_start3A_17 = tpu.memref_squeeze %dma_start3A_16 : memref<1x125x80xi32, #tpu.memory_space<hbm>> -> memref<125x80xi32, #tpu.memory_space<hbm>>
      %dma_start3A_18 = arith.constant 0 : i32
      %dma_start3A_19 = arith.constant 0 : i32
      %dma_start3A_20 = tpu.memref_slice %arg2[%add3A, %dma_start3A_18, %dma_start3A_19] : memref<32x125x80xi32, #tpu.memory_space<hbm>> -> memref<1x125x80xi32, #tpu.memory_space<hbm>>
      %dma_start3A_21 = tpu.memref_squeeze %dma_start3A_20 : memref<1x125x80xi32, #tpu.memory_space<hbm>> -> memref<125x80xi32, #tpu.memory_space<hbm>>
      tpu.enqueue_dma source(%dma_start3A_21 : memref<125x80xi32, #tpu.memory_space<hbm>>) target(%arg7 : memref<125x80xi32, #tpu.memory_space<vmem>>) target_semaphore(%run_scoped3A : memref<!tpu.dma_semaphore, #tpu.memory_space<semaphore_mem>>)
      %dma_wait3A = arith.constant 0 : i32
      %dma_wait3A_22 = arith.constant 0 : i32
      %dma_wait3A_23 = tpu.memref_slice %arg2[%add3A, %dma_wait3A, %dma_wait3A_22] : memref<32x125x80xi32, #tpu.memory_space<hbm>> -> memref<1x125x80xi32, #tpu.memory_space<hbm>>
      %dma_wait3A_24 = tpu.memref_squeeze %dma_wait3A_23 : memref<1x125x80xi32, #tpu.memory_space<hbm>> -> memref<125x80xi32, #tpu.memory_space<hbm>>
      %dma_wait3A_25 = arith.constant 0 : i32
      %dma_wait3A_26 = arith.constant 0 : i32
      %dma_wait3A_27 = tpu.memref_slice %arg2[%add3A, %dma_wait3A_25, %dma_wait3A_26] : memref<32x125x80xi32, #tpu.memory_space<hbm>> -> memref<1x125x80xi32, #tpu.memory_space<hbm>>
      %dma_wait3A_28 = tpu.memref_squeeze %dma_wait3A_27 : memref<1x125x80xi32, #tpu.memory_space<hbm>> -> memref<125x80xi32, #tpu.memory_space<hbm>>
      tpu.wait_dma2 semaphore(%run_scoped3A : memref<!tpu.dma_semaphore, #tpu.memory_space<semaphore_mem>>) src(%dma_wait3A_28 : memref<125x80xi32, #tpu.memory_space<hbm>>) dst(%arg7 : memref<125x80xi32, #tpu.memory_space<vmem>>)
      tpu.yield
    }) : () -> ()
    "tpu.region"() ({
      %run_scoped3A = tpu.sem_alloc : memref<!tpu.dma_semaphore, #tpu.memory_space<semaphore_mem>>
      %dma_start3A = arith.constant 0 : i32
      %dma_start3A_15 = arith.constant 0 : i32
      %dma_start3A_16 = tpu.memref_slice %arg3[%add3A, %dma_start3A, %dma_start3A_15] : memref<32x125x80xi32, #tpu.memory_space<hbm>> -> memref<1x125x80xi32, #tpu.memory_space<hbm>>
      %dma_start3A_17 = tpu.memref_squeeze %dma_start3A_16 : memref<1x125x80xi32, #tpu.memory_space<hbm>> -> memref<125x80xi32, #tpu.memory_space<hbm>>
      %dma_start3A_18 = arith.constant 0 : i32
      %dma_start3A_19 = arith.constant 0 : i32
      %dma_start3A_20 = tpu.memref_slice %arg3[%add3A, %dma_start3A_18, %dma_start3A_19] : memref<32x125x80xi32, #tpu.memory_space<hbm>> -> memref<1x125x80xi32, #tpu.memory_space<hbm>>
      %dma_start3A_21 = tpu.memref_squeeze %dma_start3A_20 : memref<1x125x80xi32, #tpu.memory_space<hbm>> -> memref<125x80xi32, #tpu.memory_space<hbm>>
      tpu.enqueue_dma source(%dma_start3A_21 : memref<125x80xi32, #tpu.memory_space<hbm>>) target(%arg8 : memref<125x80xi32, #tpu.memory_space<vmem>>) target_semaphore(%run_scoped3A : memref<!tpu.dma_semaphore, #tpu.memory_space<semaphore_mem>>)
      %dma_wait3A = arith.constant 0 : i32
      %dma_wait3A_22 = arith.constant 0 : i32
      %dma_wait3A_23 = tpu.memref_slice %arg3[%add3A, %dma_wait3A, %dma_wait3A_22] : memref<32x125x80xi32, #tpu.memory_space<hbm>> -> memref<1x125x80xi32, #tpu.memory_space<hbm>>
      %dma_wait3A_24 = tpu.memref_squeeze %dma_wait3A_23 : memref<1x125x80xi32, #tpu.memory_space<hbm>> -> memref<125x80xi32, #tpu.memory_space<hbm>>
      %dma_wait3A_25 = arith.constant 0 : i32
      %dma_wait3A_26 = arith.constant 0 : i32
      %dma_wait3A_27 = tpu.memref_slice %arg3[%add3A, %dma_wait3A_25, %dma_wait3A_26] : memref<32x125x80xi32, #tpu.memory_space<hbm>> -> memref<1x125x80xi32, #tpu.memory_space<hbm>>
      %dma_wait3A_28 = tpu.memref_squeeze %dma_wait3A_27 : memref<1x125x80xi32, #tpu.memory_space<hbm>> -> memref<125x80xi32, #tpu.memory_space<hbm>>
      tpu.wait_dma2 semaphore(%run_scoped3A : memref<!tpu.dma_semaphore, #tpu.memory_space<semaphore_mem>>) src(%dma_wait3A_28 : memref<125x80xi32, #tpu.memory_space<hbm>>) dst(%arg8 : memref<125x80xi32, #tpu.memory_space<vmem>>)
      tpu.yield
    }) : () -> ()
    %barrier3A = arith.constant 0 : index
    tpu.barrier barrier_id(%barrier3A)
    %scan3A = arith.constant 0 : i32
    %scan3A_5 = arith.constant 0 : i32
    %scan3A_6 = arith.constant 125 : i32
    %scan3A_7 = arith.addi %scan3A_5, %scan3A_6 : i32
    %scan3A_8 = arith.constant 1 : i32
    scf.for %scan3A_15 = %scan3A_5 to %scan3A_7 step %scan3A_8  : i32 {
      %dma_start3A = arith.constant 0 : i32
      %dma_start3A_16 = tpu.memref_slice %arg7[%scan3A_15, %dma_start3A] : memref<125x80xi32, #tpu.memory_space<vmem>> -> memref<1x80xi32, #tpu.memory_space<vmem>>
      %dma_start3A_17 = tpu.memref_squeeze %dma_start3A_16 : memref<1x80xi32, #tpu.memory_space<vmem>> -> memref<80xi32, #tpu.memory_space<vmem>>
      %dma_start3A_18 = arith.constant 0 : i32
      %dma_start3A_19 = arith.constant 0 : i32
      %dma_start3A_20 = tpu.memref_slice %arg4[%dma_start3A_18, %dma_start3A_19] : memref<10240x32xf32, #tpu.memory_space<hbm>> -> memref<10240x32xf32, #tpu.memory_space<hbm>>
      tpu.enqueue_indirect_dma source(%dma_start3A_20 : memref<10240x32xf32, #tpu.memory_space<hbm>>) target(%arg9 : memref<80x32xf32, #tpu.memory_space<vmem>>) offsets(%dma_start3A_17 : memref<80xi32, #tpu.memory_space<vmem>>) semaphore(%arg11 : memref<!tpu.dma_semaphore, #tpu.memory_space<semaphore_mem>>)
      %dma_wait3A = arith.constant 0 : i32
      %dma_wait3A_21 = tpu.memref_slice %arg7[%scan3A_15, %dma_wait3A] : memref<125x80xi32, #tpu.memory_space<vmem>> -> memref<1x80xi32, #tpu.memory_space<vmem>>
      %dma_wait3A_22 = tpu.memref_squeeze %dma_wait3A_21 : memref<1x80xi32, #tpu.memory_space<vmem>> -> memref<80xi32, #tpu.memory_space<vmem>>
      %dma_wait3A_23 = arith.constant 0 : i32
      %dma_wait3A_24 = arith.constant 0 : i32
      %dma_wait3A_25 = tpu.memref_slice %arg4[%dma_wait3A_23, %dma_wait3A_24] : memref<10240x32xf32, #tpu.memory_space<hbm>> -> memref<10240x32xf32, #tpu.memory_space<hbm>>
      tpu.wait_indirect_dma semaphore(%arg11 : memref<!tpu.dma_semaphore, #tpu.memory_space<semaphore_mem>>) src(%dma_wait3A_25 : memref<10240x32xf32, #tpu.memory_space<hbm>>) dst(%arg9 : memref<80x32xf32, #tpu.memory_space<vmem>>)
      "tpu.region"() ({
        %run_scoped3A = tpu.sem_alloc : memref<!tpu.dma_semaphore, #tpu.memory_space<semaphore_mem>>
        %dma_start3A_26 = arith.constant 0 : i32
        %dma_start3A_27 = tpu.memref_slice %arg8[%scan3A_15, %dma_start3A_26] : memref<125x80xi32, #tpu.memory_space<vmem>> -> memref<1x80xi32, #tpu.memory_space<vmem>>
        %dma_start3A_28 = tpu.memref_squeeze %dma_start3A_27 : memref<1x80xi32, #tpu.memory_space<vmem>> -> memref<80xi32, #tpu.memory_space<vmem>>
        %dma_start3A_29 = arith.constant 0 : i32
        %dma_start3A_30 = arith.constant 0 : i32
        %dma_start3A_31 = tpu.memref_slice %arg10[%dma_start3A_29, %dma_start3A_30] : memref<10240x32xf32, #tpu.memory_space<vmem_shared>> -> memref<10240x32xf32, #tpu.memory_space<vmem_shared>>
        tpu.enqueue_indirect_dma source(%arg9 : memref<80x32xf32, #tpu.memory_space<vmem>>) target(%dma_start3A_31 : memref<10240x32xf32, #tpu.memory_space<vmem_shared>>) offsets(%dma_start3A_28 : memref<80xi32, #tpu.memory_space<vmem>>) semaphore(%run_scoped3A : memref<!tpu.dma_semaphore, #tpu.memory_space<semaphore_mem>>) {add = true}
        %dma_wait3A_32 = arith.constant 0 : i32
        %dma_wait3A_33 = tpu.memref_slice %arg8[%scan3A_15, %dma_wait3A_32] : memref<125x80xi32, #tpu.memory_space<vmem>> -> memref<1x80xi32, #tpu.memory_space<vmem>>
        %dma_wait3A_34 = tpu.memref_squeeze %dma_wait3A_33 : memref<1x80xi32, #tpu.memory_space<vmem>> -> memref<80xi32, #tpu.memory_space<vmem>>
        %dma_wait3A_35 = arith.constant 0 : i32
        %dma_wait3A_36 = arith.constant 0 : i32
        %dma_wait3A_37 = tpu.memref_slice %arg10[%dma_wait3A_35, %dma_wait3A_36] : memref<10240x32xf32, #tpu.memory_space<vmem_shared>> -> memref<10240x32xf32, #tpu.memory_space<vmem_shared>>
        tpu.wait_indirect_dma semaphore(%run_scoped3A : memref<!tpu.dma_semaphore, #tpu.memory_space<semaphore_mem>>) src(%arg9 : memref<80x32xf32, #tpu.memory_space<vmem>>) dst(%dma_wait3A_37 : memref<10240x32xf32, #tpu.memory_space<vmem_shared>>)
        tpu.yield
      }) : () -> ()
    }
    %scan3A_9 = arith.constant 125 : i32
    %barrier3A_10 = arith.constant 0 : index
    tpu.barrier barrier_id(%barrier3A_10)
    %mul3A_11 = arith.constant 640 : i32
    %mul3A_12 = arith.muli %arg1, %mul3A_11 : i32
    %mul3A_13 = arith.constant 640 : i32
    %mul3A_14 = arith.muli %arg1, %mul3A_13 : i32
    "tpu.region"() ({
      %run_scoped3A = tpu.sem_alloc : memref<!tpu.dma_semaphore, #tpu.memory_space<semaphore_mem>>
      %dma_start3A = arith.constant 0 : i32
      %dma_start3A_15 = tpu.memref_slice %arg6[%arg0, %mul3A_14, %dma_start3A] : memref<2x10240x32xf32, #tpu.memory_space<hbm>> -> memref<1x640x32xf32, #tpu.memory_space<hbm>>
      %dma_start3A_16 = tpu.memref_squeeze %dma_start3A_15 : memref<1x640x32xf32, #tpu.memory_space<hbm>> -> memref<640x32xf32, #tpu.memory_space<hbm>>
      %dma_start3A_17 = arith.constant 0 : i32
      %dma_start3A_18 = tpu.memref_slice %arg10[%mul3A_12, %dma_start3A_17] : memref<10240x32xf32, #tpu.memory_space<vmem_shared>> -> memref<640x32xf32, #tpu.memory_space<vmem_shared>>
      tpu.enqueue_dma source(%dma_start3A_18 : memref<640x32xf32, #tpu.memory_space<vmem_shared>>) target(%dma_start3A_16 : memref<640x32xf32, #tpu.memory_space<hbm>>) target_semaphore(%run_scoped3A : memref<!tpu.dma_semaphore, #tpu.memory_space<semaphore_mem>>)
      %dma_wait3A = arith.constant 0 : i32
      %dma_wait3A_19 = tpu.memref_slice %arg6[%arg0, %mul3A_14, %dma_wait3A] : memref<2x10240x32xf32, #tpu.memory_space<hbm>> -> memref<1x640x32xf32, #tpu.memory_space<hbm>>
      %dma_wait3A_20 = tpu.memref_squeeze %dma_wait3A_19 : memref<1x640x32xf32, #tpu.memory_space<hbm>> -> memref<640x32xf32, #tpu.memory_space<hbm>>
      %dma_wait3A_21 = arith.constant 0 : i32
      %dma_wait3A_22 = tpu.memref_slice %arg10[%mul3A_12, %dma_wait3A_21] : memref<10240x32xf32, #tpu.memory_space<vmem_shared>> -> memref<640x32xf32, #tpu.memory_space<vmem_shared>>
      tpu.wait_dma2 semaphore(%run_scoped3A : memref<!tpu.dma_semaphore, #tpu.memory_space<semaphore_mem>>) src(%dma_wait3A_22 : memref<640x32xf32, #tpu.memory_space<vmem_shared>>) dst(%dma_wait3A_20 : memref<640x32xf32, #tpu.memory_space<hbm>>)
      tpu.yield
    }) : () -> ()
    return
  }
}

#map = affine_map<(d0, d1) -> (0, 0, 0)>
#map1 = affine_map<(d0, d1) -> (0, 0)>
module attributes {stable_mosaic.version = 14 : i64} {
  func.func @kern(%arg0: i32, %arg1: i32, %arg2: memref<32x125x80xi32, #tpu.memory_space<hbm>>, %arg3: memref<32x125x80xi32, #tpu.memory_space<hbm>>, %arg4: memref<10240x144xf32, #tpu.memory_space<hbm>>, %arg5: memref<10240x144xf32, #tpu.memory_space<hbm>>, %arg6: memref<2x10240x144xf32, #tpu.memory_space<hbm>>, %arg7: memref<125x80xi32, #tpu.memory_space<vmem>>, %arg8: memref<125x80xi32, #tpu.memory_space<vmem>>, %arg9: memref<80x144xf32, #tpu.memory_space<vmem>>, %arg10: memref<10240x144xf32, #tpu.memory_space<vmem_shared>>, %arg11: memref<!tpu.dma_semaphore, #tpu.memory_space<semaphore_mem>>) attributes {dimension_semantics = [#tpu.dimension_semantics<core_parallel>, #tpu.dimension_semantics<subcore_parallel>], iteration_bounds = array<i64: 2, 16>, scalar_prefetch = 0 : i64, scratch_operands = 5 : i64, tpu.core_type = #tpu.core_type<sc_vector_subcore>, window_params = [{transform_indices = #map}, {transform_indices = #map}, {transform_indices = #map1}, {transform_indices = #map1}, {transform_indices = #map}]} {
    %mul3A = arith.constant 16 : i32
    %mul3A_0 = arith.muli %arg0, %mul3A : i32
    %add3A = arith.addi %mul3A_0, %arg1 : i32
    %mul3A_1 = arith.constant 640 : i32
    %mul3A_2 = arith.muli %arg1, %mul3A_1 : i32
    %mul3A_3 = arith.constant 640 : i32
    %mul3A_4 = arith.muli %arg1, %mul3A_3 : i32
    "tpu.region"() ({
      %run_scoped3A = tpu.sem_alloc : memref<!tpu.dma_semaphore, #tpu.memory_space<semaphore_mem>>
      %dma_start3A = arith.constant 0 : i32
      %dma_start3A_15 = tpu.memref_slice %arg10[%mul3A_4, %dma_start3A] : memref<10240x144xf32, #tpu.memory_space<vmem_shared>> -> memref<640x144xf32, #tpu.memory_space<vmem_shared>>
      %dma_start3A_16 = arith.constant 0 : i32
      %dma_start3A_17 = tpu.memref_slice %arg5[%mul3A_2, %dma_start3A_16] : memref<10240x144xf32, #tpu.memory_space<hbm>> -> memref<640x144xf32, #tpu.memory_space<hbm>>
      tpu.enqueue_dma source(%dma_start3A_17 : memref<640x144xf32, #tpu.memory_space<hbm>>) target(%dma_start3A_15 : memref<640x144xf32, #tpu.memory_space<vmem_shared>>) target_semaphore(%run_scoped3A : memref<!tpu.dma_semaphore, #tpu.memory_space<semaphore_mem>>)
      %dma_wait3A = arith.constant 0 : i32
      %dma_wait3A_18 = tpu.memref_slice %arg10[%mul3A_4, %dma_wait3A] : memref<10240x144xf32, #tpu.memory_space<vmem_shared>> -> memref<640x144xf32, #tpu.memory_space<vmem_shared>>
      %dma_wait3A_19 = arith.constant 0 : i32
      %dma_wait3A_20 = tpu.memref_slice %arg5[%mul3A_2, %dma_wait3A_19] : memref<10240x144xf32, #tpu.memory_space<hbm>> -> memref<640x144xf32, #tpu.memory_space<hbm>>
      tpu.wait_dma2 semaphore(%run_scoped3A : memref<!tpu.dma_semaphore, #tpu.memory_space<semaphore_mem>>) src(%dma_wait3A_20 : memref<640x144xf32, #tpu.memory_space<hbm>>) dst(%dma_wait3A_18 : memref<640x144xf32, #tpu.memory_space<vmem_shared>>)
      tpu.yield
    }) : () -> ()
    "tpu.region"() ({
      %run_scoped3A = tpu.sem_alloc : memref<!tpu.dma_semaphore, #tpu.memory_space<semaphore_mem>>
      %dma_start3A = arith.constant 0 : i32
      %dma_start3A_15 = arith.constant 0 : i32
      %dma_start3A_16 = tpu.memref_slice %arg2[%add3A, %dma_start3A, %dma_start3A_15] : memref<32x125x80xi32, #tpu.memory_space<hbm>> -> memref<1x125x80xi32, #tpu.memory_space<hbm>>
      %dma_start3A_17 = tpu.memref_squeeze %dma_start3A_16 : memref<1x125x80xi32, #tpu.memory_space<hbm>> -> memref<125x80xi32, #tpu.memory_space<hbm>>
      %dma_start3A_18 = arith.constant 0 : i32
      %dma_start3A_19 = arith.constant 0 : i32
      %dma_start3A_20 = tpu.memref_slice %arg2[%add3A, %dma_start3A_18, %dma_start3A_19] : memref<32x125x80xi32, #tpu.memory_space<hbm>> -> memref<1x125x80xi32, #tpu.memory_space<hbm>>
      %dma_start3A_21 = tpu.memref_squeeze %dma_start3A_20 : memref<1x125x80xi32, #tpu.memory_space<hbm>> -> memref<125x80xi32, #tpu.memory_space<hbm>>
      tpu.enqueue_dma source(%dma_start3A_21 : memref<125x80xi32, #tpu.memory_space<hbm>>) target(%arg7 : memref<125x80xi32, #tpu.memory_space<vmem>>) target_semaphore(%run_scoped3A : memref<!tpu.dma_semaphore, #tpu.memory_space<semaphore_mem>>)
      %dma_wait3A = arith.constant 0 : i32
      %dma_wait3A_22 = arith.constant 0 : i32
      %dma_wait3A_23 = tpu.memref_slice %arg2[%add3A, %dma_wait3A, %dma_wait3A_22] : memref<32x125x80xi32, #tpu.memory_space<hbm>> -> memref<1x125x80xi32, #tpu.memory_space<hbm>>
      %dma_wait3A_24 = tpu.memref_squeeze %dma_wait3A_23 : memref<1x125x80xi32, #tpu.memory_space<hbm>> -> memref<125x80xi32, #tpu.memory_space<hbm>>
      %dma_wait3A_25 = arith.constant 0 : i32
      %dma_wait3A_26 = arith.constant 0 : i32
      %dma_wait3A_27 = tpu.memref_slice %arg2[%add3A, %dma_wait3A_25, %dma_wait3A_26] : memref<32x125x80xi32, #tpu.memory_space<hbm>> -> memref<1x125x80xi32, #tpu.memory_space<hbm>>
      %dma_wait3A_28 = tpu.memref_squeeze %dma_wait3A_27 : memref<1x125x80xi32, #tpu.memory_space<hbm>> -> memref<125x80xi32, #tpu.memory_space<hbm>>
      tpu.wait_dma2 semaphore(%run_scoped3A : memref<!tpu.dma_semaphore, #tpu.memory_space<semaphore_mem>>) src(%dma_wait3A_28 : memref<125x80xi32, #tpu.memory_space<hbm>>) dst(%arg7 : memref<125x80xi32, #tpu.memory_space<vmem>>)
      tpu.yield
    }) : () -> ()
    "tpu.region"() ({
      %run_scoped3A = tpu.sem_alloc : memref<!tpu.dma_semaphore, #tpu.memory_space<semaphore_mem>>
      %dma_start3A = arith.constant 0 : i32
      %dma_start3A_15 = arith.constant 0 : i32
      %dma_start3A_16 = tpu.memref_slice %arg3[%add3A, %dma_start3A, %dma_start3A_15] : memref<32x125x80xi32, #tpu.memory_space<hbm>> -> memref<1x125x80xi32, #tpu.memory_space<hbm>>
      %dma_start3A_17 = tpu.memref_squeeze %dma_start3A_16 : memref<1x125x80xi32, #tpu.memory_space<hbm>> -> memref<125x80xi32, #tpu.memory_space<hbm>>
      %dma_start3A_18 = arith.constant 0 : i32
      %dma_start3A_19 = arith.constant 0 : i32
      %dma_start3A_20 = tpu.memref_slice %arg3[%add3A, %dma_start3A_18, %dma_start3A_19] : memref<32x125x80xi32, #tpu.memory_space<hbm>> -> memref<1x125x80xi32, #tpu.memory_space<hbm>>
      %dma_start3A_21 = tpu.memref_squeeze %dma_start3A_20 : memref<1x125x80xi32, #tpu.memory_space<hbm>> -> memref<125x80xi32, #tpu.memory_space<hbm>>
      tpu.enqueue_dma source(%dma_start3A_21 : memref<125x80xi32, #tpu.memory_space<hbm>>) target(%arg8 : memref<125x80xi32, #tpu.memory_space<vmem>>) target_semaphore(%run_scoped3A : memref<!tpu.dma_semaphore, #tpu.memory_space<semaphore_mem>>)
      %dma_wait3A = arith.constant 0 : i32
      %dma_wait3A_22 = arith.constant 0 : i32
      %dma_wait3A_23 = tpu.memref_slice %arg3[%add3A, %dma_wait3A, %dma_wait3A_22] : memref<32x125x80xi32, #tpu.memory_space<hbm>> -> memref<1x125x80xi32, #tpu.memory_space<hbm>>
      %dma_wait3A_24 = tpu.memref_squeeze %dma_wait3A_23 : memref<1x125x80xi32, #tpu.memory_space<hbm>> -> memref<125x80xi32, #tpu.memory_space<hbm>>
      %dma_wait3A_25 = arith.constant 0 : i32
      %dma_wait3A_26 = arith.constant 0 : i32
      %dma_wait3A_27 = tpu.memref_slice %arg3[%add3A, %dma_wait3A_25, %dma_wait3A_26] : memref<32x125x80xi32, #tpu.memory_space<hbm>> -> memref<1x125x80xi32, #tpu.memory_space<hbm>>
      %dma_wait3A_28 = tpu.memref_squeeze %dma_wait3A_27 : memref<1x125x80xi32, #tpu.memory_space<hbm>> -> memref<125x80xi32, #tpu.memory_space<hbm>>
      tpu.wait_dma2 semaphore(%run_scoped3A : memref<!tpu.dma_semaphore, #tpu.memory_space<semaphore_mem>>) src(%dma_wait3A_28 : memref<125x80xi32, #tpu.memory_space<hbm>>) dst(%arg8 : memref<125x80xi32, #tpu.memory_space<vmem>>)
      tpu.yield
    }) : () -> ()
    %barrier3A = arith.constant 0 : index
    tpu.barrier barrier_id(%barrier3A)
    %scan3A = arith.constant 0 : i32
    %scan3A_5 = arith.constant 0 : i32
    %scan3A_6 = arith.constant 125 : i32
    %scan3A_7 = arith.addi %scan3A_5, %scan3A_6 : i32
    %scan3A_8 = arith.constant 1 : i32
    scf.for %scan3A_15 = %scan3A_5 to %scan3A_7 step %scan3A_8  : i32 {
      %dma_start3A = arith.constant 0 : i32
      %dma_start3A_16 = tpu.memref_slice %arg7[%scan3A_15, %dma_start3A] : memref<125x80xi32, #tpu.memory_space<vmem>> -> memref<1x80xi32, #tpu.memory_space<vmem>>
      %dma_start3A_17 = tpu.memref_squeeze %dma_start3A_16 : memref<1x80xi32, #tpu.memory_space<vmem>> -> memref<80xi32, #tpu.memory_space<vmem>>
      %dma_start3A_18 = arith.constant 0 : i32
      %dma_start3A_19 = arith.constant 0 : i32
      %dma_start3A_20 = tpu.memref_slice %arg4[%dma_start3A_18, %dma_start3A_19] : memref<10240x144xf32, #tpu.memory_space<hbm>> -> memref<10240x144xf32, #tpu.memory_space<hbm>>
      tpu.enqueue_indirect_dma source(%dma_start3A_20 : memref<10240x144xf32, #tpu.memory_space<hbm>>) target(%arg9 : memref<80x144xf32, #tpu.memory_space<vmem>>) offsets(%dma_start3A_17 : memref<80xi32, #tpu.memory_space<vmem>>) semaphore(%arg11 : memref<!tpu.dma_semaphore, #tpu.memory_space<semaphore_mem>>)
      %dma_wait3A = arith.constant 0 : i32
      %dma_wait3A_21 = tpu.memref_slice %arg7[%scan3A_15, %dma_wait3A] : memref<125x80xi32, #tpu.memory_space<vmem>> -> memref<1x80xi32, #tpu.memory_space<vmem>>
      %dma_wait3A_22 = tpu.memref_squeeze %dma_wait3A_21 : memref<1x80xi32, #tpu.memory_space<vmem>> -> memref<80xi32, #tpu.memory_space<vmem>>
      %dma_wait3A_23 = arith.constant 0 : i32
      %dma_wait3A_24 = arith.constant 0 : i32
      %dma_wait3A_25 = tpu.memref_slice %arg4[%dma_wait3A_23, %dma_wait3A_24] : memref<10240x144xf32, #tpu.memory_space<hbm>> -> memref<10240x144xf32, #tpu.memory_space<hbm>>
      tpu.wait_indirect_dma semaphore(%arg11 : memref<!tpu.dma_semaphore, #tpu.memory_space<semaphore_mem>>) src(%dma_wait3A_25 : memref<10240x144xf32, #tpu.memory_space<hbm>>) dst(%arg9 : memref<80x144xf32, #tpu.memory_space<vmem>>)
      "tpu.region"() ({
        %run_scoped3A = tpu.sem_alloc : memref<!tpu.dma_semaphore, #tpu.memory_space<semaphore_mem>>
        %dma_start3A_26 = arith.constant 0 : i32
        %dma_start3A_27 = tpu.memref_slice %arg8[%scan3A_15, %dma_start3A_26] : memref<125x80xi32, #tpu.memory_space<vmem>> -> memref<1x80xi32, #tpu.memory_space<vmem>>
        %dma_start3A_28 = tpu.memref_squeeze %dma_start3A_27 : memref<1x80xi32, #tpu.memory_space<vmem>> -> memref<80xi32, #tpu.memory_space<vmem>>
        %dma_start3A_29 = arith.constant 0 : i32
        %dma_start3A_30 = arith.constant 0 : i32
        %dma_start3A_31 = tpu.memref_slice %arg10[%dma_start3A_29, %dma_start3A_30] : memref<10240x144xf32, #tpu.memory_space<vmem_shared>> -> memref<10240x144xf32, #tpu.memory_space<vmem_shared>>
        tpu.enqueue_indirect_dma source(%arg9 : memref<80x144xf32, #tpu.memory_space<vmem>>) target(%dma_start3A_31 : memref<10240x144xf32, #tpu.memory_space<vmem_shared>>) offsets(%dma_start3A_28 : memref<80xi32, #tpu.memory_space<vmem>>) semaphore(%run_scoped3A : memref<!tpu.dma_semaphore, #tpu.memory_space<semaphore_mem>>) {add = true}
        %dma_wait3A_32 = arith.constant 0 : i32
        %dma_wait3A_33 = tpu.memref_slice %arg8[%scan3A_15, %dma_wait3A_32] : memref<125x80xi32, #tpu.memory_space<vmem>> -> memref<1x80xi32, #tpu.memory_space<vmem>>
        %dma_wait3A_34 = tpu.memref_squeeze %dma_wait3A_33 : memref<1x80xi32, #tpu.memory_space<vmem>> -> memref<80xi32, #tpu.memory_space<vmem>>
        %dma_wait3A_35 = arith.constant 0 : i32
        %dma_wait3A_36 = arith.constant 0 : i32
        %dma_wait3A_37 = tpu.memref_slice %arg10[%dma_wait3A_35, %dma_wait3A_36] : memref<10240x144xf32, #tpu.memory_space<vmem_shared>> -> memref<10240x144xf32, #tpu.memory_space<vmem_shared>>
        tpu.wait_indirect_dma semaphore(%run_scoped3A : memref<!tpu.dma_semaphore, #tpu.memory_space<semaphore_mem>>) src(%arg9 : memref<80x144xf32, #tpu.memory_space<vmem>>) dst(%dma_wait3A_37 : memref<10240x144xf32, #tpu.memory_space<vmem_shared>>)
        tpu.yield
      }) : () -> ()
    }
    %scan3A_9 = arith.constant 125 : i32
    %barrier3A_10 = arith.constant 0 : index
    tpu.barrier barrier_id(%barrier3A_10)
    %mul3A_11 = arith.constant 640 : i32
    %mul3A_12 = arith.muli %arg1, %mul3A_11 : i32
    %mul3A_13 = arith.constant 640 : i32
    %mul3A_14 = arith.muli %arg1, %mul3A_13 : i32
    "tpu.region"() ({
      %run_scoped3A = tpu.sem_alloc : memref<!tpu.dma_semaphore, #tpu.memory_space<semaphore_mem>>
      %dma_start3A = arith.constant 0 : i32
      %dma_start3A_15 = tpu.memref_slice %arg6[%arg0, %mul3A_14, %dma_start3A] : memref<2x10240x144xf32, #tpu.memory_space<hbm>> -> memref<1x640x144xf32, #tpu.memory_space<hbm>>
      %dma_start3A_16 = tpu.memref_squeeze %dma_start3A_15 : memref<1x640x144xf32, #tpu.memory_space<hbm>> -> memref<640x144xf32, #tpu.memory_space<hbm>>
      %dma_start3A_17 = arith.constant 0 : i32
      %dma_start3A_18 = tpu.memref_slice %arg10[%mul3A_12, %dma_start3A_17] : memref<10240x144xf32, #tpu.memory_space<vmem_shared>> -> memref<640x144xf32, #tpu.memory_space<vmem_shared>>
      tpu.enqueue_dma source(%dma_start3A_18 : memref<640x144xf32, #tpu.memory_space<vmem_shared>>) target(%dma_start3A_16 : memref<640x144xf32, #tpu.memory_space<hbm>>) target_semaphore(%run_scoped3A : memref<!tpu.dma_semaphore, #tpu.memory_space<semaphore_mem>>)
      %dma_wait3A = arith.constant 0 : i32
      %dma_wait3A_19 = tpu.memref_slice %arg6[%arg0, %mul3A_14, %dma_wait3A] : memref<2x10240x144xf32, #tpu.memory_space<hbm>> -> memref<1x640x144xf32, #tpu.memory_space<hbm>>
      %dma_wait3A_20 = tpu.memref_squeeze %dma_wait3A_19 : memref<1x640x144xf32, #tpu.memory_space<hbm>> -> memref<640x144xf32, #tpu.memory_space<hbm>>
      %dma_wait3A_21 = arith.constant 0 : i32
      %dma_wait3A_22 = tpu.memref_slice %arg10[%mul3A_12, %dma_wait3A_21] : memref<10240x144xf32, #tpu.memory_space<vmem_shared>> -> memref<640x144xf32, #tpu.memory_space<vmem_shared>>
      tpu.wait_dma2 semaphore(%run_scoped3A : memref<!tpu.dma_semaphore, #tpu.memory_space<semaphore_mem>>) src(%dma_wait3A_22 : memref<640x144xf32, #tpu.memory_space<vmem_shared>>) dst(%dma_wait3A_20 : memref<640x144xf32, #tpu.memory_space<hbm>>)
      tpu.yield
    }) : () -> ()
    return
  }
}

#map = affine_map<(d0, d1) -> (0, 0, 0)>
#map1 = affine_map<(d0, d1) -> (0, 0)>
module attributes {stable_mosaic.version = 14 : i64} {
  func.func @kern(%arg0: i32, %arg1: i32, %arg2: memref<32x4x80xi32, #tpu.memory_space<hbm>>, %arg3: memref<10240x32xf32, #tpu.memory_space<hbm>>, %arg4: memref<3968x32xf32, #tpu.memory_space<hbm>>, %arg5: memref<2x3968x32xf32, #tpu.memory_space<hbm>>, %arg6: memref<4x80xi32, #tpu.memory_space<vmem>>, %arg7: memref<320x32xf32, #tpu.memory_space<vmem>>, %arg8: memref<3968x32xf32, #tpu.memory_space<vmem_shared>>) attributes {dimension_semantics = [#tpu.dimension_semantics<core_parallel>, #tpu.dimension_semantics<subcore_parallel>], iteration_bounds = array<i64: 2, 16>, scalar_prefetch = 0 : i64, scratch_operands = 3 : i64, tpu.core_type = #tpu.core_type<sc_vector_subcore>, window_params = [{transform_indices = #map}, {transform_indices = #map1}, {transform_indices = #map1}, {transform_indices = #map}]} {
    %mul3A = arith.constant 16 : i32
    %mul3A_0 = arith.muli %arg0, %mul3A : i32
    %add3A = arith.addi %mul3A_0, %arg1 : i32
    %mul3A_1 = arith.constant 248 : i32
    %mul3A_2 = arith.muli %arg1, %mul3A_1 : i32
    %mul3A_3 = arith.constant 248 : i32
    %mul3A_4 = arith.muli %arg1, %mul3A_3 : i32
    "tpu.region"() ({
      %run_scoped3A_15 = tpu.sem_alloc : memref<!tpu.dma_semaphore, #tpu.memory_space<semaphore_mem>>
      %dma_start3A = arith.constant 0 : i32
      %dma_start3A_16 = tpu.memref_slice %arg8[%mul3A_4, %dma_start3A] : memref<3968x32xf32, #tpu.memory_space<vmem_shared>> -> memref<248x32xf32, #tpu.memory_space<vmem_shared>>
      %dma_start3A_17 = arith.constant 0 : i32
      %dma_start3A_18 = tpu.memref_slice %arg4[%mul3A_2, %dma_start3A_17] : memref<3968x32xf32, #tpu.memory_space<hbm>> -> memref<248x32xf32, #tpu.memory_space<hbm>>
      tpu.enqueue_dma source(%dma_start3A_18 : memref<248x32xf32, #tpu.memory_space<hbm>>) target(%dma_start3A_16 : memref<248x32xf32, #tpu.memory_space<vmem_shared>>) target_semaphore(%run_scoped3A_15 : memref<!tpu.dma_semaphore, #tpu.memory_space<semaphore_mem>>)
      %dma_wait3A = arith.constant 0 : i32
      %dma_wait3A_19 = tpu.memref_slice %arg8[%mul3A_4, %dma_wait3A] : memref<3968x32xf32, #tpu.memory_space<vmem_shared>> -> memref<248x32xf32, #tpu.memory_space<vmem_shared>>
      %dma_wait3A_20 = arith.constant 0 : i32
      %dma_wait3A_21 = tpu.memref_slice %arg4[%mul3A_2, %dma_wait3A_20] : memref<3968x32xf32, #tpu.memory_space<hbm>> -> memref<248x32xf32, #tpu.memory_space<hbm>>
      tpu.wait_dma2 semaphore(%run_scoped3A_15 : memref<!tpu.dma_semaphore, #tpu.memory_space<semaphore_mem>>) src(%dma_wait3A_21 : memref<248x32xf32, #tpu.memory_space<hbm>>) dst(%dma_wait3A_19 : memref<248x32xf32, #tpu.memory_space<vmem_shared>>)
      tpu.yield
    }) : () -> ()
    "tpu.region"() ({
      %run_scoped3A_15 = tpu.sem_alloc : memref<!tpu.dma_semaphore, #tpu.memory_space<semaphore_mem>>
      %dma_start3A = arith.constant 0 : i32
      %dma_start3A_16 = arith.constant 0 : i32
      %dma_start3A_17 = tpu.memref_slice %arg2[%add3A, %dma_start3A, %dma_start3A_16] : memref<32x4x80xi32, #tpu.memory_space<hbm>> -> memref<1x4x80xi32, #tpu.memory_space<hbm>>
      %dma_start3A_18 = tpu.memref_squeeze %dma_start3A_17 : memref<1x4x80xi32, #tpu.memory_space<hbm>> -> memref<4x80xi32, #tpu.memory_space<hbm>>
      %dma_start3A_19 = arith.constant 0 : i32
      %dma_start3A_20 = arith.constant 0 : i32
      %dma_start3A_21 = tpu.memref_slice %arg2[%add3A, %dma_start3A_19, %dma_start3A_20] : memref<32x4x80xi32, #tpu.memory_space<hbm>> -> memref<1x4x80xi32, #tpu.memory_space<hbm>>
      %dma_start3A_22 = tpu.memref_squeeze %dma_start3A_21 : memref<1x4x80xi32, #tpu.memory_space<hbm>> -> memref<4x80xi32, #tpu.memory_space<hbm>>
      tpu.enqueue_dma source(%dma_start3A_22 : memref<4x80xi32, #tpu.memory_space<hbm>>) target(%arg6 : memref<4x80xi32, #tpu.memory_space<vmem>>) target_semaphore(%run_scoped3A_15 : memref<!tpu.dma_semaphore, #tpu.memory_space<semaphore_mem>>)
      %dma_wait3A = arith.constant 0 : i32
      %dma_wait3A_23 = arith.constant 0 : i32
      %dma_wait3A_24 = tpu.memref_slice %arg2[%add3A, %dma_wait3A, %dma_wait3A_23] : memref<32x4x80xi32, #tpu.memory_space<hbm>> -> memref<1x4x80xi32, #tpu.memory_space<hbm>>
      %dma_wait3A_25 = tpu.memref_squeeze %dma_wait3A_24 : memref<1x4x80xi32, #tpu.memory_space<hbm>> -> memref<4x80xi32, #tpu.memory_space<hbm>>
      %dma_wait3A_26 = arith.constant 0 : i32
      %dma_wait3A_27 = arith.constant 0 : i32
      %dma_wait3A_28 = tpu.memref_slice %arg2[%add3A, %dma_wait3A_26, %dma_wait3A_27] : memref<32x4x80xi32, #tpu.memory_space<hbm>> -> memref<1x4x80xi32, #tpu.memory_space<hbm>>
      %dma_wait3A_29 = tpu.memref_squeeze %dma_wait3A_28 : memref<1x4x80xi32, #tpu.memory_space<hbm>> -> memref<4x80xi32, #tpu.memory_space<hbm>>
      tpu.wait_dma2 semaphore(%run_scoped3A_15 : memref<!tpu.dma_semaphore, #tpu.memory_space<semaphore_mem>>) src(%dma_wait3A_29 : memref<4x80xi32, #tpu.memory_space<hbm>>) dst(%arg6 : memref<4x80xi32, #tpu.memory_space<vmem>>)
      tpu.yield
    }) : () -> ()
    %mul3A_5 = arith.constant 320 : i32
    %mul3A_6 = arith.muli %add3A, %mul3A_5 : i32
    "tpu.region"() ({
      %run_scoped3A_15 = tpu.sem_alloc : memref<!tpu.dma_semaphore, #tpu.memory_space<semaphore_mem>>
      %dma_start3A = arith.constant 0 : i32
      %dma_start3A_16 = tpu.memref_slice %arg3[%mul3A_6, %dma_start3A] : memref<10240x32xf32, #tpu.memory_space<hbm>> -> memref<320x32xf32, #tpu.memory_space<hbm>>
      %dma_start3A_17 = arith.constant 0 : i32
      %dma_start3A_18 = tpu.memref_slice %arg3[%mul3A_6, %dma_start3A_17] : memref<10240x32xf32, #tpu.memory_space<hbm>> -> memref<320x32xf32, #tpu.memory_space<hbm>>
      tpu.enqueue_dma source(%dma_start3A_18 : memref<320x32xf32, #tpu.memory_space<hbm>>) target(%arg7 : memref<320x32xf32, #tpu.memory_space<vmem>>) target_semaphore(%run_scoped3A_15 : memref<!tpu.dma_semaphore, #tpu.memory_space<semaphore_mem>>)
      %dma_wait3A = arith.constant 0 : i32
      %dma_wait3A_19 = tpu.memref_slice %arg3[%mul3A_6, %dma_wait3A] : memref<10240x32xf32, #tpu.memory_space<hbm>> -> memref<320x32xf32, #tpu.memory_space<hbm>>
      %dma_wait3A_20 = arith.constant 0 : i32
      %dma_wait3A_21 = tpu.memref_slice %arg3[%mul3A_6, %dma_wait3A_20] : memref<10240x32xf32, #tpu.memory_space<hbm>> -> memref<320x32xf32, #tpu.memory_space<hbm>>
      tpu.wait_dma2 semaphore(%run_scoped3A_15 : memref<!tpu.dma_semaphore, #tpu.memory_space<semaphore_mem>>) src(%dma_wait3A_21 : memref<320x32xf32, #tpu.memory_space<hbm>>) dst(%arg7 : memref<320x32xf32, #tpu.memory_space<vmem>>)
      tpu.yield
    }) : () -> ()
    %barrier3A = arith.constant 0 : index
    tpu.barrier barrier_id(%barrier3A)
    %run_scoped3A = arith.constant 0 : i32
    "tpu.region"() ({
      %run_scoped3A_15 = tpu.sem_alloc : memref<!tpu.dma_semaphore, #tpu.memory_space<semaphore_mem>>
      %dma_start3A = arith.constant 0 : i32
      %dma_start3A_16 = arith.constant 0 : i32
      %dma_start3A_17 = tpu.memref_slice %arg7[%dma_start3A, %dma_start3A_16] : memref<320x32xf32, #tpu.memory_space<vmem>> -> memref<80x32xf32, #tpu.memory_space<vmem>>
      %dma_start3A_18 = arith.constant 0 : i32
      %dma_start3A_19 = tpu.memref_slice %arg6[%run_scoped3A, %dma_start3A_18] : memref<4x80xi32, #tpu.memory_space<vmem>> -> memref<1x80xi32, #tpu.memory_space<vmem>>
      %dma_start3A_20 = tpu.memref_squeeze %dma_start3A_19 : memref<1x80xi32, #tpu.memory_space<vmem>> -> memref<80xi32, #tpu.memory_space<vmem>>
      %dma_start3A_21 = arith.constant 0 : i32
      %dma_start3A_22 = arith.constant 0 : i32
      %dma_start3A_23 = tpu.memref_slice %arg8[%dma_start3A_21, %dma_start3A_22] : memref<3968x32xf32, #tpu.memory_space<vmem_shared>> -> memref<3968x32xf32, #tpu.memory_space<vmem_shared>>
      tpu.enqueue_indirect_dma source(%dma_start3A_17 : memref<80x32xf32, #tpu.memory_space<vmem>>) target(%dma_start3A_23 : memref<3968x32xf32, #tpu.memory_space<vmem_shared>>) offsets(%dma_start3A_20 : memref<80xi32, #tpu.memory_space<vmem>>) semaphore(%run_scoped3A_15 : memref<!tpu.dma_semaphore, #tpu.memory_space<semaphore_mem>>) {add = true}
      %dma_wait3A = arith.constant 0 : i32
      %dma_wait3A_24 = arith.constant 0 : i32
      %dma_wait3A_25 = tpu.memref_slice %arg7[%dma_wait3A, %dma_wait3A_24] : memref<320x32xf32, #tpu.memory_space<vmem>> -> memref<80x32xf32, #tpu.memory_space<vmem>>
      %dma_wait3A_26 = arith.constant 0 : i32
      %dma_wait3A_27 = tpu.memref_slice %arg6[%run_scoped3A, %dma_wait3A_26] : memref<4x80xi32, #tpu.memory_space<vmem>> -> memref<1x80xi32, #tpu.memory_space<vmem>>
      %dma_wait3A_28 = tpu.memref_squeeze %dma_wait3A_27 : memref<1x80xi32, #tpu.memory_space<vmem>> -> memref<80xi32, #tpu.memory_space<vmem>>
      %dma_wait3A_29 = arith.constant 0 : i32
      %dma_wait3A_30 = arith.constant 0 : i32
      %dma_wait3A_31 = tpu.memref_slice %arg8[%dma_wait3A_29, %dma_wait3A_30] : memref<3968x32xf32, #tpu.memory_space<vmem_shared>> -> memref<3968x32xf32, #tpu.memory_space<vmem_shared>>
      tpu.wait_indirect_dma semaphore(%run_scoped3A_15 : memref<!tpu.dma_semaphore, #tpu.memory_space<semaphore_mem>>) src(%dma_wait3A_25 : memref<80x32xf32, #tpu.memory_space<vmem>>) dst(%dma_wait3A_31 : memref<3968x32xf32, #tpu.memory_space<vmem_shared>>)
      tpu.yield
    }) : () -> ()
    %run_scoped3A_7 = arith.constant 1 : i32
    "tpu.region"() ({
      %run_scoped3A_15 = tpu.sem_alloc : memref<!tpu.dma_semaphore, #tpu.memory_space<semaphore_mem>>
      %dma_start3A = arith.constant 80 : i32
      %dma_start3A_16 = arith.constant 0 : i32
      %dma_start3A_17 = tpu.memref_slice %arg7[%dma_start3A, %dma_start3A_16] : memref<320x32xf32, #tpu.memory_space<vmem>> -> memref<80x32xf32, #tpu.memory_space<vmem>>
      %dma_start3A_18 = arith.constant 0 : i32
      %dma_start3A_19 = tpu.memref_slice %arg6[%run_scoped3A_7, %dma_start3A_18] : memref<4x80xi32, #tpu.memory_space<vmem>> -> memref<1x80xi32, #tpu.memory_space<vmem>>
      %dma_start3A_20 = tpu.memref_squeeze %dma_start3A_19 : memref<1x80xi32, #tpu.memory_space<vmem>> -> memref<80xi32, #tpu.memory_space<vmem>>
      %dma_start3A_21 = arith.constant 0 : i32
      %dma_start3A_22 = arith.constant 0 : i32
      %dma_start3A_23 = tpu.memref_slice %arg8[%dma_start3A_21, %dma_start3A_22] : memref<3968x32xf32, #tpu.memory_space<vmem_shared>> -> memref<3968x32xf32, #tpu.memory_space<vmem_shared>>
      tpu.enqueue_indirect_dma source(%dma_start3A_17 : memref<80x32xf32, #tpu.memory_space<vmem>>) target(%dma_start3A_23 : memref<3968x32xf32, #tpu.memory_space<vmem_shared>>) offsets(%dma_start3A_20 : memref<80xi32, #tpu.memory_space<vmem>>) semaphore(%run_scoped3A_15 : memref<!tpu.dma_semaphore, #tpu.memory_space<semaphore_mem>>) {add = true}
      %dma_wait3A = arith.constant 80 : i32
      %dma_wait3A_24 = arith.constant 0 : i32
      %dma_wait3A_25 = tpu.memref_slice %arg7[%dma_wait3A, %dma_wait3A_24] : memref<320x32xf32, #tpu.memory_space<vmem>> -> memref<80x32xf32, #tpu.memory_space<vmem>>
      %dma_wait3A_26 = arith.constant 0 : i32
      %dma_wait3A_27 = tpu.memref_slice %arg6[%run_scoped3A_7, %dma_wait3A_26] : memref<4x80xi32, #tpu.memory_space<vmem>> -> memref<1x80xi32, #tpu.memory_space<vmem>>
      %dma_wait3A_28 = tpu.memref_squeeze %dma_wait3A_27 : memref<1x80xi32, #tpu.memory_space<vmem>> -> memref<80xi32, #tpu.memory_space<vmem>>
      %dma_wait3A_29 = arith.constant 0 : i32
      %dma_wait3A_30 = arith.constant 0 : i32
      %dma_wait3A_31 = tpu.memref_slice %arg8[%dma_wait3A_29, %dma_wait3A_30] : memref<3968x32xf32, #tpu.memory_space<vmem_shared>> -> memref<3968x32xf32, #tpu.memory_space<vmem_shared>>
      tpu.wait_indirect_dma semaphore(%run_scoped3A_15 : memref<!tpu.dma_semaphore, #tpu.memory_space<semaphore_mem>>) src(%dma_wait3A_25 : memref<80x32xf32, #tpu.memory_space<vmem>>) dst(%dma_wait3A_31 : memref<3968x32xf32, #tpu.memory_space<vmem_shared>>)
      tpu.yield
    }) : () -> ()
    %run_scoped3A_8 = arith.constant 2 : i32
    "tpu.region"() ({
      %run_scoped3A_15 = tpu.sem_alloc : memref<!tpu.dma_semaphore, #tpu.memory_space<semaphore_mem>>
      %dma_start3A = arith.constant 160 : i32
      %dma_start3A_16 = arith.constant 0 : i32
      %dma_start3A_17 = tpu.memref_slice %arg7[%dma_start3A, %dma_start3A_16] : memref<320x32xf32, #tpu.memory_space<vmem>> -> memref<80x32xf32, #tpu.memory_space<vmem>>
      %dma_start3A_18 = arith.constant 0 : i32
      %dma_start3A_19 = tpu.memref_slice %arg6[%run_scoped3A_8, %dma_start3A_18] : memref<4x80xi32, #tpu.memory_space<vmem>> -> memref<1x80xi32, #tpu.memory_space<vmem>>
      %dma_start3A_20 = tpu.memref_squeeze %dma_start3A_19 : memref<1x80xi32, #tpu.memory_space<vmem>> -> memref<80xi32, #tpu.memory_space<vmem>>
      %dma_start3A_21 = arith.constant 0 : i32
      %dma_start3A_22 = arith.constant 0 : i32
      %dma_start3A_23 = tpu.memref_slice %arg8[%dma_start3A_21, %dma_start3A_22] : memref<3968x32xf32, #tpu.memory_space<vmem_shared>> -> memref<3968x32xf32, #tpu.memory_space<vmem_shared>>
      tpu.enqueue_indirect_dma source(%dma_start3A_17 : memref<80x32xf32, #tpu.memory_space<vmem>>) target(%dma_start3A_23 : memref<3968x32xf32, #tpu.memory_space<vmem_shared>>) offsets(%dma_start3A_20 : memref<80xi32, #tpu.memory_space<vmem>>) semaphore(%run_scoped3A_15 : memref<!tpu.dma_semaphore, #tpu.memory_space<semaphore_mem>>) {add = true}
      %dma_wait3A = arith.constant 160 : i32
      %dma_wait3A_24 = arith.constant 0 : i32
      %dma_wait3A_25 = tpu.memref_slice %arg7[%dma_wait3A, %dma_wait3A_24] : memref<320x32xf32, #tpu.memory_space<vmem>> -> memref<80x32xf32, #tpu.memory_space<vmem>>
      %dma_wait3A_26 = arith.constant 0 : i32
      %dma_wait3A_27 = tpu.memref_slice %arg6[%run_scoped3A_8, %dma_wait3A_26] : memref<4x80xi32, #tpu.memory_space<vmem>> -> memref<1x80xi32, #tpu.memory_space<vmem>>
      %dma_wait3A_28 = tpu.memref_squeeze %dma_wait3A_27 : memref<1x80xi32, #tpu.memory_space<vmem>> -> memref<80xi32, #tpu.memory_space<vmem>>
      %dma_wait3A_29 = arith.constant 0 : i32
      %dma_wait3A_30 = arith.constant 0 : i32
      %dma_wait3A_31 = tpu.memref_slice %arg8[%dma_wait3A_29, %dma_wait3A_30] : memref<3968x32xf32, #tpu.memory_space<vmem_shared>> -> memref<3968x32xf32, #tpu.memory_space<vmem_shared>>
      tpu.wait_indirect_dma semaphore(%run_scoped3A_15 : memref<!tpu.dma_semaphore, #tpu.memory_space<semaphore_mem>>) src(%dma_wait3A_25 : memref<80x32xf32, #tpu.memory_space<vmem>>) dst(%dma_wait3A_31 : memref<3968x32xf32, #tpu.memory_space<vmem_shared>>)
      tpu.yield
    }) : () -> ()
    %run_scoped3A_9 = arith.constant 3 : i32
    "tpu.region"() ({
      %run_scoped3A_15 = tpu.sem_alloc : memref<!tpu.dma_semaphore, #tpu.memory_space<semaphore_mem>>
      %dma_start3A = arith.constant 240 : i32
      %dma_start3A_16 = arith.constant 0 : i32
      %dma_start3A_17 = tpu.memref_slice %arg7[%dma_start3A, %dma_start3A_16] : memref<320x32xf32, #tpu.memory_space<vmem>> -> memref<80x32xf32, #tpu.memory_space<vmem>>
      %dma_start3A_18 = arith.constant 0 : i32
      %dma_start3A_19 = tpu.memref_slice %arg6[%run_scoped3A_9, %dma_start3A_18] : memref<4x80xi32, #tpu.memory_space<vmem>> -> memref<1x80xi32, #tpu.memory_space<vmem>>
      %dma_start3A_20 = tpu.memref_squeeze %dma_start3A_19 : memref<1x80xi32, #tpu.memory_space<vmem>> -> memref<80xi32, #tpu.memory_space<vmem>>
      %dma_start3A_21 = arith.constant 0 : i32
      %dma_start3A_22 = arith.constant 0 : i32
      %dma_start3A_23 = tpu.memref_slice %arg8[%dma_start3A_21, %dma_start3A_22] : memref<3968x32xf32, #tpu.memory_space<vmem_shared>> -> memref<3968x32xf32, #tpu.memory_space<vmem_shared>>
      tpu.enqueue_indirect_dma source(%dma_start3A_17 : memref<80x32xf32, #tpu.memory_space<vmem>>) target(%dma_start3A_23 : memref<3968x32xf32, #tpu.memory_space<vmem_shared>>) offsets(%dma_start3A_20 : memref<80xi32, #tpu.memory_space<vmem>>) semaphore(%run_scoped3A_15 : memref<!tpu.dma_semaphore, #tpu.memory_space<semaphore_mem>>) {add = true}
      %dma_wait3A = arith.constant 240 : i32
      %dma_wait3A_24 = arith.constant 0 : i32
      %dma_wait3A_25 = tpu.memref_slice %arg7[%dma_wait3A, %dma_wait3A_24] : memref<320x32xf32, #tpu.memory_space<vmem>> -> memref<80x32xf32, #tpu.memory_space<vmem>>
      %dma_wait3A_26 = arith.constant 0 : i32
      %dma_wait3A_27 = tpu.memref_slice %arg6[%run_scoped3A_9, %dma_wait3A_26] : memref<4x80xi32, #tpu.memory_space<vmem>> -> memref<1x80xi32, #tpu.memory_space<vmem>>
      %dma_wait3A_28 = tpu.memref_squeeze %dma_wait3A_27 : memref<1x80xi32, #tpu.memory_space<vmem>> -> memref<80xi32, #tpu.memory_space<vmem>>
      %dma_wait3A_29 = arith.constant 0 : i32
      %dma_wait3A_30 = arith.constant 0 : i32
      %dma_wait3A_31 = tpu.memref_slice %arg8[%dma_wait3A_29, %dma_wait3A_30] : memref<3968x32xf32, #tpu.memory_space<vmem_shared>> -> memref<3968x32xf32, #tpu.memory_space<vmem_shared>>
      tpu.wait_indirect_dma semaphore(%run_scoped3A_15 : memref<!tpu.dma_semaphore, #tpu.memory_space<semaphore_mem>>) src(%dma_wait3A_25 : memref<80x32xf32, #tpu.memory_space<vmem>>) dst(%dma_wait3A_31 : memref<3968x32xf32, #tpu.memory_space<vmem_shared>>)
      tpu.yield
    }) : () -> ()
    %barrier3A_10 = arith.constant 0 : index
    tpu.barrier barrier_id(%barrier3A_10)
    %mul3A_11 = arith.constant 248 : i32
    %mul3A_12 = arith.muli %arg1, %mul3A_11 : i32
    %mul3A_13 = arith.constant 248 : i32
    %mul3A_14 = arith.muli %arg1, %mul3A_13 : i32
    "tpu.region"() ({
      %run_scoped3A_15 = tpu.sem_alloc : memref<!tpu.dma_semaphore, #tpu.memory_space<semaphore_mem>>
      %dma_start3A = arith.constant 0 : i32
      %dma_start3A_16 = tpu.memref_slice %arg5[%arg0, %mul3A_14, %dma_start3A] : memref<2x3968x32xf32, #tpu.memory_space<hbm>> -> memref<1x248x32xf32, #tpu.memory_space<hbm>>
      %dma_start3A_17 = tpu.memref_squeeze %dma_start3A_16 : memref<1x248x32xf32, #tpu.memory_space<hbm>> -> memref<248x32xf32, #tpu.memory_space<hbm>>
      %dma_start3A_18 = arith.constant 0 : i32
      %dma_start3A_19 = tpu.memref_slice %arg8[%mul3A_12, %dma_start3A_18] : memref<3968x32xf32, #tpu.memory_space<vmem_shared>> -> memref<248x32xf32, #tpu.memory_space<vmem_shared>>
      tpu.enqueue_dma source(%dma_start3A_19 : memref<248x32xf32, #tpu.memory_space<vmem_shared>>) target(%dma_start3A_17 : memref<248x32xf32, #tpu.memory_space<hbm>>) target_semaphore(%run_scoped3A_15 : memref<!tpu.dma_semaphore, #tpu.memory_space<semaphore_mem>>)
      %dma_wait3A = arith.constant 0 : i32
      %dma_wait3A_20 = tpu.memref_slice %arg5[%arg0, %mul3A_14, %dma_wait3A] : memref<2x3968x32xf32, #tpu.memory_space<hbm>> -> memref<1x248x32xf32, #tpu.memory_space<hbm>>
      %dma_wait3A_21 = tpu.memref_squeeze %dma_wait3A_20 : memref<1x248x32xf32, #tpu.memory_space<hbm>> -> memref<248x32xf32, #tpu.memory_space<hbm>>
      %dma_wait3A_22 = arith.constant 0 : i32
      %dma_wait3A_23 = tpu.memref_slice %arg8[%mul3A_12, %dma_wait3A_22] : memref<3968x32xf32, #tpu.memory_space<vmem_shared>> -> memref<248x32xf32, #tpu.memory_space<vmem_shared>>
      tpu.wait_dma2 semaphore(%run_scoped3A_15 : memref<!tpu.dma_semaphore, #tpu.memory_space<semaphore_mem>>) src(%dma_wait3A_23 : memref<248x32xf32, #tpu.memory_space<vmem_shared>>) dst(%dma_wait3A_21 : memref<248x32xf32, #tpu.memory_space<hbm>>)
      tpu.yield
    }) : () -> ()
    return
  }
}

#map = affine_map<(d0, d1) -> (0, 0, 0)>
#map1 = affine_map<(d0, d1) -> (0, 0)>
module attributes {stable_mosaic.version = 14 : i64} {
  func.func @kern(%arg0: i32, %arg1: i32, %arg2: memref<32x125x80xi32, #tpu.memory_space<hbm>>, %arg3: memref<32x125x80xi32, #tpu.memory_space<hbm>>, %arg4: memref<10240x32xf32, #tpu.memory_space<hbm>>, %arg5: memref<10240x32xf32, #tpu.memory_space<hbm>>, %arg6: memref<2x10240x32xf32, #tpu.memory_space<hbm>>, %arg7: memref<125x80xi32, #tpu.memory_space<vmem>>, %arg8: memref<125x80xi32, #tpu.memory_space<vmem>>, %arg9: memref<80x32xf32, #tpu.memory_space<vmem>>, %arg10: memref<10240x32xf32, #tpu.memory_space<vmem_shared>>, %arg11: memref<!tpu.dma_semaphore, #tpu.memory_space<semaphore_mem>>) attributes {dimension_semantics = [#tpu.dimension_semantics<core_parallel>, #tpu.dimension_semantics<subcore_parallel>], iteration_bounds = array<i64: 2, 16>, scalar_prefetch = 0 : i64, scratch_operands = 5 : i64, tpu.core_type = #tpu.core_type<sc_vector_subcore>, window_params = [{transform_indices = #map}, {transform_indices = #map}, {transform_indices = #map1}, {transform_indices = #map1}, {transform_indices = #map}]} {
    %mul3A = arith.constant 16 : i32
    %mul3A_0 = arith.muli %arg0, %mul3A : i32
    %add3A = arith.addi %mul3A_0, %arg1 : i32
    %mul3A_1 = arith.constant 640 : i32
    %mul3A_2 = arith.muli %arg1, %mul3A_1 : i32
    %mul3A_3 = arith.constant 640 : i32
    %mul3A_4 = arith.muli %arg1, %mul3A_3 : i32
    "tpu.region"() ({
      %run_scoped3A = tpu.sem_alloc : memref<!tpu.dma_semaphore, #tpu.memory_space<semaphore_mem>>
      %dma_start3A = arith.constant 0 : i32
      %dma_start3A_15 = tpu.memref_slice %arg10[%mul3A_4, %dma_start3A] : memref<10240x32xf32, #tpu.memory_space<vmem_shared>> -> memref<640x32xf32, #tpu.memory_space<vmem_shared>>
      %dma_start3A_16 = arith.constant 0 : i32
      %dma_start3A_17 = tpu.memref_slice %arg5[%mul3A_2, %dma_start3A_16] : memref<10240x32xf32, #tpu.memory_space<hbm>> -> memref<640x32xf32, #tpu.memory_space<hbm>>
      tpu.enqueue_dma source(%dma_start3A_17 : memref<640x32xf32, #tpu.memory_space<hbm>>) target(%dma_start3A_15 : memref<640x32xf32, #tpu.memory_space<vmem_shared>>) target_semaphore(%run_scoped3A : memref<!tpu.dma_semaphore, #tpu.memory_space<semaphore_mem>>)
      %dma_wait3A = arith.constant 0 : i32
      %dma_wait3A_18 = tpu.memref_slice %arg10[%mul3A_4, %dma_wait3A] : memref<10240x32xf32, #tpu.memory_space<vmem_shared>> -> memref<640x32xf32, #tpu.memory_space<vmem_shared>>
      %dma_wait3A_19 = arith.constant 0 : i32
      %dma_wait3A_20 = tpu.memref_slice %arg5[%mul3A_2, %dma_wait3A_19] : memref<10240x32xf32, #tpu.memory_space<hbm>> -> memref<640x32xf32, #tpu.memory_space<hbm>>
      tpu.wait_dma2 semaphore(%run_scoped3A : memref<!tpu.dma_semaphore, #tpu.memory_space<semaphore_mem>>) src(%dma_wait3A_20 : memref<640x32xf32, #tpu.memory_space<hbm>>) dst(%dma_wait3A_18 : memref<640x32xf32, #tpu.memory_space<vmem_shared>>)
      tpu.yield
    }) : () -> ()
    "tpu.region"() ({
      %run_scoped3A = tpu.sem_alloc : memref<!tpu.dma_semaphore, #tpu.memory_space<semaphore_mem>>
      %dma_start3A = arith.constant 0 : i32
      %dma_start3A_15 = arith.constant 0 : i32
      %dma_start3A_16 = tpu.memref_slice %arg2[%add3A, %dma_start3A, %dma_start3A_15] : memref<32x125x80xi32, #tpu.memory_space<hbm>> -> memref<1x125x80xi32, #tpu.memory_space<hbm>>
      %dma_start3A_17 = tpu.memref_squeeze %dma_start3A_16 : memref<1x125x80xi32, #tpu.memory_space<hbm>> -> memref<125x80xi32, #tpu.memory_space<hbm>>
      %dma_start3A_18 = arith.constant 0 : i32
      %dma_start3A_19 = arith.constant 0 : i32
      %dma_start3A_20 = tpu.memref_slice %arg2[%add3A, %dma_start3A_18, %dma_start3A_19] : memref<32x125x80xi32, #tpu.memory_space<hbm>> -> memref<1x125x80xi32, #tpu.memory_space<hbm>>
      %dma_start3A_21 = tpu.memref_squeeze %dma_start3A_20 : memref<1x125x80xi32, #tpu.memory_space<hbm>> -> memref<125x80xi32, #tpu.memory_space<hbm>>
      tpu.enqueue_dma source(%dma_start3A_21 : memref<125x80xi32, #tpu.memory_space<hbm>>) target(%arg7 : memref<125x80xi32, #tpu.memory_space<vmem>>) target_semaphore(%run_scoped3A : memref<!tpu.dma_semaphore, #tpu.memory_space<semaphore_mem>>)
      %dma_wait3A = arith.constant 0 : i32
      %dma_wait3A_22 = arith.constant 0 : i32
      %dma_wait3A_23 = tpu.memref_slice %arg2[%add3A, %dma_wait3A, %dma_wait3A_22] : memref<32x125x80xi32, #tpu.memory_space<hbm>> -> memref<1x125x80xi32, #tpu.memory_space<hbm>>
      %dma_wait3A_24 = tpu.memref_squeeze %dma_wait3A_23 : memref<1x125x80xi32, #tpu.memory_space<hbm>> -> memref<125x80xi32, #tpu.memory_space<hbm>>
      %dma_wait3A_25 = arith.constant 0 : i32
      %dma_wait3A_26 = arith.constant 0 : i32
      %dma_wait3A_27 = tpu.memref_slice %arg2[%add3A, %dma_wait3A_25, %dma_wait3A_26] : memref<32x125x80xi32, #tpu.memory_space<hbm>> -> memref<1x125x80xi32, #tpu.memory_space<hbm>>
      %dma_wait3A_28 = tpu.memref_squeeze %dma_wait3A_27 : memref<1x125x80xi32, #tpu.memory_space<hbm>> -> memref<125x80xi32, #tpu.memory_space<hbm>>
      tpu.wait_dma2 semaphore(%run_scoped3A : memref<!tpu.dma_semaphore, #tpu.memory_space<semaphore_mem>>) src(%dma_wait3A_28 : memref<125x80xi32, #tpu.memory_space<hbm>>) dst(%arg7 : memref<125x80xi32, #tpu.memory_space<vmem>>)
      tpu.yield
    }) : () -> ()
    "tpu.region"() ({
      %run_scoped3A = tpu.sem_alloc : memref<!tpu.dma_semaphore, #tpu.memory_space<semaphore_mem>>
      %dma_start3A = arith.constant 0 : i32
      %dma_start3A_15 = arith.constant 0 : i32
      %dma_start3A_16 = tpu.memref_slice %arg3[%add3A, %dma_start3A, %dma_start3A_15] : memref<32x125x80xi32, #tpu.memory_space<hbm>> -> memref<1x125x80xi32, #tpu.memory_space<hbm>>
      %dma_start3A_17 = tpu.memref_squeeze %dma_start3A_16 : memref<1x125x80xi32, #tpu.memory_space<hbm>> -> memref<125x80xi32, #tpu.memory_space<hbm>>
      %dma_start3A_18 = arith.constant 0 : i32
      %dma_start3A_19 = arith.constant 0 : i32
      %dma_start3A_20 = tpu.memref_slice %arg3[%add3A, %dma_start3A_18, %dma_start3A_19] : memref<32x125x80xi32, #tpu.memory_space<hbm>> -> memref<1x125x80xi32, #tpu.memory_space<hbm>>
      %dma_start3A_21 = tpu.memref_squeeze %dma_start3A_20 : memref<1x125x80xi32, #tpu.memory_space<hbm>> -> memref<125x80xi32, #tpu.memory_space<hbm>>
      tpu.enqueue_dma source(%dma_start3A_21 : memref<125x80xi32, #tpu.memory_space<hbm>>) target(%arg8 : memref<125x80xi32, #tpu.memory_space<vmem>>) target_semaphore(%run_scoped3A : memref<!tpu.dma_semaphore, #tpu.memory_space<semaphore_mem>>)
      %dma_wait3A = arith.constant 0 : i32
      %dma_wait3A_22 = arith.constant 0 : i32
      %dma_wait3A_23 = tpu.memref_slice %arg3[%add3A, %dma_wait3A, %dma_wait3A_22] : memref<32x125x80xi32, #tpu.memory_space<hbm>> -> memref<1x125x80xi32, #tpu.memory_space<hbm>>
      %dma_wait3A_24 = tpu.memref_squeeze %dma_wait3A_23 : memref<1x125x80xi32, #tpu.memory_space<hbm>> -> memref<125x80xi32, #tpu.memory_space<hbm>>
      %dma_wait3A_25 = arith.constant 0 : i32
      %dma_wait3A_26 = arith.constant 0 : i32
      %dma_wait3A_27 = tpu.memref_slice %arg3[%add3A, %dma_wait3A_25, %dma_wait3A_26] : memref<32x125x80xi32, #tpu.memory_space<hbm>> -> memref<1x125x80xi32, #tpu.memory_space<hbm>>
      %dma_wait3A_28 = tpu.memref_squeeze %dma_wait3A_27 : memref<1x125x80xi32, #tpu.memory_space<hbm>> -> memref<125x80xi32, #tpu.memory_space<hbm>>
      tpu.wait_dma2 semaphore(%run_scoped3A : memref<!tpu.dma_semaphore, #tpu.memory_space<semaphore_mem>>) src(%dma_wait3A_28 : memref<125x80xi32, #tpu.memory_space<hbm>>) dst(%arg8 : memref<125x80xi32, #tpu.memory_space<vmem>>)
      tpu.yield
    }) : () -> ()
    %barrier3A = arith.constant 0 : index
    tpu.barrier barrier_id(%barrier3A)
    %scan3A = arith.constant 0 : i32
    %scan3A_5 = arith.constant 0 : i32
    %scan3A_6 = arith.constant 125 : i32
    %scan3A_7 = arith.addi %scan3A_5, %scan3A_6 : i32
    %scan3A_8 = arith.constant 1 : i32
    scf.for %scan3A_15 = %scan3A_5 to %scan3A_7 step %scan3A_8  : i32 {
      %dma_start3A = arith.constant 0 : i32
      %dma_start3A_16 = tpu.memref_slice %arg7[%scan3A_15, %dma_start3A] : memref<125x80xi32, #tpu.memory_space<vmem>> -> memref<1x80xi32, #tpu.memory_space<vmem>>
      %dma_start3A_17 = tpu.memref_squeeze %dma_start3A_16 : memref<1x80xi32, #tpu.memory_space<vmem>> -> memref<80xi32, #tpu.memory_space<vmem>>
      %dma_start3A_18 = arith.constant 0 : i32
      %dma_start3A_19 = arith.constant 0 : i32
      %dma_start3A_20 = tpu.memref_slice %arg4[%dma_start3A_18, %dma_start3A_19] : memref<10240x32xf32, #tpu.memory_space<hbm>> -> memref<10240x32xf32, #tpu.memory_space<hbm>>
      tpu.enqueue_indirect_dma source(%dma_start3A_20 : memref<10240x32xf32, #tpu.memory_space<hbm>>) target(%arg9 : memref<80x32xf32, #tpu.memory_space<vmem>>) offsets(%dma_start3A_17 : memref<80xi32, #tpu.memory_space<vmem>>) semaphore(%arg11 : memref<!tpu.dma_semaphore, #tpu.memory_space<semaphore_mem>>)
      %dma_wait3A = arith.constant 0 : i32
      %dma_wait3A_21 = tpu.memref_slice %arg7[%scan3A_15, %dma_wait3A] : memref<125x80xi32, #tpu.memory_space<vmem>> -> memref<1x80xi32, #tpu.memory_space<vmem>>
      %dma_wait3A_22 = tpu.memref_squeeze %dma_wait3A_21 : memref<1x80xi32, #tpu.memory_space<vmem>> -> memref<80xi32, #tpu.memory_space<vmem>>
      %dma_wait3A_23 = arith.constant 0 : i32
      %dma_wait3A_24 = arith.constant 0 : i32
      %dma_wait3A_25 = tpu.memref_slice %arg4[%dma_wait3A_23, %dma_wait3A_24] : memref<10240x32xf32, #tpu.memory_space<hbm>> -> memref<10240x32xf32, #tpu.memory_space<hbm>>
      tpu.wait_indirect_dma semaphore(%arg11 : memref<!tpu.dma_semaphore, #tpu.memory_space<semaphore_mem>>) src(%dma_wait3A_25 : memref<10240x32xf32, #tpu.memory_space<hbm>>) dst(%arg9 : memref<80x32xf32, #tpu.memory_space<vmem>>)
      "tpu.region"() ({
        %run_scoped3A = tpu.sem_alloc : memref<!tpu.dma_semaphore, #tpu.memory_space<semaphore_mem>>
        %dma_start3A_26 = arith.constant 0 : i32
        %dma_start3A_27 = tpu.memref_slice %arg8[%scan3A_15, %dma_start3A_26] : memref<125x80xi32, #tpu.memory_space<vmem>> -> memref<1x80xi32, #tpu.memory_space<vmem>>
        %dma_start3A_28 = tpu.memref_squeeze %dma_start3A_27 : memref<1x80xi32, #tpu.memory_space<vmem>> -> memref<80xi32, #tpu.memory_space<vmem>>
        %dma_start3A_29 = arith.constant 0 : i32
        %dma_start3A_30 = arith.constant 0 : i32
        %dma_start3A_31 = tpu.memref_slice %arg10[%dma_start3A_29, %dma_start3A_30] : memref<10240x32xf32, #tpu.memory_space<vmem_shared>> -> memref<10240x32xf32, #tpu.memory_space<vmem_shared>>
        tpu.enqueue_indirect_dma source(%arg9 : memref<80x32xf32, #tpu.memory_space<vmem>>) target(%dma_start3A_31 : memref<10240x32xf32, #tpu.memory_space<vmem_shared>>) offsets(%dma_start3A_28 : memref<80xi32, #tpu.memory_space<vmem>>) semaphore(%run_scoped3A : memref<!tpu.dma_semaphore, #tpu.memory_space<semaphore_mem>>) {add = true}
        %dma_wait3A_32 = arith.constant 0 : i32
        %dma_wait3A_33 = tpu.memref_slice %arg8[%scan3A_15, %dma_wait3A_32] : memref<125x80xi32, #tpu.memory_space<vmem>> -> memref<1x80xi32, #tpu.memory_space<vmem>>
        %dma_wait3A_34 = tpu.memref_squeeze %dma_wait3A_33 : memref<1x80xi32, #tpu.memory_space<vmem>> -> memref<80xi32, #tpu.memory_space<vmem>>
        %dma_wait3A_35 = arith.constant 0 : i32
        %dma_wait3A_36 = arith.constant 0 : i32
        %dma_wait3A_37 = tpu.memref_slice %arg10[%dma_wait3A_35, %dma_wait3A_36] : memref<10240x32xf32, #tpu.memory_space<vmem_shared>> -> memref<10240x32xf32, #tpu.memory_space<vmem_shared>>
        tpu.wait_indirect_dma semaphore(%run_scoped3A : memref<!tpu.dma_semaphore, #tpu.memory_space<semaphore_mem>>) src(%arg9 : memref<80x32xf32, #tpu.memory_space<vmem>>) dst(%dma_wait3A_37 : memref<10240x32xf32, #tpu.memory_space<vmem_shared>>)
        tpu.yield
      }) : () -> ()
    }
    %scan3A_9 = arith.constant 125 : i32
    %barrier3A_10 = arith.constant 0 : index
    tpu.barrier barrier_id(%barrier3A_10)
    %mul3A_11 = arith.constant 640 : i32
    %mul3A_12 = arith.muli %arg1, %mul3A_11 : i32
    %mul3A_13 = arith.constant 640 : i32
    %mul3A_14 = arith.muli %arg1, %mul3A_13 : i32
    "tpu.region"() ({
      %run_scoped3A = tpu.sem_alloc : memref<!tpu.dma_semaphore, #tpu.memory_space<semaphore_mem>>
      %dma_start3A = arith.constant 0 : i32
      %dma_start3A_15 = tpu.memref_slice %arg6[%arg0, %mul3A_14, %dma_start3A] : memref<2x10240x32xf32, #tpu.memory_space<hbm>> -> memref<1x640x32xf32, #tpu.memory_space<hbm>>
      %dma_start3A_16 = tpu.memref_squeeze %dma_start3A_15 : memref<1x640x32xf32, #tpu.memory_space<hbm>> -> memref<640x32xf32, #tpu.memory_space<hbm>>
      %dma_start3A_17 = arith.constant 0 : i32
      %dma_start3A_18 = tpu.memref_slice %arg10[%mul3A_12, %dma_start3A_17] : memref<10240x32xf32, #tpu.memory_space<vmem_shared>> -> memref<640x32xf32, #tpu.memory_space<vmem_shared>>
      tpu.enqueue_dma source(%dma_start3A_18 : memref<640x32xf32, #tpu.memory_space<vmem_shared>>) target(%dma_start3A_16 : memref<640x32xf32, #tpu.memory_space<hbm>>) target_semaphore(%run_scoped3A : memref<!tpu.dma_semaphore, #tpu.memory_space<semaphore_mem>>)
      %dma_wait3A = arith.constant 0 : i32
      %dma_wait3A_19 = tpu.memref_slice %arg6[%arg0, %mul3A_14, %dma_wait3A] : memref<2x10240x32xf32, #tpu.memory_space<hbm>> -> memref<1x640x32xf32, #tpu.memory_space<hbm>>
      %dma_wait3A_20 = tpu.memref_squeeze %dma_wait3A_19 : memref<1x640x32xf32, #tpu.memory_space<hbm>> -> memref<640x32xf32, #tpu.memory_space<hbm>>
      %dma_wait3A_21 = arith.constant 0 : i32
      %dma_wait3A_22 = tpu.memref_slice %arg10[%mul3A_12, %dma_wait3A_21] : memref<10240x32xf32, #tpu.memory_space<vmem_shared>> -> memref<640x32xf32, #tpu.memory_space<vmem_shared>>
      tpu.wait_dma2 semaphore(%run_scoped3A : memref<!tpu.dma_semaphore, #tpu.memory_space<semaphore_mem>>) src(%dma_wait3A_22 : memref<640x32xf32, #tpu.memory_space<vmem_shared>>) dst(%dma_wait3A_20 : memref<640x32xf32, #tpu.memory_space<hbm>>)
      tpu.yield
    }) : () -> ()
    return
  }
}

module attributes {stable_mosaic.version = 14 : i64} {
  func.func @_t2_body(%arg0: memref<2x10240x144xf32, #tpu.memory_space<vmem>>, %arg1: memref<10000x128xf32, #tpu.memory_space<vmem>>, %arg2: memref<128x32xf32, #tpu.memory_space<vmem>>, %arg3: memref<1x32xf32, #tpu.memory_space<vmem>>, %arg4: memref<128x32xf32, #tpu.memory_space<vmem>>, %arg5: memref<1x32xf32, #tpu.memory_space<vmem>>, %arg6: memref<1x32xf32, #tpu.memory_space<vmem>>, %arg7: memref<10240x32xf32, #tpu.memory_space<vmem>>, %arg8: memref<10000x1xf32, #tpu.memory_space<vmem>>) attributes {dimension_semantics = [], scalar_prefetch = 0 : i64, scratch_operands = 0 : i64, tpu.core_type = #tpu.core_type<tc>} {
    %get3A = arith.constant 0 : index
    %get3A_0 = arith.constant 0 : index
    %get3A_1 = arith.constant 0 : index
    %get3A_2 = vector.load %arg0[%get3A, %get3A_0, %get3A_1] : memref<2x10240x144xf32, #tpu.memory_space<vmem>>, vector<1x10240x144xf32>
    %get3A_3 = vector.shape_cast %get3A_2 : vector<1x10240x144xf32> to vector<10240x144xf32>
    %get3A_4 = arith.constant 1 : index
    %get3A_5 = arith.constant 0 : index
    %get3A_6 = arith.constant 0 : index
    %get3A_7 = vector.load %arg0[%get3A_4, %get3A_5, %get3A_6] : memref<2x10240x144xf32, #tpu.memory_space<vmem>>, vector<1x10240x144xf32>
    %get3A_8 = vector.shape_cast %get3A_7 : vector<1x10240x144xf32> to vector<10240x144xf32>
    %add3A = arith.addf %get3A_3, %get3A_8 : vector<10240x144xf32>
    %slice3A = vector.extract_strided_slice %add3A {offsets = [0, 0], sizes = [10000, 144], strides = [1, 1]} : vector<10240x144xf32> to vector<10000x144xf32>
    %slice3A_9 = vector.extract_strided_slice %slice3A {offsets = [0, 128], sizes = [10000, 1], strides = [1, 1]} : vector<10000x144xf32> to vector<10000x1xf32>
    %max3A = arith.constant 1.000000e+00 : f32
    %max3A_10 = vector.broadcast %max3A : f32 to vector<10000x1xf32>
    %max3A_11 = arith.maximumf %slice3A_9, %max3A_10 : vector<10000x1xf32>
    %slice3A_12 = vector.extract_strided_slice %slice3A {offsets = [0, 0], sizes = [10000, 128], strides = [1, 1]} : vector<10000x144xf32> to vector<10000x128xf32>
    %broadcast_in_dim3A = vector.shape_cast %max3A_11 : vector<10000x1xf32> to vector<10000x1xf32>
    %broadcast_in_dim3A_13 = vector.broadcast %broadcast_in_dim3A : vector<10000x1xf32> to vector<10000x128xf32>
    %div3A = arith.divf %slice3A_12, %broadcast_in_dim3A_13 : vector<10000x128xf32>
    %convert_element_type3A = arith.truncf %div3A : vector<10000x128xf32> to vector<10000x128xbf16>
    %get3A_14 = arith.constant 0 : index
    %get3A_15 = arith.constant 0 : index
    %get3A_16 = vector.load %arg2[%get3A_14, %get3A_15] : memref<128x32xf32, #tpu.memory_space<vmem>>, vector<128x32xf32>
    %convert_element_type3A_17 = arith.truncf %get3A_16 : vector<128x32xf32> to vector<128x32xbf16>
    %dot_general3A = arith.constant dense<0.000000e+00> : vector<10000x32xf32>
    %dot_general3A_18 = tpu.matmul %convert_element_type3A, %convert_element_type3A_17, %dot_general3A {dimension_numbers = #tpu.dot_dimension_numbers<[1], [0], [0], [1], [0, 0, 1, 1], [], []>, transpose_lhs_hint = false} : vector<10000x128xbf16>, vector<128x32xbf16>, vector<10000x32xf32> -> vector<10000x32xf32>
    %get3A_19 = arith.constant 0 : index
    %get3A_20 = arith.constant 0 : index
    %get3A_21 = vector.load %arg3[%get3A_19, %get3A_20] : memref<1x32xf32, #tpu.memory_space<vmem>>, vector<1x32xf32>
    %add3A_22 = vector.broadcast %get3A_21 : vector<1x32xf32> to vector<10000x32xf32>
    %add3A_23 = arith.addf %dot_general3A_18, %add3A_22 : vector<10000x32xf32>
    %get3A_24 = arith.constant 0 : index
    %get3A_25 = arith.constant 0 : index
    %get3A_26 = vector.load %arg1[%get3A_24, %get3A_25] : memref<10000x128xf32, #tpu.memory_space<vmem>>, vector<10000x128xf32>
    %convert_element_type3A_27 = arith.truncf %get3A_26 : vector<10000x128xf32> to vector<10000x128xbf16>
    %get3A_28 = arith.constant 0 : index
    %get3A_29 = arith.constant 0 : index
    %get3A_30 = vector.load %arg4[%get3A_28, %get3A_29] : memref<128x32xf32, #tpu.memory_space<vmem>>, vector<128x32xf32>
    %convert_element_type3A_31 = arith.truncf %get3A_30 : vector<128x32xf32> to vector<128x32xbf16>
    %dot_general3A_32 = arith.constant dense<0.000000e+00> : vector<10000x32xf32>
    %dot_general3A_33 = tpu.matmul %convert_element_type3A_27, %convert_element_type3A_31, %dot_general3A_32 {dimension_numbers = #tpu.dot_dimension_numbers<[1], [0], [0], [1], [0, 0, 1, 1], [], []>, transpose_lhs_hint = false} : vector<10000x128xbf16>, vector<128x32xbf16>, vector<10000x32xf32> -> vector<10000x32xf32>
    %add3A_34 = arith.addf %add3A_23, %dot_general3A_33 : vector<10000x32xf32>
    %get3A_35 = arith.constant 0 : index
    %get3A_36 = arith.constant 0 : index
    %get3A_37 = vector.load %arg5[%get3A_35, %get3A_36] : memref<1x32xf32, #tpu.memory_space<vmem>>, vector<1x32xf32>
    %get3A_38 = arith.constant 0 : index
    %get3A_39 = arith.constant 0 : index
    %get3A_40 = vector.load %arg6[%get3A_38, %get3A_39] : memref<1x32xf32, #tpu.memory_space<vmem>>, vector<1x32xf32>
    %broadcast_in_dim3A_41 = arith.constant 0.000000e+00 : f32
    %broadcast_in_dim3A_42 = vector.broadcast %broadcast_in_dim3A_41 : f32 to vector<128x32xf32>
    %slice3A_43 = vector.extract_strided_slice %add3A_34 {offsets = [0, 0], sizes = [128, 32], strides = [1, 1]} : vector<10000x32xf32> to vector<128x32xf32>
    %add3A_44 = arith.addf %broadcast_in_dim3A_42, %slice3A_43 : vector<128x32xf32>
    %slice3A_45 = vector.extract_strided_slice %add3A_34 {offsets = [128, 0], sizes = [128, 32], strides = [1, 1]} : vector<10000x32xf32> to vector<128x32xf32>
    %add3A_46 = arith.addf %add3A_44, %slice3A_45 : vector<128x32xf32>
    %slice3A_47 = vector.extract_strided_slice %add3A_34 {offsets = [256, 0], sizes = [128, 32], strides = [1, 1]} : vector<10000x32xf32> to vector<128x32xf32>
    %add3A_48 = arith.addf %add3A_46, %slice3A_47 : vector<128x32xf32>
    %slice3A_49 = vector.extract_strided_slice %add3A_34 {offsets = [384, 0], sizes = [128, 32], strides = [1, 1]} : vector<10000x32xf32> to vector<128x32xf32>
    %add3A_50 = arith.addf %add3A_48, %slice3A_49 : vector<128x32xf32>
    %slice3A_51 = vector.extract_strided_slice %add3A_34 {offsets = [512, 0], sizes = [128, 32], strides = [1, 1]} : vector<10000x32xf32> to vector<128x32xf32>
    %add3A_52 = arith.addf %add3A_50, %slice3A_51 : vector<128x32xf32>
    %slice3A_53 = vector.extract_strided_slice %add3A_34 {offsets = [640, 0], sizes = [128, 32], strides = [1, 1]} : vector<10000x32xf32> to vector<128x32xf32>
    %add3A_54 = arith.addf %add3A_52, %slice3A_53 : vector<128x32xf32>
    %slice3A_55 = vector.extract_strided_slice %add3A_34 {offsets = [768, 0], sizes = [128, 32], strides = [1, 1]} : vector<10000x32xf32> to vector<128x32xf32>
    %add3A_56 = arith.addf %add3A_54, %slice3A_55 : vector<128x32xf32>
    %slice3A_57 = vector.extract_strided_slice %add3A_34 {offsets = [896, 0], sizes = [128, 32], strides = [1, 1]} : vector<10000x32xf32> to vector<128x32xf32>
    %add3A_58 = arith.addf %add3A_56, %slice3A_57 : vector<128x32xf32>
    %slice3A_59 = vector.extract_strided_slice %add3A_34 {offsets = [1024, 0], sizes = [128, 32], strides = [1, 1]} : vector<10000x32xf32> to vector<128x32xf32>
    %add3A_60 = arith.addf %add3A_58, %slice3A_59 : vector<128x32xf32>
    %slice3A_61 = vector.extract_strided_slice %add3A_34 {offsets = [1152, 0], sizes = [128, 32], strides = [1, 1]} : vector<10000x32xf32> to vector<128x32xf32>
    %add3A_62 = arith.addf %add3A_60, %slice3A_61 : vector<128x32xf32>
    %slice3A_63 = vector.extract_strided_slice %add3A_34 {offsets = [1280, 0], sizes = [128, 32], strides = [1, 1]} : vector<10000x32xf32> to vector<128x32xf32>
    %add3A_64 = arith.addf %add3A_62, %slice3A_63 : vector<128x32xf32>
    %slice3A_65 = vector.extract_strided_slice %add3A_34 {offsets = [1408, 0], sizes = [128, 32], strides = [1, 1]} : vector<10000x32xf32> to vector<128x32xf32>
    %add3A_66 = arith.addf %add3A_64, %slice3A_65 : vector<128x32xf32>
    %slice3A_67 = vector.extract_strided_slice %add3A_34 {offsets = [1536, 0], sizes = [128, 32], strides = [1, 1]} : vector<10000x32xf32> to vector<128x32xf32>
    %add3A_68 = arith.addf %add3A_66, %slice3A_67 : vector<128x32xf32>
    %slice3A_69 = vector.extract_strided_slice %add3A_34 {offsets = [1664, 0], sizes = [128, 32], strides = [1, 1]} : vector<10000x32xf32> to vector<128x32xf32>
    %add3A_70 = arith.addf %add3A_68, %slice3A_69 : vector<128x32xf32>
    %slice3A_71 = vector.extract_strided_slice %add3A_34 {offsets = [1792, 0], sizes = [128, 32], strides = [1, 1]} : vector<10000x32xf32> to vector<128x32xf32>
    %add3A_72 = arith.addf %add3A_70, %slice3A_71 : vector<128x32xf32>
    %slice3A_73 = vector.extract_strided_slice %add3A_34 {offsets = [1920, 0], sizes = [128, 32], strides = [1, 1]} : vector<10000x32xf32> to vector<128x32xf32>
    %add3A_74 = arith.addf %add3A_72, %slice3A_73 : vector<128x32xf32>
    %slice3A_75 = vector.extract_strided_slice %add3A_34 {offsets = [2048, 0], sizes = [128, 32], strides = [1, 1]} : vector<10000x32xf32> to vector<128x32xf32>
    %add3A_76 = arith.addf %add3A_74, %slice3A_75 : vector<128x32xf32>
    %slice3A_77 = vector.extract_strided_slice %add3A_34 {offsets = [2176, 0], sizes = [128, 32], strides = [1, 1]} : vector<10000x32xf32> to vector<128x32xf32>
    %add3A_78 = arith.addf %add3A_76, %slice3A_77 : vector<128x32xf32>
    %slice3A_79 = vector.extract_strided_slice %add3A_34 {offsets = [2304, 0], sizes = [128, 32], strides = [1, 1]} : vector<10000x32xf32> to vector<128x32xf32>
    %add3A_80 = arith.addf %add3A_78, %slice3A_79 : vector<128x32xf32>
    %slice3A_81 = vector.extract_strided_slice %add3A_34 {offsets = [2432, 0], sizes = [128, 32], strides = [1, 1]} : vector<10000x32xf32> to vector<128x32xf32>
    %add3A_82 = arith.addf %add3A_80, %slice3A_81 : vector<128x32xf32>
    %slice3A_83 = vector.extract_strided_slice %add3A_34 {offsets = [2560, 0], sizes = [128, 32], strides = [1, 1]} : vector<10000x32xf32> to vector<128x32xf32>
    %add3A_84 = arith.addf %add3A_82, %slice3A_83 : vector<128x32xf32>
    %slice3A_85 = vector.extract_strided_slice %add3A_34 {offsets = [2688, 0], sizes = [128, 32], strides = [1, 1]} : vector<10000x32xf32> to vector<128x32xf32>
    %add3A_86 = arith.addf %add3A_84, %slice3A_85 : vector<128x32xf32>
    %slice3A_87 = vector.extract_strided_slice %add3A_34 {offsets = [2816, 0], sizes = [128, 32], strides = [1, 1]} : vector<10000x32xf32> to vector<128x32xf32>
    %add3A_88 = arith.addf %add3A_86, %slice3A_87 : vector<128x32xf32>
    %slice3A_89 = vector.extract_strided_slice %add3A_34 {offsets = [2944, 0], sizes = [128, 32], strides = [1, 1]} : vector<10000x32xf32> to vector<128x32xf32>
    %add3A_90 = arith.addf %add3A_88, %slice3A_89 : vector<128x32xf32>
    %slice3A_91 = vector.extract_strided_slice %add3A_34 {offsets = [3072, 0], sizes = [128, 32], strides = [1, 1]} : vector<10000x32xf32> to vector<128x32xf32>
    %add3A_92 = arith.addf %add3A_90, %slice3A_91 : vector<128x32xf32>
    %slice3A_93 = vector.extract_strided_slice %add3A_34 {offsets = [3200, 0], sizes = [128, 32], strides = [1, 1]} : vector<10000x32xf32> to vector<128x32xf32>
    %add3A_94 = arith.addf %add3A_92, %slice3A_93 : vector<128x32xf32>
    %slice3A_95 = vector.extract_strided_slice %add3A_34 {offsets = [3328, 0], sizes = [128, 32], strides = [1, 1]} : vector<10000x32xf32> to vector<128x32xf32>
    %add3A_96 = arith.addf %add3A_94, %slice3A_95 : vector<128x32xf32>
    %slice3A_97 = vector.extract_strided_slice %add3A_34 {offsets = [3456, 0], sizes = [128, 32], strides = [1, 1]} : vector<10000x32xf32> to vector<128x32xf32>
    %add3A_98 = arith.addf %add3A_96, %slice3A_97 : vector<128x32xf32>
    %slice3A_99 = vector.extract_strided_slice %add3A_34 {offsets = [3584, 0], sizes = [128, 32], strides = [1, 1]} : vector<10000x32xf32> to vector<128x32xf32>
    %add3A_100 = arith.addf %add3A_98, %slice3A_99 : vector<128x32xf32>
    %slice3A_101 = vector.extract_strided_slice %add3A_34 {offsets = [3712, 0], sizes = [128, 32], strides = [1, 1]} : vector<10000x32xf32> to vector<128x32xf32>
    %add3A_102 = arith.addf %add3A_100, %slice3A_101 : vector<128x32xf32>
    %slice3A_103 = vector.extract_strided_slice %add3A_34 {offsets = [3840, 0], sizes = [128, 32], strides = [1, 1]} : vector<10000x32xf32> to vector<128x32xf32>
    %add3A_104 = arith.addf %add3A_102, %slice3A_103 : vector<128x32xf32>
    %slice3A_105 = vector.extract_strided_slice %add3A_34 {offsets = [3968, 0], sizes = [128, 32], strides = [1, 1]} : vector<10000x32xf32> to vector<128x32xf32>
    %add3A_106 = arith.addf %add3A_104, %slice3A_105 : vector<128x32xf32>
    %slice3A_107 = vector.extract_strided_slice %add3A_34 {offsets = [4096, 0], sizes = [128, 32], strides = [1, 1]} : vector<10000x32xf32> to vector<128x32xf32>
    %add3A_108 = arith.addf %add3A_106, %slice3A_107 : vector<128x32xf32>
    %slice3A_109 = vector.extract_strided_slice %add3A_34 {offsets = [4224, 0], sizes = [128, 32], strides = [1, 1]} : vector<10000x32xf32> to vector<128x32xf32>
    %add3A_110 = arith.addf %add3A_108, %slice3A_109 : vector<128x32xf32>
    %slice3A_111 = vector.extract_strided_slice %add3A_34 {offsets = [4352, 0], sizes = [128, 32], strides = [1, 1]} : vector<10000x32xf32> to vector<128x32xf32>
    %add3A_112 = arith.addf %add3A_110, %slice3A_111 : vector<128x32xf32>
    %slice3A_113 = vector.extract_strided_slice %add3A_34 {offsets = [4480, 0], sizes = [128, 32], strides = [1, 1]} : vector<10000x32xf32> to vector<128x32xf32>
    %add3A_114 = arith.addf %add3A_112, %slice3A_113 : vector<128x32xf32>
    %slice3A_115 = vector.extract_strided_slice %add3A_34 {offsets = [4608, 0], sizes = [128, 32], strides = [1, 1]} : vector<10000x32xf32> to vector<128x32xf32>
    %add3A_116 = arith.addf %add3A_114, %slice3A_115 : vector<128x32xf32>
    %slice3A_117 = vector.extract_strided_slice %add3A_34 {offsets = [4736, 0], sizes = [128, 32], strides = [1, 1]} : vector<10000x32xf32> to vector<128x32xf32>
    %add3A_118 = arith.addf %add3A_116, %slice3A_117 : vector<128x32xf32>
    %slice3A_119 = vector.extract_strided_slice %add3A_34 {offsets = [4864, 0], sizes = [128, 32], strides = [1, 1]} : vector<10000x32xf32> to vector<128x32xf32>
    %add3A_120 = arith.addf %add3A_118, %slice3A_119 : vector<128x32xf32>
    %slice3A_121 = vector.extract_strided_slice %add3A_34 {offsets = [4992, 0], sizes = [128, 32], strides = [1, 1]} : vector<10000x32xf32> to vector<128x32xf32>
    %add3A_122 = arith.addf %add3A_120, %slice3A_121 : vector<128x32xf32>
    %slice3A_123 = vector.extract_strided_slice %add3A_34 {offsets = [5120, 0], sizes = [128, 32], strides = [1, 1]} : vector<10000x32xf32> to vector<128x32xf32>
    %add3A_124 = arith.addf %add3A_122, %slice3A_123 : vector<128x32xf32>
    %slice3A_125 = vector.extract_strided_slice %add3A_34 {offsets = [5248, 0], sizes = [128, 32], strides = [1, 1]} : vector<10000x32xf32> to vector<128x32xf32>
    %add3A_126 = arith.addf %add3A_124, %slice3A_125 : vector<128x32xf32>
    %slice3A_127 = vector.extract_strided_slice %add3A_34 {offsets = [5376, 0], sizes = [128, 32], strides = [1, 1]} : vector<10000x32xf32> to vector<128x32xf32>
    %add3A_128 = arith.addf %add3A_126, %slice3A_127 : vector<128x32xf32>
    %slice3A_129 = vector.extract_strided_slice %add3A_34 {offsets = [5504, 0], sizes = [128, 32], strides = [1, 1]} : vector<10000x32xf32> to vector<128x32xf32>
    %add3A_130 = arith.addf %add3A_128, %slice3A_129 : vector<128x32xf32>
    %slice3A_131 = vector.extract_strided_slice %add3A_34 {offsets = [5632, 0], sizes = [128, 32], strides = [1, 1]} : vector<10000x32xf32> to vector<128x32xf32>
    %add3A_132 = arith.addf %add3A_130, %slice3A_131 : vector<128x32xf32>
    %slice3A_133 = vector.extract_strided_slice %add3A_34 {offsets = [5760, 0], sizes = [128, 32], strides = [1, 1]} : vector<10000x32xf32> to vector<128x32xf32>
    %add3A_134 = arith.addf %add3A_132, %slice3A_133 : vector<128x32xf32>
    %slice3A_135 = vector.extract_strided_slice %add3A_34 {offsets = [5888, 0], sizes = [128, 32], strides = [1, 1]} : vector<10000x32xf32> to vector<128x32xf32>
    %add3A_136 = arith.addf %add3A_134, %slice3A_135 : vector<128x32xf32>
    %slice3A_137 = vector.extract_strided_slice %add3A_34 {offsets = [6016, 0], sizes = [128, 32], strides = [1, 1]} : vector<10000x32xf32> to vector<128x32xf32>
    %add3A_138 = arith.addf %add3A_136, %slice3A_137 : vector<128x32xf32>
    %slice3A_139 = vector.extract_strided_slice %add3A_34 {offsets = [6144, 0], sizes = [128, 32], strides = [1, 1]} : vector<10000x32xf32> to vector<128x32xf32>
    %add3A_140 = arith.addf %add3A_138, %slice3A_139 : vector<128x32xf32>
    %slice3A_141 = vector.extract_strided_slice %add3A_34 {offsets = [6272, 0], sizes = [128, 32], strides = [1, 1]} : vector<10000x32xf32> to vector<128x32xf32>
    %add3A_142 = arith.addf %add3A_140, %slice3A_141 : vector<128x32xf32>
    %slice3A_143 = vector.extract_strided_slice %add3A_34 {offsets = [6400, 0], sizes = [128, 32], strides = [1, 1]} : vector<10000x32xf32> to vector<128x32xf32>
    %add3A_144 = arith.addf %add3A_142, %slice3A_143 : vector<128x32xf32>
    %slice3A_145 = vector.extract_strided_slice %add3A_34 {offsets = [6528, 0], sizes = [128, 32], strides = [1, 1]} : vector<10000x32xf32> to vector<128x32xf32>
    %add3A_146 = arith.addf %add3A_144, %slice3A_145 : vector<128x32xf32>
    %slice3A_147 = vector.extract_strided_slice %add3A_34 {offsets = [6656, 0], sizes = [128, 32], strides = [1, 1]} : vector<10000x32xf32> to vector<128x32xf32>
    %add3A_148 = arith.addf %add3A_146, %slice3A_147 : vector<128x32xf32>
    %slice3A_149 = vector.extract_strided_slice %add3A_34 {offsets = [6784, 0], sizes = [128, 32], strides = [1, 1]} : vector<10000x32xf32> to vector<128x32xf32>
    %add3A_150 = arith.addf %add3A_148, %slice3A_149 : vector<128x32xf32>
    %slice3A_151 = vector.extract_strided_slice %add3A_34 {offsets = [6912, 0], sizes = [128, 32], strides = [1, 1]} : vector<10000x32xf32> to vector<128x32xf32>
    %add3A_152 = arith.addf %add3A_150, %slice3A_151 : vector<128x32xf32>
    %slice3A_153 = vector.extract_strided_slice %add3A_34 {offsets = [7040, 0], sizes = [128, 32], strides = [1, 1]} : vector<10000x32xf32> to vector<128x32xf32>
    %add3A_154 = arith.addf %add3A_152, %slice3A_153 : vector<128x32xf32>
    %slice3A_155 = vector.extract_strided_slice %add3A_34 {offsets = [7168, 0], sizes = [128, 32], strides = [1, 1]} : vector<10000x32xf32> to vector<128x32xf32>
    %add3A_156 = arith.addf %add3A_154, %slice3A_155 : vector<128x32xf32>
    %slice3A_157 = vector.extract_strided_slice %add3A_34 {offsets = [7296, 0], sizes = [128, 32], strides = [1, 1]} : vector<10000x32xf32> to vector<128x32xf32>
    %add3A_158 = arith.addf %add3A_156, %slice3A_157 : vector<128x32xf32>
    %slice3A_159 = vector.extract_strided_slice %add3A_34 {offsets = [7424, 0], sizes = [128, 32], strides = [1, 1]} : vector<10000x32xf32> to vector<128x32xf32>
    %add3A_160 = arith.addf %add3A_158, %slice3A_159 : vector<128x32xf32>
    %slice3A_161 = vector.extract_strided_slice %add3A_34 {offsets = [7552, 0], sizes = [128, 32], strides = [1, 1]} : vector<10000x32xf32> to vector<128x32xf32>
    %add3A_162 = arith.addf %add3A_160, %slice3A_161 : vector<128x32xf32>
    %slice3A_163 = vector.extract_strided_slice %add3A_34 {offsets = [7680, 0], sizes = [128, 32], strides = [1, 1]} : vector<10000x32xf32> to vector<128x32xf32>
    %add3A_164 = arith.addf %add3A_162, %slice3A_163 : vector<128x32xf32>
    %slice3A_165 = vector.extract_strided_slice %add3A_34 {offsets = [7808, 0], sizes = [128, 32], strides = [1, 1]} : vector<10000x32xf32> to vector<128x32xf32>
    %add3A_166 = arith.addf %add3A_164, %slice3A_165 : vector<128x32xf32>
    %slice3A_167 = vector.extract_strided_slice %add3A_34 {offsets = [7936, 0], sizes = [128, 32], strides = [1, 1]} : vector<10000x32xf32> to vector<128x32xf32>
    %add3A_168 = arith.addf %add3A_166, %slice3A_167 : vector<128x32xf32>
    %slice3A_169 = vector.extract_strided_slice %add3A_34 {offsets = [8064, 0], sizes = [128, 32], strides = [1, 1]} : vector<10000x32xf32> to vector<128x32xf32>
    %add3A_170 = arith.addf %add3A_168, %slice3A_169 : vector<128x32xf32>
    %slice3A_171 = vector.extract_strided_slice %add3A_34 {offsets = [8192, 0], sizes = [128, 32], strides = [1, 1]} : vector<10000x32xf32> to vector<128x32xf32>
    %add3A_172 = arith.addf %add3A_170, %slice3A_171 : vector<128x32xf32>
    %slice3A_173 = vector.extract_strided_slice %add3A_34 {offsets = [8320, 0], sizes = [128, 32], strides = [1, 1]} : vector<10000x32xf32> to vector<128x32xf32>
    %add3A_174 = arith.addf %add3A_172, %slice3A_173 : vector<128x32xf32>
    %slice3A_175 = vector.extract_strided_slice %add3A_34 {offsets = [8448, 0], sizes = [128, 32], strides = [1, 1]} : vector<10000x32xf32> to vector<128x32xf32>
    %add3A_176 = arith.addf %add3A_174, %slice3A_175 : vector<128x32xf32>
    %slice3A_177 = vector.extract_strided_slice %add3A_34 {offsets = [8576, 0], sizes = [128, 32], strides = [1, 1]} : vector<10000x32xf32> to vector<128x32xf32>
    %add3A_178 = arith.addf %add3A_176, %slice3A_177 : vector<128x32xf32>
    %slice3A_179 = vector.extract_strided_slice %add3A_34 {offsets = [8704, 0], sizes = [128, 32], strides = [1, 1]} : vector<10000x32xf32> to vector<128x32xf32>
    %add3A_180 = arith.addf %add3A_178, %slice3A_179 : vector<128x32xf32>
    %slice3A_181 = vector.extract_strided_slice %add3A_34 {offsets = [8832, 0], sizes = [128, 32], strides = [1, 1]} : vector<10000x32xf32> to vector<128x32xf32>
    %add3A_182 = arith.addf %add3A_180, %slice3A_181 : vector<128x32xf32>
    %slice3A_183 = vector.extract_strided_slice %add3A_34 {offsets = [8960, 0], sizes = [128, 32], strides = [1, 1]} : vector<10000x32xf32> to vector<128x32xf32>
    %add3A_184 = arith.addf %add3A_182, %slice3A_183 : vector<128x32xf32>
    %slice3A_185 = vector.extract_strided_slice %add3A_34 {offsets = [9088, 0], sizes = [128, 32], strides = [1, 1]} : vector<10000x32xf32> to vector<128x32xf32>
    %add3A_186 = arith.addf %add3A_184, %slice3A_185 : vector<128x32xf32>
    %slice3A_187 = vector.extract_strided_slice %add3A_34 {offsets = [9216, 0], sizes = [128, 32], strides = [1, 1]} : vector<10000x32xf32> to vector<128x32xf32>
    %add3A_188 = arith.addf %add3A_186, %slice3A_187 : vector<128x32xf32>
    %slice3A_189 = vector.extract_strided_slice %add3A_34 {offsets = [9344, 0], sizes = [128, 32], strides = [1, 1]} : vector<10000x32xf32> to vector<128x32xf32>
    %add3A_190 = arith.addf %add3A_188, %slice3A_189 : vector<128x32xf32>
    %slice3A_191 = vector.extract_strided_slice %add3A_34 {offsets = [9472, 0], sizes = [128, 32], strides = [1, 1]} : vector<10000x32xf32> to vector<128x32xf32>
    %add3A_192 = arith.addf %add3A_190, %slice3A_191 : vector<128x32xf32>
    %slice3A_193 = vector.extract_strided_slice %add3A_34 {offsets = [9600, 0], sizes = [128, 32], strides = [1, 1]} : vector<10000x32xf32> to vector<128x32xf32>
    %add3A_194 = arith.addf %add3A_192, %slice3A_193 : vector<128x32xf32>
    %slice3A_195 = vector.extract_strided_slice %add3A_34 {offsets = [9728, 0], sizes = [128, 32], strides = [1, 1]} : vector<10000x32xf32> to vector<128x32xf32>
    %add3A_196 = arith.addf %add3A_194, %slice3A_195 : vector<128x32xf32>
    %slice3A_197 = vector.extract_strided_slice %add3A_34 {offsets = [9856, 0], sizes = [128, 32], strides = [1, 1]} : vector<10000x32xf32> to vector<128x32xf32>
    %add3A_198 = arith.addf %add3A_196, %slice3A_197 : vector<128x32xf32>
    %slice3A_199 = vector.extract_strided_slice %add3A_34 {offsets = [9984, 0], sizes = [16, 32], strides = [1, 1]} : vector<10000x32xf32> to vector<16x32xf32>
    %broadcast_in_dim3A_200 = arith.constant 0.000000e+00 : f32
    %broadcast_in_dim3A_201 = vector.broadcast %broadcast_in_dim3A_200 : f32 to vector<112x32xf32>
    %concatenate3A = tpu.concatenate %slice3A_199, %broadcast_in_dim3A_201 in 0 : vector<16x32xf32>, vector<112x32xf32> -> vector<128x32xf32>
    %add3A_202 = arith.addf %add3A_198, %concatenate3A : vector<128x32xf32>
    %slice3A_203 = vector.extract_strided_slice %add3A_202 {offsets = [0, 0], sizes = [8, 32], strides = [1, 1]} : vector<128x32xf32> to vector<8x32xf32>
    %slice3A_204 = vector.extract_strided_slice %add3A_202 {offsets = [8, 0], sizes = [8, 32], strides = [1, 1]} : vector<128x32xf32> to vector<8x32xf32>
    %add3A_205 = arith.addf %slice3A_203, %slice3A_204 : vector<8x32xf32>
    %slice3A_206 = vector.extract_strided_slice %add3A_202 {offsets = [16, 0], sizes = [8, 32], strides = [1, 1]} : vector<128x32xf32> to vector<8x32xf32>
    %add3A_207 = arith.addf %add3A_205, %slice3A_206 : vector<8x32xf32>
    %slice3A_208 = vector.extract_strided_slice %add3A_202 {offsets = [24, 0], sizes = [8, 32], strides = [1, 1]} : vector<128x32xf32> to vector<8x32xf32>
    %add3A_209 = arith.addf %add3A_207, %slice3A_208 : vector<8x32xf32>
    %slice3A_210 = vector.extract_strided_slice %add3A_202 {offsets = [32, 0], sizes = [8, 32], strides = [1, 1]} : vector<128x32xf32> to vector<8x32xf32>
    %add3A_211 = arith.addf %add3A_209, %slice3A_210 : vector<8x32xf32>
    %slice3A_212 = vector.extract_strided_slice %add3A_202 {offsets = [40, 0], sizes = [8, 32], strides = [1, 1]} : vector<128x32xf32> to vector<8x32xf32>
    %add3A_213 = arith.addf %add3A_211, %slice3A_212 : vector<8x32xf32>
    %slice3A_214 = vector.extract_strided_slice %add3A_202 {offsets = [48, 0], sizes = [8, 32], strides = [1, 1]} : vector<128x32xf32> to vector<8x32xf32>
    %add3A_215 = arith.addf %add3A_213, %slice3A_214 : vector<8x32xf32>
    %slice3A_216 = vector.extract_strided_slice %add3A_202 {offsets = [56, 0], sizes = [8, 32], strides = [1, 1]} : vector<128x32xf32> to vector<8x32xf32>
    %add3A_217 = arith.addf %add3A_215, %slice3A_216 : vector<8x32xf32>
    %slice3A_218 = vector.extract_strided_slice %add3A_202 {offsets = [64, 0], sizes = [8, 32], strides = [1, 1]} : vector<128x32xf32> to vector<8x32xf32>
    %add3A_219 = arith.addf %add3A_217, %slice3A_218 : vector<8x32xf32>
    %slice3A_220 = vector.extract_strided_slice %add3A_202 {offsets = [72, 0], sizes = [8, 32], strides = [1, 1]} : vector<128x32xf32> to vector<8x32xf32>
    %add3A_221 = arith.addf %add3A_219, %slice3A_220 : vector<8x32xf32>
    %slice3A_222 = vector.extract_strided_slice %add3A_202 {offsets = [80, 0], sizes = [8, 32], strides = [1, 1]} : vector<128x32xf32> to vector<8x32xf32>
    %add3A_223 = arith.addf %add3A_221, %slice3A_222 : vector<8x32xf32>
    %slice3A_224 = vector.extract_strided_slice %add3A_202 {offsets = [88, 0], sizes = [8, 32], strides = [1, 1]} : vector<128x32xf32> to vector<8x32xf32>
    %add3A_225 = arith.addf %add3A_223, %slice3A_224 : vector<8x32xf32>
    %slice3A_226 = vector.extract_strided_slice %add3A_202 {offsets = [96, 0], sizes = [8, 32], strides = [1, 1]} : vector<128x32xf32> to vector<8x32xf32>
    %add3A_227 = arith.addf %add3A_225, %slice3A_226 : vector<8x32xf32>
    %slice3A_228 = vector.extract_strided_slice %add3A_202 {offsets = [104, 0], sizes = [8, 32], strides = [1, 1]} : vector<128x32xf32> to vector<8x32xf32>
    %add3A_229 = arith.addf %add3A_227, %slice3A_228 : vector<8x32xf32>
    %slice3A_230 = vector.extract_strided_slice %add3A_202 {offsets = [112, 0], sizes = [8, 32], strides = [1, 1]} : vector<128x32xf32> to vector<8x32xf32>
    %add3A_231 = arith.addf %add3A_229, %slice3A_230 : vector<8x32xf32>
    %slice3A_232 = vector.extract_strided_slice %add3A_202 {offsets = [120, 0], sizes = [8, 32], strides = [1, 1]} : vector<128x32xf32> to vector<8x32xf32>
    %add3A_233 = arith.addf %add3A_231, %slice3A_232 : vector<8x32xf32>
    %slice3A_234 = vector.extract_strided_slice %add3A_233 {offsets = [0, 0], sizes = [4, 32], strides = [1, 1]} : vector<8x32xf32> to vector<4x32xf32>
    %slice3A_235 = vector.extract_strided_slice %add3A_233 {offsets = [4, 0], sizes = [4, 32], strides = [1, 1]} : vector<8x32xf32> to vector<4x32xf32>
    %add3A_236 = arith.addf %slice3A_234, %slice3A_235 : vector<4x32xf32>
    %slice3A_237 = vector.extract_strided_slice %add3A_236 {offsets = [0, 0], sizes = [2, 32], strides = [1, 1]} : vector<4x32xf32> to vector<2x32xf32>
    %slice3A_238 = vector.extract_strided_slice %add3A_236 {offsets = [2, 0], sizes = [2, 32], strides = [1, 1]} : vector<4x32xf32> to vector<2x32xf32>
    %add3A_239 = arith.addf %slice3A_237, %slice3A_238 : vector<2x32xf32>
    %slice3A_240 = vector.extract_strided_slice %add3A_239 {offsets = [0, 0], sizes = [1, 32], strides = [1, 1]} : vector<2x32xf32> to vector<1x32xf32>
    %slice3A_241 = vector.extract_strided_slice %add3A_239 {offsets = [1, 0], sizes = [1, 32], strides = [1, 1]} : vector<2x32xf32> to vector<1x32xf32>
    %add3A_242 = arith.addf %slice3A_240, %slice3A_241 : vector<1x32xf32>
    %mul3A = arith.constant 9.99999974E-5 : f32
    %mul3A_243 = vector.broadcast %mul3A : f32 to vector<1x32xf32>
    %mul3A_244 = arith.mulf %add3A_242, %mul3A_243 : vector<1x32xf32>
    %sub3A = vector.broadcast %mul3A_244 : vector<1x32xf32> to vector<10000x32xf32>
    %sub3A_245 = arith.subf %add3A_34, %sub3A : vector<10000x32xf32>
    %mul3A_246 = arith.mulf %sub3A_245, %sub3A_245 : vector<10000x32xf32>
    %broadcast_in_dim3A_247 = arith.constant 0.000000e+00 : f32
    %broadcast_in_dim3A_248 = vector.broadcast %broadcast_in_dim3A_247 : f32 to vector<128x32xf32>
    %slice3A_249 = vector.extract_strided_slice %mul3A_246 {offsets = [0, 0], sizes = [128, 32], strides = [1, 1]} : vector<10000x32xf32> to vector<128x32xf32>
    %add3A_250 = arith.addf %broadcast_in_dim3A_248, %slice3A_249 : vector<128x32xf32>
    %slice3A_251 = vector.extract_strided_slice %mul3A_246 {offsets = [128, 0], sizes = [128, 32], strides = [1, 1]} : vector<10000x32xf32> to vector<128x32xf32>
    %add3A_252 = arith.addf %add3A_250, %slice3A_251 : vector<128x32xf32>
    %slice3A_253 = vector.extract_strided_slice %mul3A_246 {offsets = [256, 0], sizes = [128, 32], strides = [1, 1]} : vector<10000x32xf32> to vector<128x32xf32>
    %add3A_254 = arith.addf %add3A_252, %slice3A_253 : vector<128x32xf32>
    %slice3A_255 = vector.extract_strided_slice %mul3A_246 {offsets = [384, 0], sizes = [128, 32], strides = [1, 1]} : vector<10000x32xf32> to vector<128x32xf32>
    %add3A_256 = arith.addf %add3A_254, %slice3A_255 : vector<128x32xf32>
    %slice3A_257 = vector.extract_strided_slice %mul3A_246 {offsets = [512, 0], sizes = [128, 32], strides = [1, 1]} : vector<10000x32xf32> to vector<128x32xf32>
    %add3A_258 = arith.addf %add3A_256, %slice3A_257 : vector<128x32xf32>
    %slice3A_259 = vector.extract_strided_slice %mul3A_246 {offsets = [640, 0], sizes = [128, 32], strides = [1, 1]} : vector<10000x32xf32> to vector<128x32xf32>
    %add3A_260 = arith.addf %add3A_258, %slice3A_259 : vector<128x32xf32>
    %slice3A_261 = vector.extract_strided_slice %mul3A_246 {offsets = [768, 0], sizes = [128, 32], strides = [1, 1]} : vector<10000x32xf32> to vector<128x32xf32>
    %add3A_262 = arith.addf %add3A_260, %slice3A_261 : vector<128x32xf32>
    %slice3A_263 = vector.extract_strided_slice %mul3A_246 {offsets = [896, 0], sizes = [128, 32], strides = [1, 1]} : vector<10000x32xf32> to vector<128x32xf32>
    %add3A_264 = arith.addf %add3A_262, %slice3A_263 : vector<128x32xf32>
    %slice3A_265 = vector.extract_strided_slice %mul3A_246 {offsets = [1024, 0], sizes = [128, 32], strides = [1, 1]} : vector<10000x32xf32> to vector<128x32xf32>
    %add3A_266 = arith.addf %add3A_264, %slice3A_265 : vector<128x32xf32>
    %slice3A_267 = vector.extract_strided_slice %mul3A_246 {offsets = [1152, 0], sizes = [128, 32], strides = [1, 1]} : vector<10000x32xf32> to vector<128x32xf32>
    %add3A_268 = arith.addf %add3A_266, %slice3A_267 : vector<128x32xf32>
    %slice3A_269 = vector.extract_strided_slice %mul3A_246 {offsets = [1280, 0], sizes = [128, 32], strides = [1, 1]} : vector<10000x32xf32> to vector<128x32xf32>
    %add3A_270 = arith.addf %add3A_268, %slice3A_269 : vector<128x32xf32>
    %slice3A_271 = vector.extract_strided_slice %mul3A_246 {offsets = [1408, 0], sizes = [128, 32], strides = [1, 1]} : vector<10000x32xf32> to vector<128x32xf32>
    %add3A_272 = arith.addf %add3A_270, %slice3A_271 : vector<128x32xf32>
    %slice3A_273 = vector.extract_strided_slice %mul3A_246 {offsets = [1536, 0], sizes = [128, 32], strides = [1, 1]} : vector<10000x32xf32> to vector<128x32xf32>
    %add3A_274 = arith.addf %add3A_272, %slice3A_273 : vector<128x32xf32>
    %slice3A_275 = vector.extract_strided_slice %mul3A_246 {offsets = [1664, 0], sizes = [128, 32], strides = [1, 1]} : vector<10000x32xf32> to vector<128x32xf32>
    %add3A_276 = arith.addf %add3A_274, %slice3A_275 : vector<128x32xf32>
    %slice3A_277 = vector.extract_strided_slice %mul3A_246 {offsets = [1792, 0], sizes = [128, 32], strides = [1, 1]} : vector<10000x32xf32> to vector<128x32xf32>
    %add3A_278 = arith.addf %add3A_276, %slice3A_277 : vector<128x32xf32>
    %slice3A_279 = vector.extract_strided_slice %mul3A_246 {offsets = [1920, 0], sizes = [128, 32], strides = [1, 1]} : vector<10000x32xf32> to vector<128x32xf32>
    %add3A_280 = arith.addf %add3A_278, %slice3A_279 : vector<128x32xf32>
    %slice3A_281 = vector.extract_strided_slice %mul3A_246 {offsets = [2048, 0], sizes = [128, 32], strides = [1, 1]} : vector<10000x32xf32> to vector<128x32xf32>
    %add3A_282 = arith.addf %add3A_280, %slice3A_281 : vector<128x32xf32>
    %slice3A_283 = vector.extract_strided_slice %mul3A_246 {offsets = [2176, 0], sizes = [128, 32], strides = [1, 1]} : vector<10000x32xf32> to vector<128x32xf32>
    %add3A_284 = arith.addf %add3A_282, %slice3A_283 : vector<128x32xf32>
    %slice3A_285 = vector.extract_strided_slice %mul3A_246 {offsets = [2304, 0], sizes = [128, 32], strides = [1, 1]} : vector<10000x32xf32> to vector<128x32xf32>
    %add3A_286 = arith.addf %add3A_284, %slice3A_285 : vector<128x32xf32>
    %slice3A_287 = vector.extract_strided_slice %mul3A_246 {offsets = [2432, 0], sizes = [128, 32], strides = [1, 1]} : vector<10000x32xf32> to vector<128x32xf32>
    %add3A_288 = arith.addf %add3A_286, %slice3A_287 : vector<128x32xf32>
    %slice3A_289 = vector.extract_strided_slice %mul3A_246 {offsets = [2560, 0], sizes = [128, 32], strides = [1, 1]} : vector<10000x32xf32> to vector<128x32xf32>
    %add3A_290 = arith.addf %add3A_288, %slice3A_289 : vector<128x32xf32>
    %slice3A_291 = vector.extract_strided_slice %mul3A_246 {offsets = [2688, 0], sizes = [128, 32], strides = [1, 1]} : vector<10000x32xf32> to vector<128x32xf32>
    %add3A_292 = arith.addf %add3A_290, %slice3A_291 : vector<128x32xf32>
    %slice3A_293 = vector.extract_strided_slice %mul3A_246 {offsets = [2816, 0], sizes = [128, 32], strides = [1, 1]} : vector<10000x32xf32> to vector<128x32xf32>
    %add3A_294 = arith.addf %add3A_292, %slice3A_293 : vector<128x32xf32>
    %slice3A_295 = vector.extract_strided_slice %mul3A_246 {offsets = [2944, 0], sizes = [128, 32], strides = [1, 1]} : vector<10000x32xf32> to vector<128x32xf32>
    %add3A_296 = arith.addf %add3A_294, %slice3A_295 : vector<128x32xf32>
    %slice3A_297 = vector.extract_strided_slice %mul3A_246 {offsets = [3072, 0], sizes = [128, 32], strides = [1, 1]} : vector<10000x32xf32> to vector<128x32xf32>
    %add3A_298 = arith.addf %add3A_296, %slice3A_297 : vector<128x32xf32>
    %slice3A_299 = vector.extract_strided_slice %mul3A_246 {offsets = [3200, 0], sizes = [128, 32], strides = [1, 1]} : vector<10000x32xf32> to vector<128x32xf32>
    %add3A_300 = arith.addf %add3A_298, %slice3A_299 : vector<128x32xf32>
    %slice3A_301 = vector.extract_strided_slice %mul3A_246 {offsets = [3328, 0], sizes = [128, 32], strides = [1, 1]} : vector<10000x32xf32> to vector<128x32xf32>
    %add3A_302 = arith.addf %add3A_300, %slice3A_301 : vector<128x32xf32>
    %slice3A_303 = vector.extract_strided_slice %mul3A_246 {offsets = [3456, 0], sizes = [128, 32], strides = [1, 1]} : vector<10000x32xf32> to vector<128x32xf32>
    %add3A_304 = arith.addf %add3A_302, %slice3A_303 : vector<128x32xf32>
    %slice3A_305 = vector.extract_strided_slice %mul3A_246 {offsets = [3584, 0], sizes = [128, 32], strides = [1, 1]} : vector<10000x32xf32> to vector<128x32xf32>
    %add3A_306 = arith.addf %add3A_304, %slice3A_305 : vector<128x32xf32>
    %slice3A_307 = vector.extract_strided_slice %mul3A_246 {offsets = [3712, 0], sizes = [128, 32], strides = [1, 1]} : vector<10000x32xf32> to vector<128x32xf32>
    %add3A_308 = arith.addf %add3A_306, %slice3A_307 : vector<128x32xf32>
    %slice3A_309 = vector.extract_strided_slice %mul3A_246 {offsets = [3840, 0], sizes = [128, 32], strides = [1, 1]} : vector<10000x32xf32> to vector<128x32xf32>
    %add3A_310 = arith.addf %add3A_308, %slice3A_309 : vector<128x32xf32>
    %slice3A_311 = vector.extract_strided_slice %mul3A_246 {offsets = [3968, 0], sizes = [128, 32], strides = [1, 1]} : vector<10000x32xf32> to vector<128x32xf32>
    %add3A_312 = arith.addf %add3A_310, %slice3A_311 : vector<128x32xf32>
    %slice3A_313 = vector.extract_strided_slice %mul3A_246 {offsets = [4096, 0], sizes = [128, 32], strides = [1, 1]} : vector<10000x32xf32> to vector<128x32xf32>
    %add3A_314 = arith.addf %add3A_312, %slice3A_313 : vector<128x32xf32>
    %slice3A_315 = vector.extract_strided_slice %mul3A_246 {offsets = [4224, 0], sizes = [128, 32], strides = [1, 1]} : vector<10000x32xf32> to vector<128x32xf32>
    %add3A_316 = arith.addf %add3A_314, %slice3A_315 : vector<128x32xf32>
    %slice3A_317 = vector.extract_strided_slice %mul3A_246 {offsets = [4352, 0], sizes = [128, 32], strides = [1, 1]} : vector<10000x32xf32> to vector<128x32xf32>
    %add3A_318 = arith.addf %add3A_316, %slice3A_317 : vector<128x32xf32>
    %slice3A_319 = vector.extract_strided_slice %mul3A_246 {offsets = [4480, 0], sizes = [128, 32], strides = [1, 1]} : vector<10000x32xf32> to vector<128x32xf32>
    %add3A_320 = arith.addf %add3A_318, %slice3A_319 : vector<128x32xf32>
    %slice3A_321 = vector.extract_strided_slice %mul3A_246 {offsets = [4608, 0], sizes = [128, 32], strides = [1, 1]} : vector<10000x32xf32> to vector<128x32xf32>
    %add3A_322 = arith.addf %add3A_320, %slice3A_321 : vector<128x32xf32>
    %slice3A_323 = vector.extract_strided_slice %mul3A_246 {offsets = [4736, 0], sizes = [128, 32], strides = [1, 1]} : vector<10000x32xf32> to vector<128x32xf32>
    %add3A_324 = arith.addf %add3A_322, %slice3A_323 : vector<128x32xf32>
    %slice3A_325 = vector.extract_strided_slice %mul3A_246 {offsets = [4864, 0], sizes = [128, 32], strides = [1, 1]} : vector<10000x32xf32> to vector<128x32xf32>
    %add3A_326 = arith.addf %add3A_324, %slice3A_325 : vector<128x32xf32>
    %slice3A_327 = vector.extract_strided_slice %mul3A_246 {offsets = [4992, 0], sizes = [128, 32], strides = [1, 1]} : vector<10000x32xf32> to vector<128x32xf32>
    %add3A_328 = arith.addf %add3A_326, %slice3A_327 : vector<128x32xf32>
    %slice3A_329 = vector.extract_strided_slice %mul3A_246 {offsets = [5120, 0], sizes = [128, 32], strides = [1, 1]} : vector<10000x32xf32> to vector<128x32xf32>
    %add3A_330 = arith.addf %add3A_328, %slice3A_329 : vector<128x32xf32>
    %slice3A_331 = vector.extract_strided_slice %mul3A_246 {offsets = [5248, 0], sizes = [128, 32], strides = [1, 1]} : vector<10000x32xf32> to vector<128x32xf32>
    %add3A_332 = arith.addf %add3A_330, %slice3A_331 : vector<128x32xf32>
    %slice3A_333 = vector.extract_strided_slice %mul3A_246 {offsets = [5376, 0], sizes = [128, 32], strides = [1, 1]} : vector<10000x32xf32> to vector<128x32xf32>
    %add3A_334 = arith.addf %add3A_332, %slice3A_333 : vector<128x32xf32>
    %slice3A_335 = vector.extract_strided_slice %mul3A_246 {offsets = [5504, 0], sizes = [128, 32], strides = [1, 1]} : vector<10000x32xf32> to vector<128x32xf32>
    %add3A_336 = arith.addf %add3A_334, %slice3A_335 : vector<128x32xf32>
    %slice3A_337 = vector.extract_strided_slice %mul3A_246 {offsets = [5632, 0], sizes = [128, 32], strides = [1, 1]} : vector<10000x32xf32> to vector<128x32xf32>
    %add3A_338 = arith.addf %add3A_336, %slice3A_337 : vector<128x32xf32>
    %slice3A_339 = vector.extract_strided_slice %mul3A_246 {offsets = [5760, 0], sizes = [128, 32], strides = [1, 1]} : vector<10000x32xf32> to vector<128x32xf32>
    %add3A_340 = arith.addf %add3A_338, %slice3A_339 : vector<128x32xf32>
    %slice3A_341 = vector.extract_strided_slice %mul3A_246 {offsets = [5888, 0], sizes = [128, 32], strides = [1, 1]} : vector<10000x32xf32> to vector<128x32xf32>
    %add3A_342 = arith.addf %add3A_340, %slice3A_341 : vector<128x32xf32>
    %slice3A_343 = vector.extract_strided_slice %mul3A_246 {offsets = [6016, 0], sizes = [128, 32], strides = [1, 1]} : vector<10000x32xf32> to vector<128x32xf32>
    %add3A_344 = arith.addf %add3A_342, %slice3A_343 : vector<128x32xf32>
    %slice3A_345 = vector.extract_strided_slice %mul3A_246 {offsets = [6144, 0], sizes = [128, 32], strides = [1, 1]} : vector<10000x32xf32> to vector<128x32xf32>
    %add3A_346 = arith.addf %add3A_344, %slice3A_345 : vector<128x32xf32>
    %slice3A_347 = vector.extract_strided_slice %mul3A_246 {offsets = [6272, 0], sizes = [128, 32], strides = [1, 1]} : vector<10000x32xf32> to vector<128x32xf32>
    %add3A_348 = arith.addf %add3A_346, %slice3A_347 : vector<128x32xf32>
    %slice3A_349 = vector.extract_strided_slice %mul3A_246 {offsets = [6400, 0], sizes = [128, 32], strides = [1, 1]} : vector<10000x32xf32> to vector<128x32xf32>
    %add3A_350 = arith.addf %add3A_348, %slice3A_349 : vector<128x32xf32>
    %slice3A_351 = vector.extract_strided_slice %mul3A_246 {offsets = [6528, 0], sizes = [128, 32], strides = [1, 1]} : vector<10000x32xf32> to vector<128x32xf32>
    %add3A_352 = arith.addf %add3A_350, %slice3A_351 : vector<128x32xf32>
    %slice3A_353 = vector.extract_strided_slice %mul3A_246 {offsets = [6656, 0], sizes = [128, 32], strides = [1, 1]} : vector<10000x32xf32> to vector<128x32xf32>
    %add3A_354 = arith.addf %add3A_352, %slice3A_353 : vector<128x32xf32>
    %slice3A_355 = vector.extract_strided_slice %mul3A_246 {offsets = [6784, 0], sizes = [128, 32], strides = [1, 1]} : vector<10000x32xf32> to vector<128x32xf32>
    %add3A_356 = arith.addf %add3A_354, %slice3A_355 : vector<128x32xf32>
    %slice3A_357 = vector.extract_strided_slice %mul3A_246 {offsets = [6912, 0], sizes = [128, 32], strides = [1, 1]} : vector<10000x32xf32> to vector<128x32xf32>
    %add3A_358 = arith.addf %add3A_356, %slice3A_357 : vector<128x32xf32>
    %slice3A_359 = vector.extract_strided_slice %mul3A_246 {offsets = [7040, 0], sizes = [128, 32], strides = [1, 1]} : vector<10000x32xf32> to vector<128x32xf32>
    %add3A_360 = arith.addf %add3A_358, %slice3A_359 : vector<128x32xf32>
    %slice3A_361 = vector.extract_strided_slice %mul3A_246 {offsets = [7168, 0], sizes = [128, 32], strides = [1, 1]} : vector<10000x32xf32> to vector<128x32xf32>
    %add3A_362 = arith.addf %add3A_360, %slice3A_361 : vector<128x32xf32>
    %slice3A_363 = vector.extract_strided_slice %mul3A_246 {offsets = [7296, 0], sizes = [128, 32], strides = [1, 1]} : vector<10000x32xf32> to vector<128x32xf32>
    %add3A_364 = arith.addf %add3A_362, %slice3A_363 : vector<128x32xf32>
    %slice3A_365 = vector.extract_strided_slice %mul3A_246 {offsets = [7424, 0], sizes = [128, 32], strides = [1, 1]} : vector<10000x32xf32> to vector<128x32xf32>
    %add3A_366 = arith.addf %add3A_364, %slice3A_365 : vector<128x32xf32>
    %slice3A_367 = vector.extract_strided_slice %mul3A_246 {offsets = [7552, 0], sizes = [128, 32], strides = [1, 1]} : vector<10000x32xf32> to vector<128x32xf32>
    %add3A_368 = arith.addf %add3A_366, %slice3A_367 : vector<128x32xf32>
    %slice3A_369 = vector.extract_strided_slice %mul3A_246 {offsets = [7680, 0], sizes = [128, 32], strides = [1, 1]} : vector<10000x32xf32> to vector<128x32xf32>
    %add3A_370 = arith.addf %add3A_368, %slice3A_369 : vector<128x32xf32>
    %slice3A_371 = vector.extract_strided_slice %mul3A_246 {offsets = [7808, 0], sizes = [128, 32], strides = [1, 1]} : vector<10000x32xf32> to vector<128x32xf32>
    %add3A_372 = arith.addf %add3A_370, %slice3A_371 : vector<128x32xf32>
    %slice3A_373 = vector.extract_strided_slice %mul3A_246 {offsets = [7936, 0], sizes = [128, 32], strides = [1, 1]} : vector<10000x32xf32> to vector<128x32xf32>
    %add3A_374 = arith.addf %add3A_372, %slice3A_373 : vector<128x32xf32>
    %slice3A_375 = vector.extract_strided_slice %mul3A_246 {offsets = [8064, 0], sizes = [128, 32], strides = [1, 1]} : vector<10000x32xf32> to vector<128x32xf32>
    %add3A_376 = arith.addf %add3A_374, %slice3A_375 : vector<128x32xf32>
    %slice3A_377 = vector.extract_strided_slice %mul3A_246 {offsets = [8192, 0], sizes = [128, 32], strides = [1, 1]} : vector<10000x32xf32> to vector<128x32xf32>
    %add3A_378 = arith.addf %add3A_376, %slice3A_377 : vector<128x32xf32>
    %slice3A_379 = vector.extract_strided_slice %mul3A_246 {offsets = [8320, 0], sizes = [128, 32], strides = [1, 1]} : vector<10000x32xf32> to vector<128x32xf32>
    %add3A_380 = arith.addf %add3A_378, %slice3A_379 : vector<128x32xf32>
    %slice3A_381 = vector.extract_strided_slice %mul3A_246 {offsets = [8448, 0], sizes = [128, 32], strides = [1, 1]} : vector<10000x32xf32> to vector<128x32xf32>
    %add3A_382 = arith.addf %add3A_380, %slice3A_381 : vector<128x32xf32>
    %slice3A_383 = vector.extract_strided_slice %mul3A_246 {offsets = [8576, 0], sizes = [128, 32], strides = [1, 1]} : vector<10000x32xf32> to vector<128x32xf32>
    %add3A_384 = arith.addf %add3A_382, %slice3A_383 : vector<128x32xf32>
    %slice3A_385 = vector.extract_strided_slice %mul3A_246 {offsets = [8704, 0], sizes = [128, 32], strides = [1, 1]} : vector<10000x32xf32> to vector<128x32xf32>
    %add3A_386 = arith.addf %add3A_384, %slice3A_385 : vector<128x32xf32>
    %slice3A_387 = vector.extract_strided_slice %mul3A_246 {offsets = [8832, 0], sizes = [128, 32], strides = [1, 1]} : vector<10000x32xf32> to vector<128x32xf32>
    %add3A_388 = arith.addf %add3A_386, %slice3A_387 : vector<128x32xf32>
    %slice3A_389 = vector.extract_strided_slice %mul3A_246 {offsets = [8960, 0], sizes = [128, 32], strides = [1, 1]} : vector<10000x32xf32> to vector<128x32xf32>
    %add3A_390 = arith.addf %add3A_388, %slice3A_389 : vector<128x32xf32>
    %slice3A_391 = vector.extract_strided_slice %mul3A_246 {offsets = [9088, 0], sizes = [128, 32], strides = [1, 1]} : vector<10000x32xf32> to vector<128x32xf32>
    %add3A_392 = arith.addf %add3A_390, %slice3A_391 : vector<128x32xf32>
    %slice3A_393 = vector.extract_strided_slice %mul3A_246 {offsets = [9216, 0], sizes = [128, 32], strides = [1, 1]} : vector<10000x32xf32> to vector<128x32xf32>
    %add3A_394 = arith.addf %add3A_392, %slice3A_393 : vector<128x32xf32>
    %slice3A_395 = vector.extract_strided_slice %mul3A_246 {offsets = [9344, 0], sizes = [128, 32], strides = [1, 1]} : vector<10000x32xf32> to vector<128x32xf32>
    %add3A_396 = arith.addf %add3A_394, %slice3A_395 : vector<128x32xf32>
    %slice3A_397 = vector.extract_strided_slice %mul3A_246 {offsets = [9472, 0], sizes = [128, 32], strides = [1, 1]} : vector<10000x32xf32> to vector<128x32xf32>
    %add3A_398 = arith.addf %add3A_396, %slice3A_397 : vector<128x32xf32>
    %slice3A_399 = vector.extract_strided_slice %mul3A_246 {offsets = [9600, 0], sizes = [128, 32], strides = [1, 1]} : vector<10000x32xf32> to vector<128x32xf32>
    %add3A_400 = arith.addf %add3A_398, %slice3A_399 : vector<128x32xf32>
    %slice3A_401 = vector.extract_strided_slice %mul3A_246 {offsets = [9728, 0], sizes = [128, 32], strides = [1, 1]} : vector<10000x32xf32> to vector<128x32xf32>
    %add3A_402 = arith.addf %add3A_400, %slice3A_401 : vector<128x32xf32>
    %slice3A_403 = vector.extract_strided_slice %mul3A_246 {offsets = [9856, 0], sizes = [128, 32], strides = [1, 1]} : vector<10000x32xf32> to vector<128x32xf32>
    %add3A_404 = arith.addf %add3A_402, %slice3A_403 : vector<128x32xf32>
    %slice3A_405 = vector.extract_strided_slice %mul3A_246 {offsets = [9984, 0], sizes = [16, 32], strides = [1, 1]} : vector<10000x32xf32> to vector<16x32xf32>
    %broadcast_in_dim3A_406 = arith.constant 0.000000e+00 : f32
    %broadcast_in_dim3A_407 = vector.broadcast %broadcast_in_dim3A_406 : f32 to vector<112x32xf32>
    %concatenate3A_408 = tpu.concatenate %slice3A_405, %broadcast_in_dim3A_407 in 0 : vector<16x32xf32>, vector<112x32xf32> -> vector<128x32xf32>
    %add3A_409 = arith.addf %add3A_404, %concatenate3A_408 : vector<128x32xf32>
    %slice3A_410 = vector.extract_strided_slice %add3A_409 {offsets = [0, 0], sizes = [8, 32], strides = [1, 1]} : vector<128x32xf32> to vector<8x32xf32>
    %slice3A_411 = vector.extract_strided_slice %add3A_409 {offsets = [8, 0], sizes = [8, 32], strides = [1, 1]} : vector<128x32xf32> to vector<8x32xf32>
    %add3A_412 = arith.addf %slice3A_410, %slice3A_411 : vector<8x32xf32>
    %slice3A_413 = vector.extract_strided_slice %add3A_409 {offsets = [16, 0], sizes = [8, 32], strides = [1, 1]} : vector<128x32xf32> to vector<8x32xf32>
    %add3A_414 = arith.addf %add3A_412, %slice3A_413 : vector<8x32xf32>
    %slice3A_415 = vector.extract_strided_slice %add3A_409 {offsets = [24, 0], sizes = [8, 32], strides = [1, 1]} : vector<128x32xf32> to vector<8x32xf32>
    %add3A_416 = arith.addf %add3A_414, %slice3A_415 : vector<8x32xf32>
    %slice3A_417 = vector.extract_strided_slice %add3A_409 {offsets = [32, 0], sizes = [8, 32], strides = [1, 1]} : vector<128x32xf32> to vector<8x32xf32>
    %add3A_418 = arith.addf %add3A_416, %slice3A_417 : vector<8x32xf32>
    %slice3A_419 = vector.extract_strided_slice %add3A_409 {offsets = [40, 0], sizes = [8, 32], strides = [1, 1]} : vector<128x32xf32> to vector<8x32xf32>
    %add3A_420 = arith.addf %add3A_418, %slice3A_419 : vector<8x32xf32>
    %slice3A_421 = vector.extract_strided_slice %add3A_409 {offsets = [48, 0], sizes = [8, 32], strides = [1, 1]} : vector<128x32xf32> to vector<8x32xf32>
    %add3A_422 = arith.addf %add3A_420, %slice3A_421 : vector<8x32xf32>
    %slice3A_423 = vector.extract_strided_slice %add3A_409 {offsets = [56, 0], sizes = [8, 32], strides = [1, 1]} : vector<128x32xf32> to vector<8x32xf32>
    %add3A_424 = arith.addf %add3A_422, %slice3A_423 : vector<8x32xf32>
    %slice3A_425 = vector.extract_strided_slice %add3A_409 {offsets = [64, 0], sizes = [8, 32], strides = [1, 1]} : vector<128x32xf32> to vector<8x32xf32>
    %add3A_426 = arith.addf %add3A_424, %slice3A_425 : vector<8x32xf32>
    %slice3A_427 = vector.extract_strided_slice %add3A_409 {offsets = [72, 0], sizes = [8, 32], strides = [1, 1]} : vector<128x32xf32> to vector<8x32xf32>
    %add3A_428 = arith.addf %add3A_426, %slice3A_427 : vector<8x32xf32>
    %slice3A_429 = vector.extract_strided_slice %add3A_409 {offsets = [80, 0], sizes = [8, 32], strides = [1, 1]} : vector<128x32xf32> to vector<8x32xf32>
    %add3A_430 = arith.addf %add3A_428, %slice3A_429 : vector<8x32xf32>
    %slice3A_431 = vector.extract_strided_slice %add3A_409 {offsets = [88, 0], sizes = [8, 32], strides = [1, 1]} : vector<128x32xf32> to vector<8x32xf32>
    %add3A_432 = arith.addf %add3A_430, %slice3A_431 : vector<8x32xf32>
    %slice3A_433 = vector.extract_strided_slice %add3A_409 {offsets = [96, 0], sizes = [8, 32], strides = [1, 1]} : vector<128x32xf32> to vector<8x32xf32>
    %add3A_434 = arith.addf %add3A_432, %slice3A_433 : vector<8x32xf32>
    %slice3A_435 = vector.extract_strided_slice %add3A_409 {offsets = [104, 0], sizes = [8, 32], strides = [1, 1]} : vector<128x32xf32> to vector<8x32xf32>
    %add3A_436 = arith.addf %add3A_434, %slice3A_435 : vector<8x32xf32>
    %slice3A_437 = vector.extract_strided_slice %add3A_409 {offsets = [112, 0], sizes = [8, 32], strides = [1, 1]} : vector<128x32xf32> to vector<8x32xf32>
    %add3A_438 = arith.addf %add3A_436, %slice3A_437 : vector<8x32xf32>
    %slice3A_439 = vector.extract_strided_slice %add3A_409 {offsets = [120, 0], sizes = [8, 32], strides = [1, 1]} : vector<128x32xf32> to vector<8x32xf32>
    %add3A_440 = arith.addf %add3A_438, %slice3A_439 : vector<8x32xf32>
    %slice3A_441 = vector.extract_strided_slice %add3A_440 {offsets = [0, 0], sizes = [4, 32], strides = [1, 1]} : vector<8x32xf32> to vector<4x32xf32>
    %slice3A_442 = vector.extract_strided_slice %add3A_440 {offsets = [4, 0], sizes = [4, 32], strides = [1, 1]} : vector<8x32xf32> to vector<4x32xf32>
    %add3A_443 = arith.addf %slice3A_441, %slice3A_442 : vector<4x32xf32>
    %slice3A_444 = vector.extract_strided_slice %add3A_443 {offsets = [0, 0], sizes = [2, 32], strides = [1, 1]} : vector<4x32xf32> to vector<2x32xf32>
    %slice3A_445 = vector.extract_strided_slice %add3A_443 {offsets = [2, 0], sizes = [2, 32], strides = [1, 1]} : vector<4x32xf32> to vector<2x32xf32>
    %add3A_446 = arith.addf %slice3A_444, %slice3A_445 : vector<2x32xf32>
    %slice3A_447 = vector.extract_strided_slice %add3A_446 {offsets = [0, 0], sizes = [1, 32], strides = [1, 1]} : vector<2x32xf32> to vector<1x32xf32>
    %slice3A_448 = vector.extract_strided_slice %add3A_446 {offsets = [1, 0], sizes = [1, 32], strides = [1, 1]} : vector<2x32xf32> to vector<1x32xf32>
    %add3A_449 = arith.addf %slice3A_447, %slice3A_448 : vector<1x32xf32>
    %mul3A_450 = arith.constant 9.99999974E-5 : f32
    %mul3A_451 = vector.broadcast %mul3A_450 : f32 to vector<1x32xf32>
    %mul3A_452 = arith.mulf %add3A_449, %mul3A_451 : vector<1x32xf32>
    %add3A_453 = arith.constant 9.99999974E-6 : f32
    %add3A_454 = vector.broadcast %add3A_453 : f32 to vector<1x32xf32>
    %add3A_455 = arith.addf %mul3A_452, %add3A_454 : vector<1x32xf32>
    %sqrt3A = math.sqrt %add3A_455 : vector<1x32xf32>
    %div3A_456 = vector.broadcast %sqrt3A : vector<1x32xf32> to vector<10000x32xf32>
    %div3A_457 = arith.divf %sub3A_245, %div3A_456 : vector<10000x32xf32>
    %mul3A_458 = vector.broadcast %get3A_37 : vector<1x32xf32> to vector<10000x32xf32>
    %mul3A_459 = arith.mulf %div3A_457, %mul3A_458 : vector<10000x32xf32>
    %add3A_460 = vector.broadcast %get3A_40 : vector<1x32xf32> to vector<10000x32xf32>
    %add3A_461 = arith.addf %mul3A_459, %add3A_460 : vector<10000x32xf32>
    %max3A_462 = arith.constant 0.000000e+00 : f32
    %max3A_463 = vector.broadcast %max3A_462 : f32 to vector<10000x32xf32>
    %max3A_464 = arith.maximumf %add3A_461, %max3A_463 : vector<10000x32xf32>
    %broadcast_in_dim3A_465 = arith.constant 0.000000e+00 : f32
    %broadcast_in_dim3A_466 = vector.broadcast %broadcast_in_dim3A_465 : f32 to vector<240x32xf32>
    %concatenate3A_467 = tpu.concatenate %max3A_464, %broadcast_in_dim3A_466 in 0 : vector<10000x32xf32>, vector<240x32xf32> -> vector<10240x32xf32>
    %swap3A = arith.constant 0 : index
    %swap3A_468 = arith.constant 0 : index
    %swap3A_469 = vector.load %arg7[%swap3A, %swap3A_468] : memref<10240x32xf32, #tpu.memory_space<vmem>>, vector<10240x32xf32>
    tpu.vector_store %arg7[%swap3A, %swap3A_468], %concatenate3A_467 {strides = array<i32>} : memref<10240x32xf32, #tpu.memory_space<vmem>>, vector<10240x32xf32>,
    %swap3A_470 = arith.constant 0 : index
    %swap3A_471 = arith.constant 0 : index
    %swap3A_472 = vector.load %arg8[%swap3A_470, %swap3A_471] : memref<10000x1xf32, #tpu.memory_space<vmem>>, vector<10000x1xf32>
    tpu.vector_store %arg8[%swap3A_470, %swap3A_471], %max3A_11 {strides = array<i32>} : memref<10000x1xf32, #tpu.memory_space<vmem>>, vector<10000x1xf32>,
    return
  }
}

module attributes {stable_mosaic.version = 14 : i64} {
  func.func @_t3_body(%arg0: memref<2x10240x32xf32, #tpu.memory_space<vmem>>, %arg1: memref<10240x32xf32, #tpu.memory_space<vmem>>, %arg2: memref<32x32xf32, #tpu.memory_space<vmem>>, %arg3: memref<1x32xf32, #tpu.memory_space<vmem>>, %arg4: memref<32x32xf32, #tpu.memory_space<vmem>>, %arg5: memref<1x32xf32, #tpu.memory_space<vmem>>, %arg6: memref<1x32xf32, #tpu.memory_space<vmem>>, %arg7: memref<10000x1xf32, #tpu.memory_space<vmem>>, %arg8: memref<10240x32xf32, #tpu.memory_space<vmem>>) attributes {dimension_semantics = [], scalar_prefetch = 0 : i64, scratch_operands = 0 : i64, tpu.core_type = #tpu.core_type<tc>} {
    %get3A = arith.constant 0 : index
    %get3A_0 = arith.constant 0 : index
    %get3A_1 = arith.constant 0 : index
    %get3A_2 = vector.load %arg0[%get3A, %get3A_0, %get3A_1] : memref<2x10240x32xf32, #tpu.memory_space<vmem>>, vector<1x10240x32xf32>
    %get3A_3 = vector.shape_cast %get3A_2 : vector<1x10240x32xf32> to vector<10240x32xf32>
    %get3A_4 = arith.constant 1 : index
    %get3A_5 = arith.constant 0 : index
    %get3A_6 = arith.constant 0 : index
    %get3A_7 = vector.load %arg0[%get3A_4, %get3A_5, %get3A_6] : memref<2x10240x32xf32, #tpu.memory_space<vmem>>, vector<1x10240x32xf32>
    %get3A_8 = vector.shape_cast %get3A_7 : vector<1x10240x32xf32> to vector<10240x32xf32>
    %add3A = arith.addf %get3A_3, %get3A_8 : vector<10240x32xf32>
    %slice3A = vector.extract_strided_slice %add3A {offsets = [0, 0], sizes = [10000, 32], strides = [1, 1]} : vector<10240x32xf32> to vector<10000x32xf32>
    %get3A_9 = arith.constant 0 : index
    %get3A_10 = arith.constant 0 : index
    %get3A_11 = vector.load %arg7[%get3A_9, %get3A_10] : memref<10000x1xf32, #tpu.memory_space<vmem>>, vector<10000x1xf32>
    %broadcast_in_dim3A = vector.shape_cast %get3A_11 : vector<10000x1xf32> to vector<10000x1xf32>
    %broadcast_in_dim3A_12 = vector.broadcast %broadcast_in_dim3A : vector<10000x1xf32> to vector<10000x32xf32>
    %div3A = arith.divf %slice3A, %broadcast_in_dim3A_12 : vector<10000x32xf32>
    %convert_element_type3A = arith.truncf %div3A : vector<10000x32xf32> to vector<10000x32xbf16>
    %get3A_13 = arith.constant 0 : index
    %get3A_14 = arith.constant 0 : index
    %get3A_15 = vector.load %arg2[%get3A_13, %get3A_14] : memref<32x32xf32, #tpu.memory_space<vmem>>, vector<32x32xf32>
    %convert_element_type3A_16 = arith.truncf %get3A_15 : vector<32x32xf32> to vector<32x32xbf16>
    %dot_general3A = arith.constant dense<0.000000e+00> : vector<10000x32xf32>
    %dot_general3A_17 = tpu.matmul %convert_element_type3A, %convert_element_type3A_16, %dot_general3A {dimension_numbers = #tpu.dot_dimension_numbers<[1], [0], [0], [1], [0, 0, 1, 1], [], []>, transpose_lhs_hint = false} : vector<10000x32xbf16>, vector<32x32xbf16>, vector<10000x32xf32> -> vector<10000x32xf32>
    %get3A_18 = arith.constant 0 : index
    %get3A_19 = arith.constant 0 : index
    %get3A_20 = vector.load %arg3[%get3A_18, %get3A_19] : memref<1x32xf32, #tpu.memory_space<vmem>>, vector<1x32xf32>
    %add3A_21 = vector.broadcast %get3A_20 : vector<1x32xf32> to vector<10000x32xf32>
    %add3A_22 = arith.addf %dot_general3A_17, %add3A_21 : vector<10000x32xf32>
    %get3A_23 = arith.constant 0 : index
    %get3A_24 = arith.constant 0 : index
    %get3A_25 = vector.load %arg1[%get3A_23, %get3A_24] : memref<10240x32xf32, #tpu.memory_space<vmem>>, vector<10000x32xf32>
    %convert_element_type3A_26 = arith.truncf %get3A_25 : vector<10000x32xf32> to vector<10000x32xbf16>
    %get3A_27 = arith.constant 0 : index
    %get3A_28 = arith.constant 0 : index
    %get3A_29 = vector.load %arg4[%get3A_27, %get3A_28] : memref<32x32xf32, #tpu.memory_space<vmem>>, vector<32x32xf32>
    %convert_element_type3A_30 = arith.truncf %get3A_29 : vector<32x32xf32> to vector<32x32xbf16>
    %dot_general3A_31 = arith.constant dense<0.000000e+00> : vector<10000x32xf32>
    %dot_general3A_32 = tpu.matmul %convert_element_type3A_26, %convert_element_type3A_30, %dot_general3A_31 {dimension_numbers = #tpu.dot_dimension_numbers<[1], [0], [0], [1], [0, 0, 1, 1], [], []>, transpose_lhs_hint = false} : vector<10000x32xbf16>, vector<32x32xbf16>, vector<10000x32xf32> -> vector<10000x32xf32>
    %add3A_33 = arith.addf %add3A_22, %dot_general3A_32 : vector<10000x32xf32>
    %get3A_34 = arith.constant 0 : index
    %get3A_35 = arith.constant 0 : index
    %get3A_36 = vector.load %arg5[%get3A_34, %get3A_35] : memref<1x32xf32, #tpu.memory_space<vmem>>, vector<1x32xf32>
    %get3A_37 = arith.constant 0 : index
    %get3A_38 = arith.constant 0 : index
    %get3A_39 = vector.load %arg6[%get3A_37, %get3A_38] : memref<1x32xf32, #tpu.memory_space<vmem>>, vector<1x32xf32>
    %broadcast_in_dim3A_40 = arith.constant 0.000000e+00 : f32
    %broadcast_in_dim3A_41 = vector.broadcast %broadcast_in_dim3A_40 : f32 to vector<128x32xf32>
    %slice3A_42 = vector.extract_strided_slice %add3A_33 {offsets = [0, 0], sizes = [128, 32], strides = [1, 1]} : vector<10000x32xf32> to vector<128x32xf32>
    %add3A_43 = arith.addf %broadcast_in_dim3A_41, %slice3A_42 : vector<128x32xf32>
    %slice3A_44 = vector.extract_strided_slice %add3A_33 {offsets = [128, 0], sizes = [128, 32], strides = [1, 1]} : vector<10000x32xf32> to vector<128x32xf32>
    %add3A_45 = arith.addf %add3A_43, %slice3A_44 : vector<128x32xf32>
    %slice3A_46 = vector.extract_strided_slice %add3A_33 {offsets = [256, 0], sizes = [128, 32], strides = [1, 1]} : vector<10000x32xf32> to vector<128x32xf32>
    %add3A_47 = arith.addf %add3A_45, %slice3A_46 : vector<128x32xf32>
    %slice3A_48 = vector.extract_strided_slice %add3A_33 {offsets = [384, 0], sizes = [128, 32], strides = [1, 1]} : vector<10000x32xf32> to vector<128x32xf32>
    %add3A_49 = arith.addf %add3A_47, %slice3A_48 : vector<128x32xf32>
    %slice3A_50 = vector.extract_strided_slice %add3A_33 {offsets = [512, 0], sizes = [128, 32], strides = [1, 1]} : vector<10000x32xf32> to vector<128x32xf32>
    %add3A_51 = arith.addf %add3A_49, %slice3A_50 : vector<128x32xf32>
    %slice3A_52 = vector.extract_strided_slice %add3A_33 {offsets = [640, 0], sizes = [128, 32], strides = [1, 1]} : vector<10000x32xf32> to vector<128x32xf32>
    %add3A_53 = arith.addf %add3A_51, %slice3A_52 : vector<128x32xf32>
    %slice3A_54 = vector.extract_strided_slice %add3A_33 {offsets = [768, 0], sizes = [128, 32], strides = [1, 1]} : vector<10000x32xf32> to vector<128x32xf32>
    %add3A_55 = arith.addf %add3A_53, %slice3A_54 : vector<128x32xf32>
    %slice3A_56 = vector.extract_strided_slice %add3A_33 {offsets = [896, 0], sizes = [128, 32], strides = [1, 1]} : vector<10000x32xf32> to vector<128x32xf32>
    %add3A_57 = arith.addf %add3A_55, %slice3A_56 : vector<128x32xf32>
    %slice3A_58 = vector.extract_strided_slice %add3A_33 {offsets = [1024, 0], sizes = [128, 32], strides = [1, 1]} : vector<10000x32xf32> to vector<128x32xf32>
    %add3A_59 = arith.addf %add3A_57, %slice3A_58 : vector<128x32xf32>
    %slice3A_60 = vector.extract_strided_slice %add3A_33 {offsets = [1152, 0], sizes = [128, 32], strides = [1, 1]} : vector<10000x32xf32> to vector<128x32xf32>
    %add3A_61 = arith.addf %add3A_59, %slice3A_60 : vector<128x32xf32>
    %slice3A_62 = vector.extract_strided_slice %add3A_33 {offsets = [1280, 0], sizes = [128, 32], strides = [1, 1]} : vector<10000x32xf32> to vector<128x32xf32>
    %add3A_63 = arith.addf %add3A_61, %slice3A_62 : vector<128x32xf32>
    %slice3A_64 = vector.extract_strided_slice %add3A_33 {offsets = [1408, 0], sizes = [128, 32], strides = [1, 1]} : vector<10000x32xf32> to vector<128x32xf32>
    %add3A_65 = arith.addf %add3A_63, %slice3A_64 : vector<128x32xf32>
    %slice3A_66 = vector.extract_strided_slice %add3A_33 {offsets = [1536, 0], sizes = [128, 32], strides = [1, 1]} : vector<10000x32xf32> to vector<128x32xf32>
    %add3A_67 = arith.addf %add3A_65, %slice3A_66 : vector<128x32xf32>
    %slice3A_68 = vector.extract_strided_slice %add3A_33 {offsets = [1664, 0], sizes = [128, 32], strides = [1, 1]} : vector<10000x32xf32> to vector<128x32xf32>
    %add3A_69 = arith.addf %add3A_67, %slice3A_68 : vector<128x32xf32>
    %slice3A_70 = vector.extract_strided_slice %add3A_33 {offsets = [1792, 0], sizes = [128, 32], strides = [1, 1]} : vector<10000x32xf32> to vector<128x32xf32>
    %add3A_71 = arith.addf %add3A_69, %slice3A_70 : vector<128x32xf32>
    %slice3A_72 = vector.extract_strided_slice %add3A_33 {offsets = [1920, 0], sizes = [128, 32], strides = [1, 1]} : vector<10000x32xf32> to vector<128x32xf32>
    %add3A_73 = arith.addf %add3A_71, %slice3A_72 : vector<128x32xf32>
    %slice3A_74 = vector.extract_strided_slice %add3A_33 {offsets = [2048, 0], sizes = [128, 32], strides = [1, 1]} : vector<10000x32xf32> to vector<128x32xf32>
    %add3A_75 = arith.addf %add3A_73, %slice3A_74 : vector<128x32xf32>
    %slice3A_76 = vector.extract_strided_slice %add3A_33 {offsets = [2176, 0], sizes = [128, 32], strides = [1, 1]} : vector<10000x32xf32> to vector<128x32xf32>
    %add3A_77 = arith.addf %add3A_75, %slice3A_76 : vector<128x32xf32>
    %slice3A_78 = vector.extract_strided_slice %add3A_33 {offsets = [2304, 0], sizes = [128, 32], strides = [1, 1]} : vector<10000x32xf32> to vector<128x32xf32>
    %add3A_79 = arith.addf %add3A_77, %slice3A_78 : vector<128x32xf32>
    %slice3A_80 = vector.extract_strided_slice %add3A_33 {offsets = [2432, 0], sizes = [128, 32], strides = [1, 1]} : vector<10000x32xf32> to vector<128x32xf32>
    %add3A_81 = arith.addf %add3A_79, %slice3A_80 : vector<128x32xf32>
    %slice3A_82 = vector.extract_strided_slice %add3A_33 {offsets = [2560, 0], sizes = [128, 32], strides = [1, 1]} : vector<10000x32xf32> to vector<128x32xf32>
    %add3A_83 = arith.addf %add3A_81, %slice3A_82 : vector<128x32xf32>
    %slice3A_84 = vector.extract_strided_slice %add3A_33 {offsets = [2688, 0], sizes = [128, 32], strides = [1, 1]} : vector<10000x32xf32> to vector<128x32xf32>
    %add3A_85 = arith.addf %add3A_83, %slice3A_84 : vector<128x32xf32>
    %slice3A_86 = vector.extract_strided_slice %add3A_33 {offsets = [2816, 0], sizes = [128, 32], strides = [1, 1]} : vector<10000x32xf32> to vector<128x32xf32>
    %add3A_87 = arith.addf %add3A_85, %slice3A_86 : vector<128x32xf32>
    %slice3A_88 = vector.extract_strided_slice %add3A_33 {offsets = [2944, 0], sizes = [128, 32], strides = [1, 1]} : vector<10000x32xf32> to vector<128x32xf32>
    %add3A_89 = arith.addf %add3A_87, %slice3A_88 : vector<128x32xf32>
    %slice3A_90 = vector.extract_strided_slice %add3A_33 {offsets = [3072, 0], sizes = [128, 32], strides = [1, 1]} : vector<10000x32xf32> to vector<128x32xf32>
    %add3A_91 = arith.addf %add3A_89, %slice3A_90 : vector<128x32xf32>
    %slice3A_92 = vector.extract_strided_slice %add3A_33 {offsets = [3200, 0], sizes = [128, 32], strides = [1, 1]} : vector<10000x32xf32> to vector<128x32xf32>
    %add3A_93 = arith.addf %add3A_91, %slice3A_92 : vector<128x32xf32>
    %slice3A_94 = vector.extract_strided_slice %add3A_33 {offsets = [3328, 0], sizes = [128, 32], strides = [1, 1]} : vector<10000x32xf32> to vector<128x32xf32>
    %add3A_95 = arith.addf %add3A_93, %slice3A_94 : vector<128x32xf32>
    %slice3A_96 = vector.extract_strided_slice %add3A_33 {offsets = [3456, 0], sizes = [128, 32], strides = [1, 1]} : vector<10000x32xf32> to vector<128x32xf32>
    %add3A_97 = arith.addf %add3A_95, %slice3A_96 : vector<128x32xf32>
    %slice3A_98 = vector.extract_strided_slice %add3A_33 {offsets = [3584, 0], sizes = [128, 32], strides = [1, 1]} : vector<10000x32xf32> to vector<128x32xf32>
    %add3A_99 = arith.addf %add3A_97, %slice3A_98 : vector<128x32xf32>
    %slice3A_100 = vector.extract_strided_slice %add3A_33 {offsets = [3712, 0], sizes = [128, 32], strides = [1, 1]} : vector<10000x32xf32> to vector<128x32xf32>
    %add3A_101 = arith.addf %add3A_99, %slice3A_100 : vector<128x32xf32>
    %slice3A_102 = vector.extract_strided_slice %add3A_33 {offsets = [3840, 0], sizes = [128, 32], strides = [1, 1]} : vector<10000x32xf32> to vector<128x32xf32>
    %add3A_103 = arith.addf %add3A_101, %slice3A_102 : vector<128x32xf32>
    %slice3A_104 = vector.extract_strided_slice %add3A_33 {offsets = [3968, 0], sizes = [128, 32], strides = [1, 1]} : vector<10000x32xf32> to vector<128x32xf32>
    %add3A_105 = arith.addf %add3A_103, %slice3A_104 : vector<128x32xf32>
    %slice3A_106 = vector.extract_strided_slice %add3A_33 {offsets = [4096, 0], sizes = [128, 32], strides = [1, 1]} : vector<10000x32xf32> to vector<128x32xf32>
    %add3A_107 = arith.addf %add3A_105, %slice3A_106 : vector<128x32xf32>
    %slice3A_108 = vector.extract_strided_slice %add3A_33 {offsets = [4224, 0], sizes = [128, 32], strides = [1, 1]} : vector<10000x32xf32> to vector<128x32xf32>
    %add3A_109 = arith.addf %add3A_107, %slice3A_108 : vector<128x32xf32>
    %slice3A_110 = vector.extract_strided_slice %add3A_33 {offsets = [4352, 0], sizes = [128, 32], strides = [1, 1]} : vector<10000x32xf32> to vector<128x32xf32>
    %add3A_111 = arith.addf %add3A_109, %slice3A_110 : vector<128x32xf32>
    %slice3A_112 = vector.extract_strided_slice %add3A_33 {offsets = [4480, 0], sizes = [128, 32], strides = [1, 1]} : vector<10000x32xf32> to vector<128x32xf32>
    %add3A_113 = arith.addf %add3A_111, %slice3A_112 : vector<128x32xf32>
    %slice3A_114 = vector.extract_strided_slice %add3A_33 {offsets = [4608, 0], sizes = [128, 32], strides = [1, 1]} : vector<10000x32xf32> to vector<128x32xf32>
    %add3A_115 = arith.addf %add3A_113, %slice3A_114 : vector<128x32xf32>
    %slice3A_116 = vector.extract_strided_slice %add3A_33 {offsets = [4736, 0], sizes = [128, 32], strides = [1, 1]} : vector<10000x32xf32> to vector<128x32xf32>
    %add3A_117 = arith.addf %add3A_115, %slice3A_116 : vector<128x32xf32>
    %slice3A_118 = vector.extract_strided_slice %add3A_33 {offsets = [4864, 0], sizes = [128, 32], strides = [1, 1]} : vector<10000x32xf32> to vector<128x32xf32>
    %add3A_119 = arith.addf %add3A_117, %slice3A_118 : vector<128x32xf32>
    %slice3A_120 = vector.extract_strided_slice %add3A_33 {offsets = [4992, 0], sizes = [128, 32], strides = [1, 1]} : vector<10000x32xf32> to vector<128x32xf32>
    %add3A_121 = arith.addf %add3A_119, %slice3A_120 : vector<128x32xf32>
    %slice3A_122 = vector.extract_strided_slice %add3A_33 {offsets = [5120, 0], sizes = [128, 32], strides = [1, 1]} : vector<10000x32xf32> to vector<128x32xf32>
    %add3A_123 = arith.addf %add3A_121, %slice3A_122 : vector<128x32xf32>
    %slice3A_124 = vector.extract_strided_slice %add3A_33 {offsets = [5248, 0], sizes = [128, 32], strides = [1, 1]} : vector<10000x32xf32> to vector<128x32xf32>
    %add3A_125 = arith.addf %add3A_123, %slice3A_124 : vector<128x32xf32>
    %slice3A_126 = vector.extract_strided_slice %add3A_33 {offsets = [5376, 0], sizes = [128, 32], strides = [1, 1]} : vector<10000x32xf32> to vector<128x32xf32>
    %add3A_127 = arith.addf %add3A_125, %slice3A_126 : vector<128x32xf32>
    %slice3A_128 = vector.extract_strided_slice %add3A_33 {offsets = [5504, 0], sizes = [128, 32], strides = [1, 1]} : vector<10000x32xf32> to vector<128x32xf32>
    %add3A_129 = arith.addf %add3A_127, %slice3A_128 : vector<128x32xf32>
    %slice3A_130 = vector.extract_strided_slice %add3A_33 {offsets = [5632, 0], sizes = [128, 32], strides = [1, 1]} : vector<10000x32xf32> to vector<128x32xf32>
    %add3A_131 = arith.addf %add3A_129, %slice3A_130 : vector<128x32xf32>
    %slice3A_132 = vector.extract_strided_slice %add3A_33 {offsets = [5760, 0], sizes = [128, 32], strides = [1, 1]} : vector<10000x32xf32> to vector<128x32xf32>
    %add3A_133 = arith.addf %add3A_131, %slice3A_132 : vector<128x32xf32>
    %slice3A_134 = vector.extract_strided_slice %add3A_33 {offsets = [5888, 0], sizes = [128, 32], strides = [1, 1]} : vector<10000x32xf32> to vector<128x32xf32>
    %add3A_135 = arith.addf %add3A_133, %slice3A_134 : vector<128x32xf32>
    %slice3A_136 = vector.extract_strided_slice %add3A_33 {offsets = [6016, 0], sizes = [128, 32], strides = [1, 1]} : vector<10000x32xf32> to vector<128x32xf32>
    %add3A_137 = arith.addf %add3A_135, %slice3A_136 : vector<128x32xf32>
    %slice3A_138 = vector.extract_strided_slice %add3A_33 {offsets = [6144, 0], sizes = [128, 32], strides = [1, 1]} : vector<10000x32xf32> to vector<128x32xf32>
    %add3A_139 = arith.addf %add3A_137, %slice3A_138 : vector<128x32xf32>
    %slice3A_140 = vector.extract_strided_slice %add3A_33 {offsets = [6272, 0], sizes = [128, 32], strides = [1, 1]} : vector<10000x32xf32> to vector<128x32xf32>
    %add3A_141 = arith.addf %add3A_139, %slice3A_140 : vector<128x32xf32>
    %slice3A_142 = vector.extract_strided_slice %add3A_33 {offsets = [6400, 0], sizes = [128, 32], strides = [1, 1]} : vector<10000x32xf32> to vector<128x32xf32>
    %add3A_143 = arith.addf %add3A_141, %slice3A_142 : vector<128x32xf32>
    %slice3A_144 = vector.extract_strided_slice %add3A_33 {offsets = [6528, 0], sizes = [128, 32], strides = [1, 1]} : vector<10000x32xf32> to vector<128x32xf32>
    %add3A_145 = arith.addf %add3A_143, %slice3A_144 : vector<128x32xf32>
    %slice3A_146 = vector.extract_strided_slice %add3A_33 {offsets = [6656, 0], sizes = [128, 32], strides = [1, 1]} : vector<10000x32xf32> to vector<128x32xf32>
    %add3A_147 = arith.addf %add3A_145, %slice3A_146 : vector<128x32xf32>
    %slice3A_148 = vector.extract_strided_slice %add3A_33 {offsets = [6784, 0], sizes = [128, 32], strides = [1, 1]} : vector<10000x32xf32> to vector<128x32xf32>
    %add3A_149 = arith.addf %add3A_147, %slice3A_148 : vector<128x32xf32>
    %slice3A_150 = vector.extract_strided_slice %add3A_33 {offsets = [6912, 0], sizes = [128, 32], strides = [1, 1]} : vector<10000x32xf32> to vector<128x32xf32>
    %add3A_151 = arith.addf %add3A_149, %slice3A_150 : vector<128x32xf32>
    %slice3A_152 = vector.extract_strided_slice %add3A_33 {offsets = [7040, 0], sizes = [128, 32], strides = [1, 1]} : vector<10000x32xf32> to vector<128x32xf32>
    %add3A_153 = arith.addf %add3A_151, %slice3A_152 : vector<128x32xf32>
    %slice3A_154 = vector.extract_strided_slice %add3A_33 {offsets = [7168, 0], sizes = [128, 32], strides = [1, 1]} : vector<10000x32xf32> to vector<128x32xf32>
    %add3A_155 = arith.addf %add3A_153, %slice3A_154 : vector<128x32xf32>
    %slice3A_156 = vector.extract_strided_slice %add3A_33 {offsets = [7296, 0], sizes = [128, 32], strides = [1, 1]} : vector<10000x32xf32> to vector<128x32xf32>
    %add3A_157 = arith.addf %add3A_155, %slice3A_156 : vector<128x32xf32>
    %slice3A_158 = vector.extract_strided_slice %add3A_33 {offsets = [7424, 0], sizes = [128, 32], strides = [1, 1]} : vector<10000x32xf32> to vector<128x32xf32>
    %add3A_159 = arith.addf %add3A_157, %slice3A_158 : vector<128x32xf32>
    %slice3A_160 = vector.extract_strided_slice %add3A_33 {offsets = [7552, 0], sizes = [128, 32], strides = [1, 1]} : vector<10000x32xf32> to vector<128x32xf32>
    %add3A_161 = arith.addf %add3A_159, %slice3A_160 : vector<128x32xf32>
    %slice3A_162 = vector.extract_strided_slice %add3A_33 {offsets = [7680, 0], sizes = [128, 32], strides = [1, 1]} : vector<10000x32xf32> to vector<128x32xf32>
    %add3A_163 = arith.addf %add3A_161, %slice3A_162 : vector<128x32xf32>
    %slice3A_164 = vector.extract_strided_slice %add3A_33 {offsets = [7808, 0], sizes = [128, 32], strides = [1, 1]} : vector<10000x32xf32> to vector<128x32xf32>
    %add3A_165 = arith.addf %add3A_163, %slice3A_164 : vector<128x32xf32>
    %slice3A_166 = vector.extract_strided_slice %add3A_33 {offsets = [7936, 0], sizes = [128, 32], strides = [1, 1]} : vector<10000x32xf32> to vector<128x32xf32>
    %add3A_167 = arith.addf %add3A_165, %slice3A_166 : vector<128x32xf32>
    %slice3A_168 = vector.extract_strided_slice %add3A_33 {offsets = [8064, 0], sizes = [128, 32], strides = [1, 1]} : vector<10000x32xf32> to vector<128x32xf32>
    %add3A_169 = arith.addf %add3A_167, %slice3A_168 : vector<128x32xf32>
    %slice3A_170 = vector.extract_strided_slice %add3A_33 {offsets = [8192, 0], sizes = [128, 32], strides = [1, 1]} : vector<10000x32xf32> to vector<128x32xf32>
    %add3A_171 = arith.addf %add3A_169, %slice3A_170 : vector<128x32xf32>
    %slice3A_172 = vector.extract_strided_slice %add3A_33 {offsets = [8320, 0], sizes = [128, 32], strides = [1, 1]} : vector<10000x32xf32> to vector<128x32xf32>
    %add3A_173 = arith.addf %add3A_171, %slice3A_172 : vector<128x32xf32>
    %slice3A_174 = vector.extract_strided_slice %add3A_33 {offsets = [8448, 0], sizes = [128, 32], strides = [1, 1]} : vector<10000x32xf32> to vector<128x32xf32>
    %add3A_175 = arith.addf %add3A_173, %slice3A_174 : vector<128x32xf32>
    %slice3A_176 = vector.extract_strided_slice %add3A_33 {offsets = [8576, 0], sizes = [128, 32], strides = [1, 1]} : vector<10000x32xf32> to vector<128x32xf32>
    %add3A_177 = arith.addf %add3A_175, %slice3A_176 : vector<128x32xf32>
    %slice3A_178 = vector.extract_strided_slice %add3A_33 {offsets = [8704, 0], sizes = [128, 32], strides = [1, 1]} : vector<10000x32xf32> to vector<128x32xf32>
    %add3A_179 = arith.addf %add3A_177, %slice3A_178 : vector<128x32xf32>
    %slice3A_180 = vector.extract_strided_slice %add3A_33 {offsets = [8832, 0], sizes = [128, 32], strides = [1, 1]} : vector<10000x32xf32> to vector<128x32xf32>
    %add3A_181 = arith.addf %add3A_179, %slice3A_180 : vector<128x32xf32>
    %slice3A_182 = vector.extract_strided_slice %add3A_33 {offsets = [8960, 0], sizes = [128, 32], strides = [1, 1]} : vector<10000x32xf32> to vector<128x32xf32>
    %add3A_183 = arith.addf %add3A_181, %slice3A_182 : vector<128x32xf32>
    %slice3A_184 = vector.extract_strided_slice %add3A_33 {offsets = [9088, 0], sizes = [128, 32], strides = [1, 1]} : vector<10000x32xf32> to vector<128x32xf32>
    %add3A_185 = arith.addf %add3A_183, %slice3A_184 : vector<128x32xf32>
    %slice3A_186 = vector.extract_strided_slice %add3A_33 {offsets = [9216, 0], sizes = [128, 32], strides = [1, 1]} : vector<10000x32xf32> to vector<128x32xf32>
    %add3A_187 = arith.addf %add3A_185, %slice3A_186 : vector<128x32xf32>
    %slice3A_188 = vector.extract_strided_slice %add3A_33 {offsets = [9344, 0], sizes = [128, 32], strides = [1, 1]} : vector<10000x32xf32> to vector<128x32xf32>
    %add3A_189 = arith.addf %add3A_187, %slice3A_188 : vector<128x32xf32>
    %slice3A_190 = vector.extract_strided_slice %add3A_33 {offsets = [9472, 0], sizes = [128, 32], strides = [1, 1]} : vector<10000x32xf32> to vector<128x32xf32>
    %add3A_191 = arith.addf %add3A_189, %slice3A_190 : vector<128x32xf32>
    %slice3A_192 = vector.extract_strided_slice %add3A_33 {offsets = [9600, 0], sizes = [128, 32], strides = [1, 1]} : vector<10000x32xf32> to vector<128x32xf32>
    %add3A_193 = arith.addf %add3A_191, %slice3A_192 : vector<128x32xf32>
    %slice3A_194 = vector.extract_strided_slice %add3A_33 {offsets = [9728, 0], sizes = [128, 32], strides = [1, 1]} : vector<10000x32xf32> to vector<128x32xf32>
    %add3A_195 = arith.addf %add3A_193, %slice3A_194 : vector<128x32xf32>
    %slice3A_196 = vector.extract_strided_slice %add3A_33 {offsets = [9856, 0], sizes = [128, 32], strides = [1, 1]} : vector<10000x32xf32> to vector<128x32xf32>
    %add3A_197 = arith.addf %add3A_195, %slice3A_196 : vector<128x32xf32>
    %slice3A_198 = vector.extract_strided_slice %add3A_33 {offsets = [9984, 0], sizes = [16, 32], strides = [1, 1]} : vector<10000x32xf32> to vector<16x32xf32>
    %broadcast_in_dim3A_199 = arith.constant 0.000000e+00 : f32
    %broadcast_in_dim3A_200 = vector.broadcast %broadcast_in_dim3A_199 : f32 to vector<112x32xf32>
    %concatenate3A = tpu.concatenate %slice3A_198, %broadcast_in_dim3A_200 in 0 : vector<16x32xf32>, vector<112x32xf32> -> vector<128x32xf32>
    %add3A_201 = arith.addf %add3A_197, %concatenate3A : vector<128x32xf32>
    %slice3A_202 = vector.extract_strided_slice %add3A_201 {offsets = [0, 0], sizes = [8, 32], strides = [1, 1]} : vector<128x32xf32> to vector<8x32xf32>
    %slice3A_203 = vector.extract_strided_slice %add3A_201 {offsets = [8, 0], sizes = [8, 32], strides = [1, 1]} : vector<128x32xf32> to vector<8x32xf32>
    %add3A_204 = arith.addf %slice3A_202, %slice3A_203 : vector<8x32xf32>
    %slice3A_205 = vector.extract_strided_slice %add3A_201 {offsets = [16, 0], sizes = [8, 32], strides = [1, 1]} : vector<128x32xf32> to vector<8x32xf32>
    %add3A_206 = arith.addf %add3A_204, %slice3A_205 : vector<8x32xf32>
    %slice3A_207 = vector.extract_strided_slice %add3A_201 {offsets = [24, 0], sizes = [8, 32], strides = [1, 1]} : vector<128x32xf32> to vector<8x32xf32>
    %add3A_208 = arith.addf %add3A_206, %slice3A_207 : vector<8x32xf32>
    %slice3A_209 = vector.extract_strided_slice %add3A_201 {offsets = [32, 0], sizes = [8, 32], strides = [1, 1]} : vector<128x32xf32> to vector<8x32xf32>
    %add3A_210 = arith.addf %add3A_208, %slice3A_209 : vector<8x32xf32>
    %slice3A_211 = vector.extract_strided_slice %add3A_201 {offsets = [40, 0], sizes = [8, 32], strides = [1, 1]} : vector<128x32xf32> to vector<8x32xf32>
    %add3A_212 = arith.addf %add3A_210, %slice3A_211 : vector<8x32xf32>
    %slice3A_213 = vector.extract_strided_slice %add3A_201 {offsets = [48, 0], sizes = [8, 32], strides = [1, 1]} : vector<128x32xf32> to vector<8x32xf32>
    %add3A_214 = arith.addf %add3A_212, %slice3A_213 : vector<8x32xf32>
    %slice3A_215 = vector.extract_strided_slice %add3A_201 {offsets = [56, 0], sizes = [8, 32], strides = [1, 1]} : vector<128x32xf32> to vector<8x32xf32>
    %add3A_216 = arith.addf %add3A_214, %slice3A_215 : vector<8x32xf32>
    %slice3A_217 = vector.extract_strided_slice %add3A_201 {offsets = [64, 0], sizes = [8, 32], strides = [1, 1]} : vector<128x32xf32> to vector<8x32xf32>
    %add3A_218 = arith.addf %add3A_216, %slice3A_217 : vector<8x32xf32>
    %slice3A_219 = vector.extract_strided_slice %add3A_201 {offsets = [72, 0], sizes = [8, 32], strides = [1, 1]} : vector<128x32xf32> to vector<8x32xf32>
    %add3A_220 = arith.addf %add3A_218, %slice3A_219 : vector<8x32xf32>
    %slice3A_221 = vector.extract_strided_slice %add3A_201 {offsets = [80, 0], sizes = [8, 32], strides = [1, 1]} : vector<128x32xf32> to vector<8x32xf32>
    %add3A_222 = arith.addf %add3A_220, %slice3A_221 : vector<8x32xf32>
    %slice3A_223 = vector.extract_strided_slice %add3A_201 {offsets = [88, 0], sizes = [8, 32], strides = [1, 1]} : vector<128x32xf32> to vector<8x32xf32>
    %add3A_224 = arith.addf %add3A_222, %slice3A_223 : vector<8x32xf32>
    %slice3A_225 = vector.extract_strided_slice %add3A_201 {offsets = [96, 0], sizes = [8, 32], strides = [1, 1]} : vector<128x32xf32> to vector<8x32xf32>
    %add3A_226 = arith.addf %add3A_224, %slice3A_225 : vector<8x32xf32>
    %slice3A_227 = vector.extract_strided_slice %add3A_201 {offsets = [104, 0], sizes = [8, 32], strides = [1, 1]} : vector<128x32xf32> to vector<8x32xf32>
    %add3A_228 = arith.addf %add3A_226, %slice3A_227 : vector<8x32xf32>
    %slice3A_229 = vector.extract_strided_slice %add3A_201 {offsets = [112, 0], sizes = [8, 32], strides = [1, 1]} : vector<128x32xf32> to vector<8x32xf32>
    %add3A_230 = arith.addf %add3A_228, %slice3A_229 : vector<8x32xf32>
    %slice3A_231 = vector.extract_strided_slice %add3A_201 {offsets = [120, 0], sizes = [8, 32], strides = [1, 1]} : vector<128x32xf32> to vector<8x32xf32>
    %add3A_232 = arith.addf %add3A_230, %slice3A_231 : vector<8x32xf32>
    %slice3A_233 = vector.extract_strided_slice %add3A_232 {offsets = [0, 0], sizes = [4, 32], strides = [1, 1]} : vector<8x32xf32> to vector<4x32xf32>
    %slice3A_234 = vector.extract_strided_slice %add3A_232 {offsets = [4, 0], sizes = [4, 32], strides = [1, 1]} : vector<8x32xf32> to vector<4x32xf32>
    %add3A_235 = arith.addf %slice3A_233, %slice3A_234 : vector<4x32xf32>
    %slice3A_236 = vector.extract_strided_slice %add3A_235 {offsets = [0, 0], sizes = [2, 32], strides = [1, 1]} : vector<4x32xf32> to vector<2x32xf32>
    %slice3A_237 = vector.extract_strided_slice %add3A_235 {offsets = [2, 0], sizes = [2, 32], strides = [1, 1]} : vector<4x32xf32> to vector<2x32xf32>
    %add3A_238 = arith.addf %slice3A_236, %slice3A_237 : vector<2x32xf32>
    %slice3A_239 = vector.extract_strided_slice %add3A_238 {offsets = [0, 0], sizes = [1, 32], strides = [1, 1]} : vector<2x32xf32> to vector<1x32xf32>
    %slice3A_240 = vector.extract_strided_slice %add3A_238 {offsets = [1, 0], sizes = [1, 32], strides = [1, 1]} : vector<2x32xf32> to vector<1x32xf32>
    %add3A_241 = arith.addf %slice3A_239, %slice3A_240 : vector<1x32xf32>
    %mul3A = arith.constant 9.99999974E-5 : f32
    %mul3A_242 = vector.broadcast %mul3A : f32 to vector<1x32xf32>
    %mul3A_243 = arith.mulf %add3A_241, %mul3A_242 : vector<1x32xf32>
    %sub3A = vector.broadcast %mul3A_243 : vector<1x32xf32> to vector<10000x32xf32>
    %sub3A_244 = arith.subf %add3A_33, %sub3A : vector<10000x32xf32>
    %mul3A_245 = arith.mulf %sub3A_244, %sub3A_244 : vector<10000x32xf32>
    %broadcast_in_dim3A_246 = arith.constant 0.000000e+00 : f32
    %broadcast_in_dim3A_247 = vector.broadcast %broadcast_in_dim3A_246 : f32 to vector<128x32xf32>
    %slice3A_248 = vector.extract_strided_slice %mul3A_245 {offsets = [0, 0], sizes = [128, 32], strides = [1, 1]} : vector<10000x32xf32> to vector<128x32xf32>
    %add3A_249 = arith.addf %broadcast_in_dim3A_247, %slice3A_248 : vector<128x32xf32>
    %slice3A_250 = vector.extract_strided_slice %mul3A_245 {offsets = [128, 0], sizes = [128, 32], strides = [1, 1]} : vector<10000x32xf32> to vector<128x32xf32>
    %add3A_251 = arith.addf %add3A_249, %slice3A_250 : vector<128x32xf32>
    %slice3A_252 = vector.extract_strided_slice %mul3A_245 {offsets = [256, 0], sizes = [128, 32], strides = [1, 1]} : vector<10000x32xf32> to vector<128x32xf32>
    %add3A_253 = arith.addf %add3A_251, %slice3A_252 : vector<128x32xf32>
    %slice3A_254 = vector.extract_strided_slice %mul3A_245 {offsets = [384, 0], sizes = [128, 32], strides = [1, 1]} : vector<10000x32xf32> to vector<128x32xf32>
    %add3A_255 = arith.addf %add3A_253, %slice3A_254 : vector<128x32xf32>
    %slice3A_256 = vector.extract_strided_slice %mul3A_245 {offsets = [512, 0], sizes = [128, 32], strides = [1, 1]} : vector<10000x32xf32> to vector<128x32xf32>
    %add3A_257 = arith.addf %add3A_255, %slice3A_256 : vector<128x32xf32>
    %slice3A_258 = vector.extract_strided_slice %mul3A_245 {offsets = [640, 0], sizes = [128, 32], strides = [1, 1]} : vector<10000x32xf32> to vector<128x32xf32>
    %add3A_259 = arith.addf %add3A_257, %slice3A_258 : vector<128x32xf32>
    %slice3A_260 = vector.extract_strided_slice %mul3A_245 {offsets = [768, 0], sizes = [128, 32], strides = [1, 1]} : vector<10000x32xf32> to vector<128x32xf32>
    %add3A_261 = arith.addf %add3A_259, %slice3A_260 : vector<128x32xf32>
    %slice3A_262 = vector.extract_strided_slice %mul3A_245 {offsets = [896, 0], sizes = [128, 32], strides = [1, 1]} : vector<10000x32xf32> to vector<128x32xf32>
    %add3A_263 = arith.addf %add3A_261, %slice3A_262 : vector<128x32xf32>
    %slice3A_264 = vector.extract_strided_slice %mul3A_245 {offsets = [1024, 0], sizes = [128, 32], strides = [1, 1]} : vector<10000x32xf32> to vector<128x32xf32>
    %add3A_265 = arith.addf %add3A_263, %slice3A_264 : vector<128x32xf32>
    %slice3A_266 = vector.extract_strided_slice %mul3A_245 {offsets = [1152, 0], sizes = [128, 32], strides = [1, 1]} : vector<10000x32xf32> to vector<128x32xf32>
    %add3A_267 = arith.addf %add3A_265, %slice3A_266 : vector<128x32xf32>
    %slice3A_268 = vector.extract_strided_slice %mul3A_245 {offsets = [1280, 0], sizes = [128, 32], strides = [1, 1]} : vector<10000x32xf32> to vector<128x32xf32>
    %add3A_269 = arith.addf %add3A_267, %slice3A_268 : vector<128x32xf32>
    %slice3A_270 = vector.extract_strided_slice %mul3A_245 {offsets = [1408, 0], sizes = [128, 32], strides = [1, 1]} : vector<10000x32xf32> to vector<128x32xf32>
    %add3A_271 = arith.addf %add3A_269, %slice3A_270 : vector<128x32xf32>
    %slice3A_272 = vector.extract_strided_slice %mul3A_245 {offsets = [1536, 0], sizes = [128, 32], strides = [1, 1]} : vector<10000x32xf32> to vector<128x32xf32>
    %add3A_273 = arith.addf %add3A_271, %slice3A_272 : vector<128x32xf32>
    %slice3A_274 = vector.extract_strided_slice %mul3A_245 {offsets = [1664, 0], sizes = [128, 32], strides = [1, 1]} : vector<10000x32xf32> to vector<128x32xf32>
    %add3A_275 = arith.addf %add3A_273, %slice3A_274 : vector<128x32xf32>
    %slice3A_276 = vector.extract_strided_slice %mul3A_245 {offsets = [1792, 0], sizes = [128, 32], strides = [1, 1]} : vector<10000x32xf32> to vector<128x32xf32>
    %add3A_277 = arith.addf %add3A_275, %slice3A_276 : vector<128x32xf32>
    %slice3A_278 = vector.extract_strided_slice %mul3A_245 {offsets = [1920, 0], sizes = [128, 32], strides = [1, 1]} : vector<10000x32xf32> to vector<128x32xf32>
    %add3A_279 = arith.addf %add3A_277, %slice3A_278 : vector<128x32xf32>
    %slice3A_280 = vector.extract_strided_slice %mul3A_245 {offsets = [2048, 0], sizes = [128, 32], strides = [1, 1]} : vector<10000x32xf32> to vector<128x32xf32>
    %add3A_281 = arith.addf %add3A_279, %slice3A_280 : vector<128x32xf32>
    %slice3A_282 = vector.extract_strided_slice %mul3A_245 {offsets = [2176, 0], sizes = [128, 32], strides = [1, 1]} : vector<10000x32xf32> to vector<128x32xf32>
    %add3A_283 = arith.addf %add3A_281, %slice3A_282 : vector<128x32xf32>
    %slice3A_284 = vector.extract_strided_slice %mul3A_245 {offsets = [2304, 0], sizes = [128, 32], strides = [1, 1]} : vector<10000x32xf32> to vector<128x32xf32>
    %add3A_285 = arith.addf %add3A_283, %slice3A_284 : vector<128x32xf32>
    %slice3A_286 = vector.extract_strided_slice %mul3A_245 {offsets = [2432, 0], sizes = [128, 32], strides = [1, 1]} : vector<10000x32xf32> to vector<128x32xf32>
    %add3A_287 = arith.addf %add3A_285, %slice3A_286 : vector<128x32xf32>
    %slice3A_288 = vector.extract_strided_slice %mul3A_245 {offsets = [2560, 0], sizes = [128, 32], strides = [1, 1]} : vector<10000x32xf32> to vector<128x32xf32>
    %add3A_289 = arith.addf %add3A_287, %slice3A_288 : vector<128x32xf32>
    %slice3A_290 = vector.extract_strided_slice %mul3A_245 {offsets = [2688, 0], sizes = [128, 32], strides = [1, 1]} : vector<10000x32xf32> to vector<128x32xf32>
    %add3A_291 = arith.addf %add3A_289, %slice3A_290 : vector<128x32xf32>
    %slice3A_292 = vector.extract_strided_slice %mul3A_245 {offsets = [2816, 0], sizes = [128, 32], strides = [1, 1]} : vector<10000x32xf32> to vector<128x32xf32>
    %add3A_293 = arith.addf %add3A_291, %slice3A_292 : vector<128x32xf32>
    %slice3A_294 = vector.extract_strided_slice %mul3A_245 {offsets = [2944, 0], sizes = [128, 32], strides = [1, 1]} : vector<10000x32xf32> to vector<128x32xf32>
    %add3A_295 = arith.addf %add3A_293, %slice3A_294 : vector<128x32xf32>
    %slice3A_296 = vector.extract_strided_slice %mul3A_245 {offsets = [3072, 0], sizes = [128, 32], strides = [1, 1]} : vector<10000x32xf32> to vector<128x32xf32>
    %add3A_297 = arith.addf %add3A_295, %slice3A_296 : vector<128x32xf32>
    %slice3A_298 = vector.extract_strided_slice %mul3A_245 {offsets = [3200, 0], sizes = [128, 32], strides = [1, 1]} : vector<10000x32xf32> to vector<128x32xf32>
    %add3A_299 = arith.addf %add3A_297, %slice3A_298 : vector<128x32xf32>
    %slice3A_300 = vector.extract_strided_slice %mul3A_245 {offsets = [3328, 0], sizes = [128, 32], strides = [1, 1]} : vector<10000x32xf32> to vector<128x32xf32>
    %add3A_301 = arith.addf %add3A_299, %slice3A_300 : vector<128x32xf32>
    %slice3A_302 = vector.extract_strided_slice %mul3A_245 {offsets = [3456, 0], sizes = [128, 32], strides = [1, 1]} : vector<10000x32xf32> to vector<128x32xf32>
    %add3A_303 = arith.addf %add3A_301, %slice3A_302 : vector<128x32xf32>
    %slice3A_304 = vector.extract_strided_slice %mul3A_245 {offsets = [3584, 0], sizes = [128, 32], strides = [1, 1]} : vector<10000x32xf32> to vector<128x32xf32>
    %add3A_305 = arith.addf %add3A_303, %slice3A_304 : vector<128x32xf32>
    %slice3A_306 = vector.extract_strided_slice %mul3A_245 {offsets = [3712, 0], sizes = [128, 32], strides = [1, 1]} : vector<10000x32xf32> to vector<128x32xf32>
    %add3A_307 = arith.addf %add3A_305, %slice3A_306 : vector<128x32xf32>
    %slice3A_308 = vector.extract_strided_slice %mul3A_245 {offsets = [3840, 0], sizes = [128, 32], strides = [1, 1]} : vector<10000x32xf32> to vector<128x32xf32>
    %add3A_309 = arith.addf %add3A_307, %slice3A_308 : vector<128x32xf32>
    %slice3A_310 = vector.extract_strided_slice %mul3A_245 {offsets = [3968, 0], sizes = [128, 32], strides = [1, 1]} : vector<10000x32xf32> to vector<128x32xf32>
    %add3A_311 = arith.addf %add3A_309, %slice3A_310 : vector<128x32xf32>
    %slice3A_312 = vector.extract_strided_slice %mul3A_245 {offsets = [4096, 0], sizes = [128, 32], strides = [1, 1]} : vector<10000x32xf32> to vector<128x32xf32>
    %add3A_313 = arith.addf %add3A_311, %slice3A_312 : vector<128x32xf32>
    %slice3A_314 = vector.extract_strided_slice %mul3A_245 {offsets = [4224, 0], sizes = [128, 32], strides = [1, 1]} : vector<10000x32xf32> to vector<128x32xf32>
    %add3A_315 = arith.addf %add3A_313, %slice3A_314 : vector<128x32xf32>
    %slice3A_316 = vector.extract_strided_slice %mul3A_245 {offsets = [4352, 0], sizes = [128, 32], strides = [1, 1]} : vector<10000x32xf32> to vector<128x32xf32>
    %add3A_317 = arith.addf %add3A_315, %slice3A_316 : vector<128x32xf32>
    %slice3A_318 = vector.extract_strided_slice %mul3A_245 {offsets = [4480, 0], sizes = [128, 32], strides = [1, 1]} : vector<10000x32xf32> to vector<128x32xf32>
    %add3A_319 = arith.addf %add3A_317, %slice3A_318 : vector<128x32xf32>
    %slice3A_320 = vector.extract_strided_slice %mul3A_245 {offsets = [4608, 0], sizes = [128, 32], strides = [1, 1]} : vector<10000x32xf32> to vector<128x32xf32>
    %add3A_321 = arith.addf %add3A_319, %slice3A_320 : vector<128x32xf32>
    %slice3A_322 = vector.extract_strided_slice %mul3A_245 {offsets = [4736, 0], sizes = [128, 32], strides = [1, 1]} : vector<10000x32xf32> to vector<128x32xf32>
    %add3A_323 = arith.addf %add3A_321, %slice3A_322 : vector<128x32xf32>
    %slice3A_324 = vector.extract_strided_slice %mul3A_245 {offsets = [4864, 0], sizes = [128, 32], strides = [1, 1]} : vector<10000x32xf32> to vector<128x32xf32>
    %add3A_325 = arith.addf %add3A_323, %slice3A_324 : vector<128x32xf32>
    %slice3A_326 = vector.extract_strided_slice %mul3A_245 {offsets = [4992, 0], sizes = [128, 32], strides = [1, 1]} : vector<10000x32xf32> to vector<128x32xf32>
    %add3A_327 = arith.addf %add3A_325, %slice3A_326 : vector<128x32xf32>
    %slice3A_328 = vector.extract_strided_slice %mul3A_245 {offsets = [5120, 0], sizes = [128, 32], strides = [1, 1]} : vector<10000x32xf32> to vector<128x32xf32>
    %add3A_329 = arith.addf %add3A_327, %slice3A_328 : vector<128x32xf32>
    %slice3A_330 = vector.extract_strided_slice %mul3A_245 {offsets = [5248, 0], sizes = [128, 32], strides = [1, 1]} : vector<10000x32xf32> to vector<128x32xf32>
    %add3A_331 = arith.addf %add3A_329, %slice3A_330 : vector<128x32xf32>
    %slice3A_332 = vector.extract_strided_slice %mul3A_245 {offsets = [5376, 0], sizes = [128, 32], strides = [1, 1]} : vector<10000x32xf32> to vector<128x32xf32>
    %add3A_333 = arith.addf %add3A_331, %slice3A_332 : vector<128x32xf32>
    %slice3A_334 = vector.extract_strided_slice %mul3A_245 {offsets = [5504, 0], sizes = [128, 32], strides = [1, 1]} : vector<10000x32xf32> to vector<128x32xf32>
    %add3A_335 = arith.addf %add3A_333, %slice3A_334 : vector<128x32xf32>
    %slice3A_336 = vector.extract_strided_slice %mul3A_245 {offsets = [5632, 0], sizes = [128, 32], strides = [1, 1]} : vector<10000x32xf32> to vector<128x32xf32>
    %add3A_337 = arith.addf %add3A_335, %slice3A_336 : vector<128x32xf32>
    %slice3A_338 = vector.extract_strided_slice %mul3A_245 {offsets = [5760, 0], sizes = [128, 32], strides = [1, 1]} : vector<10000x32xf32> to vector<128x32xf32>
    %add3A_339 = arith.addf %add3A_337, %slice3A_338 : vector<128x32xf32>
    %slice3A_340 = vector.extract_strided_slice %mul3A_245 {offsets = [5888, 0], sizes = [128, 32], strides = [1, 1]} : vector<10000x32xf32> to vector<128x32xf32>
    %add3A_341 = arith.addf %add3A_339, %slice3A_340 : vector<128x32xf32>
    %slice3A_342 = vector.extract_strided_slice %mul3A_245 {offsets = [6016, 0], sizes = [128, 32], strides = [1, 1]} : vector<10000x32xf32> to vector<128x32xf32>
    %add3A_343 = arith.addf %add3A_341, %slice3A_342 : vector<128x32xf32>
    %slice3A_344 = vector.extract_strided_slice %mul3A_245 {offsets = [6144, 0], sizes = [128, 32], strides = [1, 1]} : vector<10000x32xf32> to vector<128x32xf32>
    %add3A_345 = arith.addf %add3A_343, %slice3A_344 : vector<128x32xf32>
    %slice3A_346 = vector.extract_strided_slice %mul3A_245 {offsets = [6272, 0], sizes = [128, 32], strides = [1, 1]} : vector<10000x32xf32> to vector<128x32xf32>
    %add3A_347 = arith.addf %add3A_345, %slice3A_346 : vector<128x32xf32>
    %slice3A_348 = vector.extract_strided_slice %mul3A_245 {offsets = [6400, 0], sizes = [128, 32], strides = [1, 1]} : vector<10000x32xf32> to vector<128x32xf32>
    %add3A_349 = arith.addf %add3A_347, %slice3A_348 : vector<128x32xf32>
    %slice3A_350 = vector.extract_strided_slice %mul3A_245 {offsets = [6528, 0], sizes = [128, 32], strides = [1, 1]} : vector<10000x32xf32> to vector<128x32xf32>
    %add3A_351 = arith.addf %add3A_349, %slice3A_350 : vector<128x32xf32>
    %slice3A_352 = vector.extract_strided_slice %mul3A_245 {offsets = [6656, 0], sizes = [128, 32], strides = [1, 1]} : vector<10000x32xf32> to vector<128x32xf32>
    %add3A_353 = arith.addf %add3A_351, %slice3A_352 : vector<128x32xf32>
    %slice3A_354 = vector.extract_strided_slice %mul3A_245 {offsets = [6784, 0], sizes = [128, 32], strides = [1, 1]} : vector<10000x32xf32> to vector<128x32xf32>
    %add3A_355 = arith.addf %add3A_353, %slice3A_354 : vector<128x32xf32>
    %slice3A_356 = vector.extract_strided_slice %mul3A_245 {offsets = [6912, 0], sizes = [128, 32], strides = [1, 1]} : vector<10000x32xf32> to vector<128x32xf32>
    %add3A_357 = arith.addf %add3A_355, %slice3A_356 : vector<128x32xf32>
    %slice3A_358 = vector.extract_strided_slice %mul3A_245 {offsets = [7040, 0], sizes = [128, 32], strides = [1, 1]} : vector<10000x32xf32> to vector<128x32xf32>
    %add3A_359 = arith.addf %add3A_357, %slice3A_358 : vector<128x32xf32>
    %slice3A_360 = vector.extract_strided_slice %mul3A_245 {offsets = [7168, 0], sizes = [128, 32], strides = [1, 1]} : vector<10000x32xf32> to vector<128x32xf32>
    %add3A_361 = arith.addf %add3A_359, %slice3A_360 : vector<128x32xf32>
    %slice3A_362 = vector.extract_strided_slice %mul3A_245 {offsets = [7296, 0], sizes = [128, 32], strides = [1, 1]} : vector<10000x32xf32> to vector<128x32xf32>
    %add3A_363 = arith.addf %add3A_361, %slice3A_362 : vector<128x32xf32>
    %slice3A_364 = vector.extract_strided_slice %mul3A_245 {offsets = [7424, 0], sizes = [128, 32], strides = [1, 1]} : vector<10000x32xf32> to vector<128x32xf32>
    %add3A_365 = arith.addf %add3A_363, %slice3A_364 : vector<128x32xf32>
    %slice3A_366 = vector.extract_strided_slice %mul3A_245 {offsets = [7552, 0], sizes = [128, 32], strides = [1, 1]} : vector<10000x32xf32> to vector<128x32xf32>
    %add3A_367 = arith.addf %add3A_365, %slice3A_366 : vector<128x32xf32>
    %slice3A_368 = vector.extract_strided_slice %mul3A_245 {offsets = [7680, 0], sizes = [128, 32], strides = [1, 1]} : vector<10000x32xf32> to vector<128x32xf32>
    %add3A_369 = arith.addf %add3A_367, %slice3A_368 : vector<128x32xf32>
    %slice3A_370 = vector.extract_strided_slice %mul3A_245 {offsets = [7808, 0], sizes = [128, 32], strides = [1, 1]} : vector<10000x32xf32> to vector<128x32xf32>
    %add3A_371 = arith.addf %add3A_369, %slice3A_370 : vector<128x32xf32>
    %slice3A_372 = vector.extract_strided_slice %mul3A_245 {offsets = [7936, 0], sizes = [128, 32], strides = [1, 1]} : vector<10000x32xf32> to vector<128x32xf32>
    %add3A_373 = arith.addf %add3A_371, %slice3A_372 : vector<128x32xf32>
    %slice3A_374 = vector.extract_strided_slice %mul3A_245 {offsets = [8064, 0], sizes = [128, 32], strides = [1, 1]} : vector<10000x32xf32> to vector<128x32xf32>
    %add3A_375 = arith.addf %add3A_373, %slice3A_374 : vector<128x32xf32>
    %slice3A_376 = vector.extract_strided_slice %mul3A_245 {offsets = [8192, 0], sizes = [128, 32], strides = [1, 1]} : vector<10000x32xf32> to vector<128x32xf32>
    %add3A_377 = arith.addf %add3A_375, %slice3A_376 : vector<128x32xf32>
    %slice3A_378 = vector.extract_strided_slice %mul3A_245 {offsets = [8320, 0], sizes = [128, 32], strides = [1, 1]} : vector<10000x32xf32> to vector<128x32xf32>
    %add3A_379 = arith.addf %add3A_377, %slice3A_378 : vector<128x32xf32>
    %slice3A_380 = vector.extract_strided_slice %mul3A_245 {offsets = [8448, 0], sizes = [128, 32], strides = [1, 1]} : vector<10000x32xf32> to vector<128x32xf32>
    %add3A_381 = arith.addf %add3A_379, %slice3A_380 : vector<128x32xf32>
    %slice3A_382 = vector.extract_strided_slice %mul3A_245 {offsets = [8576, 0], sizes = [128, 32], strides = [1, 1]} : vector<10000x32xf32> to vector<128x32xf32>
    %add3A_383 = arith.addf %add3A_381, %slice3A_382 : vector<128x32xf32>
    %slice3A_384 = vector.extract_strided_slice %mul3A_245 {offsets = [8704, 0], sizes = [128, 32], strides = [1, 1]} : vector<10000x32xf32> to vector<128x32xf32>
    %add3A_385 = arith.addf %add3A_383, %slice3A_384 : vector<128x32xf32>
    %slice3A_386 = vector.extract_strided_slice %mul3A_245 {offsets = [8832, 0], sizes = [128, 32], strides = [1, 1]} : vector<10000x32xf32> to vector<128x32xf32>
    %add3A_387 = arith.addf %add3A_385, %slice3A_386 : vector<128x32xf32>
    %slice3A_388 = vector.extract_strided_slice %mul3A_245 {offsets = [8960, 0], sizes = [128, 32], strides = [1, 1]} : vector<10000x32xf32> to vector<128x32xf32>
    %add3A_389 = arith.addf %add3A_387, %slice3A_388 : vector<128x32xf32>
    %slice3A_390 = vector.extract_strided_slice %mul3A_245 {offsets = [9088, 0], sizes = [128, 32], strides = [1, 1]} : vector<10000x32xf32> to vector<128x32xf32>
    %add3A_391 = arith.addf %add3A_389, %slice3A_390 : vector<128x32xf32>
    %slice3A_392 = vector.extract_strided_slice %mul3A_245 {offsets = [9216, 0], sizes = [128, 32], strides = [1, 1]} : vector<10000x32xf32> to vector<128x32xf32>
    %add3A_393 = arith.addf %add3A_391, %slice3A_392 : vector<128x32xf32>
    %slice3A_394 = vector.extract_strided_slice %mul3A_245 {offsets = [9344, 0], sizes = [128, 32], strides = [1, 1]} : vector<10000x32xf32> to vector<128x32xf32>
    %add3A_395 = arith.addf %add3A_393, %slice3A_394 : vector<128x32xf32>
    %slice3A_396 = vector.extract_strided_slice %mul3A_245 {offsets = [9472, 0], sizes = [128, 32], strides = [1, 1]} : vector<10000x32xf32> to vector<128x32xf32>
    %add3A_397 = arith.addf %add3A_395, %slice3A_396 : vector<128x32xf32>
    %slice3A_398 = vector.extract_strided_slice %mul3A_245 {offsets = [9600, 0], sizes = [128, 32], strides = [1, 1]} : vector<10000x32xf32> to vector<128x32xf32>
    %add3A_399 = arith.addf %add3A_397, %slice3A_398 : vector<128x32xf32>
    %slice3A_400 = vector.extract_strided_slice %mul3A_245 {offsets = [9728, 0], sizes = [128, 32], strides = [1, 1]} : vector<10000x32xf32> to vector<128x32xf32>
    %add3A_401 = arith.addf %add3A_399, %slice3A_400 : vector<128x32xf32>
    %slice3A_402 = vector.extract_strided_slice %mul3A_245 {offsets = [9856, 0], sizes = [128, 32], strides = [1, 1]} : vector<10000x32xf32> to vector<128x32xf32>
    %add3A_403 = arith.addf %add3A_401, %slice3A_402 : vector<128x32xf32>
    %slice3A_404 = vector.extract_strided_slice %mul3A_245 {offsets = [9984, 0], sizes = [16, 32], strides = [1, 1]} : vector<10000x32xf32> to vector<16x32xf32>
    %broadcast_in_dim3A_405 = arith.constant 0.000000e+00 : f32
    %broadcast_in_dim3A_406 = vector.broadcast %broadcast_in_dim3A_405 : f32 to vector<112x32xf32>
    %concatenate3A_407 = tpu.concatenate %slice3A_404, %broadcast_in_dim3A_406 in 0 : vector<16x32xf32>, vector<112x32xf32> -> vector<128x32xf32>
    %add3A_408 = arith.addf %add3A_403, %concatenate3A_407 : vector<128x32xf32>
    %slice3A_409 = vector.extract_strided_slice %add3A_408 {offsets = [0, 0], sizes = [8, 32], strides = [1, 1]} : vector<128x32xf32> to vector<8x32xf32>
    %slice3A_410 = vector.extract_strided_slice %add3A_408 {offsets = [8, 0], sizes = [8, 32], strides = [1, 1]} : vector<128x32xf32> to vector<8x32xf32>
    %add3A_411 = arith.addf %slice3A_409, %slice3A_410 : vector<8x32xf32>
    %slice3A_412 = vector.extract_strided_slice %add3A_408 {offsets = [16, 0], sizes = [8, 32], strides = [1, 1]} : vector<128x32xf32> to vector<8x32xf32>
    %add3A_413 = arith.addf %add3A_411, %slice3A_412 : vector<8x32xf32>
    %slice3A_414 = vector.extract_strided_slice %add3A_408 {offsets = [24, 0], sizes = [8, 32], strides = [1, 1]} : vector<128x32xf32> to vector<8x32xf32>
    %add3A_415 = arith.addf %add3A_413, %slice3A_414 : vector<8x32xf32>
    %slice3A_416 = vector.extract_strided_slice %add3A_408 {offsets = [32, 0], sizes = [8, 32], strides = [1, 1]} : vector<128x32xf32> to vector<8x32xf32>
    %add3A_417 = arith.addf %add3A_415, %slice3A_416 : vector<8x32xf32>
    %slice3A_418 = vector.extract_strided_slice %add3A_408 {offsets = [40, 0], sizes = [8, 32], strides = [1, 1]} : vector<128x32xf32> to vector<8x32xf32>
    %add3A_419 = arith.addf %add3A_417, %slice3A_418 : vector<8x32xf32>
    %slice3A_420 = vector.extract_strided_slice %add3A_408 {offsets = [48, 0], sizes = [8, 32], strides = [1, 1]} : vector<128x32xf32> to vector<8x32xf32>
    %add3A_421 = arith.addf %add3A_419, %slice3A_420 : vector<8x32xf32>
    %slice3A_422 = vector.extract_strided_slice %add3A_408 {offsets = [56, 0], sizes = [8, 32], strides = [1, 1]} : vector<128x32xf32> to vector<8x32xf32>
    %add3A_423 = arith.addf %add3A_421, %slice3A_422 : vector<8x32xf32>
    %slice3A_424 = vector.extract_strided_slice %add3A_408 {offsets = [64, 0], sizes = [8, 32], strides = [1, 1]} : vector<128x32xf32> to vector<8x32xf32>
    %add3A_425 = arith.addf %add3A_423, %slice3A_424 : vector<8x32xf32>
    %slice3A_426 = vector.extract_strided_slice %add3A_408 {offsets = [72, 0], sizes = [8, 32], strides = [1, 1]} : vector<128x32xf32> to vector<8x32xf32>
    %add3A_427 = arith.addf %add3A_425, %slice3A_426 : vector<8x32xf32>
    %slice3A_428 = vector.extract_strided_slice %add3A_408 {offsets = [80, 0], sizes = [8, 32], strides = [1, 1]} : vector<128x32xf32> to vector<8x32xf32>
    %add3A_429 = arith.addf %add3A_427, %slice3A_428 : vector<8x32xf32>
    %slice3A_430 = vector.extract_strided_slice %add3A_408 {offsets = [88, 0], sizes = [8, 32], strides = [1, 1]} : vector<128x32xf32> to vector<8x32xf32>
    %add3A_431 = arith.addf %add3A_429, %slice3A_430 : vector<8x32xf32>
    %slice3A_432 = vector.extract_strided_slice %add3A_408 {offsets = [96, 0], sizes = [8, 32], strides = [1, 1]} : vector<128x32xf32> to vector<8x32xf32>
    %add3A_433 = arith.addf %add3A_431, %slice3A_432 : vector<8x32xf32>
    %slice3A_434 = vector.extract_strided_slice %add3A_408 {offsets = [104, 0], sizes = [8, 32], strides = [1, 1]} : vector<128x32xf32> to vector<8x32xf32>
    %add3A_435 = arith.addf %add3A_433, %slice3A_434 : vector<8x32xf32>
    %slice3A_436 = vector.extract_strided_slice %add3A_408 {offsets = [112, 0], sizes = [8, 32], strides = [1, 1]} : vector<128x32xf32> to vector<8x32xf32>
    %add3A_437 = arith.addf %add3A_435, %slice3A_436 : vector<8x32xf32>
    %slice3A_438 = vector.extract_strided_slice %add3A_408 {offsets = [120, 0], sizes = [8, 32], strides = [1, 1]} : vector<128x32xf32> to vector<8x32xf32>
    %add3A_439 = arith.addf %add3A_437, %slice3A_438 : vector<8x32xf32>
    %slice3A_440 = vector.extract_strided_slice %add3A_439 {offsets = [0, 0], sizes = [4, 32], strides = [1, 1]} : vector<8x32xf32> to vector<4x32xf32>
    %slice3A_441 = vector.extract_strided_slice %add3A_439 {offsets = [4, 0], sizes = [4, 32], strides = [1, 1]} : vector<8x32xf32> to vector<4x32xf32>
    %add3A_442 = arith.addf %slice3A_440, %slice3A_441 : vector<4x32xf32>
    %slice3A_443 = vector.extract_strided_slice %add3A_442 {offsets = [0, 0], sizes = [2, 32], strides = [1, 1]} : vector<4x32xf32> to vector<2x32xf32>
    %slice3A_444 = vector.extract_strided_slice %add3A_442 {offsets = [2, 0], sizes = [2, 32], strides = [1, 1]} : vector<4x32xf32> to vector<2x32xf32>
    %add3A_445 = arith.addf %slice3A_443, %slice3A_444 : vector<2x32xf32>
    %slice3A_446 = vector.extract_strided_slice %add3A_445 {offsets = [0, 0], sizes = [1, 32], strides = [1, 1]} : vector<2x32xf32> to vector<1x32xf32>
    %slice3A_447 = vector.extract_strided_slice %add3A_445 {offsets = [1, 0], sizes = [1, 32], strides = [1, 1]} : vector<2x32xf32> to vector<1x32xf32>
    %add3A_448 = arith.addf %slice3A_446, %slice3A_447 : vector<1x32xf32>
    %mul3A_449 = arith.constant 9.99999974E-5 : f32
    %mul3A_450 = vector.broadcast %mul3A_449 : f32 to vector<1x32xf32>
    %mul3A_451 = arith.mulf %add3A_448, %mul3A_450 : vector<1x32xf32>
    %add3A_452 = arith.constant 9.99999974E-6 : f32
    %add3A_453 = vector.broadcast %add3A_452 : f32 to vector<1x32xf32>
    %add3A_454 = arith.addf %mul3A_451, %add3A_453 : vector<1x32xf32>
    %sqrt3A = math.sqrt %add3A_454 : vector<1x32xf32>
    %div3A_455 = vector.broadcast %sqrt3A : vector<1x32xf32> to vector<10000x32xf32>
    %div3A_456 = arith.divf %sub3A_244, %div3A_455 : vector<10000x32xf32>
    %mul3A_457 = vector.broadcast %get3A_36 : vector<1x32xf32> to vector<10000x32xf32>
    %mul3A_458 = arith.mulf %div3A_456, %mul3A_457 : vector<10000x32xf32>
    %add3A_459 = vector.broadcast %get3A_39 : vector<1x32xf32> to vector<10000x32xf32>
    %add3A_460 = arith.addf %mul3A_458, %add3A_459 : vector<10000x32xf32>
    %max3A = arith.constant 0.000000e+00 : f32
    %max3A_461 = vector.broadcast %max3A : f32 to vector<10000x32xf32>
    %max3A_462 = arith.maximumf %add3A_460, %max3A_461 : vector<10000x32xf32>
    %broadcast_in_dim3A_463 = arith.constant 0.000000e+00 : f32
    %broadcast_in_dim3A_464 = vector.broadcast %broadcast_in_dim3A_463 : f32 to vector<240x32xf32>
    %concatenate3A_465 = tpu.concatenate %max3A_462, %broadcast_in_dim3A_464 in 0 : vector<10000x32xf32>, vector<240x32xf32> -> vector<10240x32xf32>
    %swap3A = arith.constant 0 : index
    %swap3A_466 = arith.constant 0 : index
    %swap3A_467 = vector.load %arg8[%swap3A, %swap3A_466] : memref<10240x32xf32, #tpu.memory_space<vmem>>, vector<10240x32xf32>
    tpu.vector_store %arg8[%swap3A, %swap3A_466], %concatenate3A_465 {strides = array<i32>} : memref<10240x32xf32, #tpu.memory_space<vmem>>, vector<10240x32xf32>,
    return
  }
}

module attributes {stable_mosaic.version = 14 : i64} {
  func.func @_t3_body(%arg0: memref<2x10240x32xf32, #tpu.memory_space<vmem>>, %arg1: memref<10240x32xf32, #tpu.memory_space<vmem>>, %arg2: memref<32x32xf32, #tpu.memory_space<vmem>>, %arg3: memref<1x32xf32, #tpu.memory_space<vmem>>, %arg4: memref<32x32xf32, #tpu.memory_space<vmem>>, %arg5: memref<1x32xf32, #tpu.memory_space<vmem>>, %arg6: memref<1x32xf32, #tpu.memory_space<vmem>>, %arg7: memref<10000x1xf32, #tpu.memory_space<vmem>>, %arg8: memref<10240x32xf32, #tpu.memory_space<vmem>>) attributes {dimension_semantics = [], scalar_prefetch = 0 : i64, scratch_operands = 0 : i64, tpu.core_type = #tpu.core_type<tc>} {
    %get3A = arith.constant 0 : index
    %get3A_0 = arith.constant 0 : index
    %get3A_1 = arith.constant 0 : index
    %get3A_2 = vector.load %arg0[%get3A, %get3A_0, %get3A_1] : memref<2x10240x32xf32, #tpu.memory_space<vmem>>, vector<1x10240x32xf32>
    %get3A_3 = vector.shape_cast %get3A_2 : vector<1x10240x32xf32> to vector<10240x32xf32>
    %get3A_4 = arith.constant 1 : index
    %get3A_5 = arith.constant 0 : index
    %get3A_6 = arith.constant 0 : index
    %get3A_7 = vector.load %arg0[%get3A_4, %get3A_5, %get3A_6] : memref<2x10240x32xf32, #tpu.memory_space<vmem>>, vector<1x10240x32xf32>
    %get3A_8 = vector.shape_cast %get3A_7 : vector<1x10240x32xf32> to vector<10240x32xf32>
    %add3A = arith.addf %get3A_3, %get3A_8 : vector<10240x32xf32>
    %slice3A = vector.extract_strided_slice %add3A {offsets = [0, 0], sizes = [10000, 32], strides = [1, 1]} : vector<10240x32xf32> to vector<10000x32xf32>
    %get3A_9 = arith.constant 0 : index
    %get3A_10 = arith.constant 0 : index
    %get3A_11 = vector.load %arg7[%get3A_9, %get3A_10] : memref<10000x1xf32, #tpu.memory_space<vmem>>, vector<10000x1xf32>
    %broadcast_in_dim3A = vector.shape_cast %get3A_11 : vector<10000x1xf32> to vector<10000x1xf32>
    %broadcast_in_dim3A_12 = vector.broadcast %broadcast_in_dim3A : vector<10000x1xf32> to vector<10000x32xf32>
    %div3A = arith.divf %slice3A, %broadcast_in_dim3A_12 : vector<10000x32xf32>
    %convert_element_type3A = arith.truncf %div3A : vector<10000x32xf32> to vector<10000x32xbf16>
    %get3A_13 = arith.constant 0 : index
    %get3A_14 = arith.constant 0 : index
    %get3A_15 = vector.load %arg2[%get3A_13, %get3A_14] : memref<32x32xf32, #tpu.memory_space<vmem>>, vector<32x32xf32>
    %convert_element_type3A_16 = arith.truncf %get3A_15 : vector<32x32xf32> to vector<32x32xbf16>
    %dot_general3A = arith.constant dense<0.000000e+00> : vector<10000x32xf32>
    %dot_general3A_17 = tpu.matmul %convert_element_type3A, %convert_element_type3A_16, %dot_general3A {dimension_numbers = #tpu.dot_dimension_numbers<[1], [0], [0], [1], [0, 0, 1, 1], [], []>, transpose_lhs_hint = false} : vector<10000x32xbf16>, vector<32x32xbf16>, vector<10000x32xf32> -> vector<10000x32xf32>
    %get3A_18 = arith.constant 0 : index
    %get3A_19 = arith.constant 0 : index
    %get3A_20 = vector.load %arg3[%get3A_18, %get3A_19] : memref<1x32xf32, #tpu.memory_space<vmem>>, vector<1x32xf32>
    %add3A_21 = vector.broadcast %get3A_20 : vector<1x32xf32> to vector<10000x32xf32>
    %add3A_22 = arith.addf %dot_general3A_17, %add3A_21 : vector<10000x32xf32>
    %get3A_23 = arith.constant 0 : index
    %get3A_24 = arith.constant 0 : index
    %get3A_25 = vector.load %arg1[%get3A_23, %get3A_24] : memref<10240x32xf32, #tpu.memory_space<vmem>>, vector<10000x32xf32>
    %convert_element_type3A_26 = arith.truncf %get3A_25 : vector<10000x32xf32> to vector<10000x32xbf16>
    %get3A_27 = arith.constant 0 : index
    %get3A_28 = arith.constant 0 : index
    %get3A_29 = vector.load %arg4[%get3A_27, %get3A_28] : memref<32x32xf32, #tpu.memory_space<vmem>>, vector<32x32xf32>
    %convert_element_type3A_30 = arith.truncf %get3A_29 : vector<32x32xf32> to vector<32x32xbf16>
    %dot_general3A_31 = arith.constant dense<0.000000e+00> : vector<10000x32xf32>
    %dot_general3A_32 = tpu.matmul %convert_element_type3A_26, %convert_element_type3A_30, %dot_general3A_31 {dimension_numbers = #tpu.dot_dimension_numbers<[1], [0], [0], [1], [0, 0, 1, 1], [], []>, transpose_lhs_hint = false} : vector<10000x32xbf16>, vector<32x32xbf16>, vector<10000x32xf32> -> vector<10000x32xf32>
    %add3A_33 = arith.addf %add3A_22, %dot_general3A_32 : vector<10000x32xf32>
    %get3A_34 = arith.constant 0 : index
    %get3A_35 = arith.constant 0 : index
    %get3A_36 = vector.load %arg5[%get3A_34, %get3A_35] : memref<1x32xf32, #tpu.memory_space<vmem>>, vector<1x32xf32>
    %get3A_37 = arith.constant 0 : index
    %get3A_38 = arith.constant 0 : index
    %get3A_39 = vector.load %arg6[%get3A_37, %get3A_38] : memref<1x32xf32, #tpu.memory_space<vmem>>, vector<1x32xf32>
    %broadcast_in_dim3A_40 = arith.constant 0.000000e+00 : f32
    %broadcast_in_dim3A_41 = vector.broadcast %broadcast_in_dim3A_40 : f32 to vector<128x32xf32>
    %slice3A_42 = vector.extract_strided_slice %add3A_33 {offsets = [0, 0], sizes = [128, 32], strides = [1, 1]} : vector<10000x32xf32> to vector<128x32xf32>
    %add3A_43 = arith.addf %broadcast_in_dim3A_41, %slice3A_42 : vector<128x32xf32>
    %slice3A_44 = vector.extract_strided_slice %add3A_33 {offsets = [128, 0], sizes = [128, 32], strides = [1, 1]} : vector<10000x32xf32> to vector<128x32xf32>
    %add3A_45 = arith.addf %add3A_43, %slice3A_44 : vector<128x32xf32>
    %slice3A_46 = vector.extract_strided_slice %add3A_33 {offsets = [256, 0], sizes = [128, 32], strides = [1, 1]} : vector<10000x32xf32> to vector<128x32xf32>
    %add3A_47 = arith.addf %add3A_45, %slice3A_46 : vector<128x32xf32>
    %slice3A_48 = vector.extract_strided_slice %add3A_33 {offsets = [384, 0], sizes = [128, 32], strides = [1, 1]} : vector<10000x32xf32> to vector<128x32xf32>
    %add3A_49 = arith.addf %add3A_47, %slice3A_48 : vector<128x32xf32>
    %slice3A_50 = vector.extract_strided_slice %add3A_33 {offsets = [512, 0], sizes = [128, 32], strides = [1, 1]} : vector<10000x32xf32> to vector<128x32xf32>
    %add3A_51 = arith.addf %add3A_49, %slice3A_50 : vector<128x32xf32>
    %slice3A_52 = vector.extract_strided_slice %add3A_33 {offsets = [640, 0], sizes = [128, 32], strides = [1, 1]} : vector<10000x32xf32> to vector<128x32xf32>
    %add3A_53 = arith.addf %add3A_51, %slice3A_52 : vector<128x32xf32>
    %slice3A_54 = vector.extract_strided_slice %add3A_33 {offsets = [768, 0], sizes = [128, 32], strides = [1, 1]} : vector<10000x32xf32> to vector<128x32xf32>
    %add3A_55 = arith.addf %add3A_53, %slice3A_54 : vector<128x32xf32>
    %slice3A_56 = vector.extract_strided_slice %add3A_33 {offsets = [896, 0], sizes = [128, 32], strides = [1, 1]} : vector<10000x32xf32> to vector<128x32xf32>
    %add3A_57 = arith.addf %add3A_55, %slice3A_56 : vector<128x32xf32>
    %slice3A_58 = vector.extract_strided_slice %add3A_33 {offsets = [1024, 0], sizes = [128, 32], strides = [1, 1]} : vector<10000x32xf32> to vector<128x32xf32>
    %add3A_59 = arith.addf %add3A_57, %slice3A_58 : vector<128x32xf32>
    %slice3A_60 = vector.extract_strided_slice %add3A_33 {offsets = [1152, 0], sizes = [128, 32], strides = [1, 1]} : vector<10000x32xf32> to vector<128x32xf32>
    %add3A_61 = arith.addf %add3A_59, %slice3A_60 : vector<128x32xf32>
    %slice3A_62 = vector.extract_strided_slice %add3A_33 {offsets = [1280, 0], sizes = [128, 32], strides = [1, 1]} : vector<10000x32xf32> to vector<128x32xf32>
    %add3A_63 = arith.addf %add3A_61, %slice3A_62 : vector<128x32xf32>
    %slice3A_64 = vector.extract_strided_slice %add3A_33 {offsets = [1408, 0], sizes = [128, 32], strides = [1, 1]} : vector<10000x32xf32> to vector<128x32xf32>
    %add3A_65 = arith.addf %add3A_63, %slice3A_64 : vector<128x32xf32>
    %slice3A_66 = vector.extract_strided_slice %add3A_33 {offsets = [1536, 0], sizes = [128, 32], strides = [1, 1]} : vector<10000x32xf32> to vector<128x32xf32>
    %add3A_67 = arith.addf %add3A_65, %slice3A_66 : vector<128x32xf32>
    %slice3A_68 = vector.extract_strided_slice %add3A_33 {offsets = [1664, 0], sizes = [128, 32], strides = [1, 1]} : vector<10000x32xf32> to vector<128x32xf32>
    %add3A_69 = arith.addf %add3A_67, %slice3A_68 : vector<128x32xf32>
    %slice3A_70 = vector.extract_strided_slice %add3A_33 {offsets = [1792, 0], sizes = [128, 32], strides = [1, 1]} : vector<10000x32xf32> to vector<128x32xf32>
    %add3A_71 = arith.addf %add3A_69, %slice3A_70 : vector<128x32xf32>
    %slice3A_72 = vector.extract_strided_slice %add3A_33 {offsets = [1920, 0], sizes = [128, 32], strides = [1, 1]} : vector<10000x32xf32> to vector<128x32xf32>
    %add3A_73 = arith.addf %add3A_71, %slice3A_72 : vector<128x32xf32>
    %slice3A_74 = vector.extract_strided_slice %add3A_33 {offsets = [2048, 0], sizes = [128, 32], strides = [1, 1]} : vector<10000x32xf32> to vector<128x32xf32>
    %add3A_75 = arith.addf %add3A_73, %slice3A_74 : vector<128x32xf32>
    %slice3A_76 = vector.extract_strided_slice %add3A_33 {offsets = [2176, 0], sizes = [128, 32], strides = [1, 1]} : vector<10000x32xf32> to vector<128x32xf32>
    %add3A_77 = arith.addf %add3A_75, %slice3A_76 : vector<128x32xf32>
    %slice3A_78 = vector.extract_strided_slice %add3A_33 {offsets = [2304, 0], sizes = [128, 32], strides = [1, 1]} : vector<10000x32xf32> to vector<128x32xf32>
    %add3A_79 = arith.addf %add3A_77, %slice3A_78 : vector<128x32xf32>
    %slice3A_80 = vector.extract_strided_slice %add3A_33 {offsets = [2432, 0], sizes = [128, 32], strides = [1, 1]} : vector<10000x32xf32> to vector<128x32xf32>
    %add3A_81 = arith.addf %add3A_79, %slice3A_80 : vector<128x32xf32>
    %slice3A_82 = vector.extract_strided_slice %add3A_33 {offsets = [2560, 0], sizes = [128, 32], strides = [1, 1]} : vector<10000x32xf32> to vector<128x32xf32>
    %add3A_83 = arith.addf %add3A_81, %slice3A_82 : vector<128x32xf32>
    %slice3A_84 = vector.extract_strided_slice %add3A_33 {offsets = [2688, 0], sizes = [128, 32], strides = [1, 1]} : vector<10000x32xf32> to vector<128x32xf32>
    %add3A_85 = arith.addf %add3A_83, %slice3A_84 : vector<128x32xf32>
    %slice3A_86 = vector.extract_strided_slice %add3A_33 {offsets = [2816, 0], sizes = [128, 32], strides = [1, 1]} : vector<10000x32xf32> to vector<128x32xf32>
    %add3A_87 = arith.addf %add3A_85, %slice3A_86 : vector<128x32xf32>
    %slice3A_88 = vector.extract_strided_slice %add3A_33 {offsets = [2944, 0], sizes = [128, 32], strides = [1, 1]} : vector<10000x32xf32> to vector<128x32xf32>
    %add3A_89 = arith.addf %add3A_87, %slice3A_88 : vector<128x32xf32>
    %slice3A_90 = vector.extract_strided_slice %add3A_33 {offsets = [3072, 0], sizes = [128, 32], strides = [1, 1]} : vector<10000x32xf32> to vector<128x32xf32>
    %add3A_91 = arith.addf %add3A_89, %slice3A_90 : vector<128x32xf32>
    %slice3A_92 = vector.extract_strided_slice %add3A_33 {offsets = [3200, 0], sizes = [128, 32], strides = [1, 1]} : vector<10000x32xf32> to vector<128x32xf32>
    %add3A_93 = arith.addf %add3A_91, %slice3A_92 : vector<128x32xf32>
    %slice3A_94 = vector.extract_strided_slice %add3A_33 {offsets = [3328, 0], sizes = [128, 32], strides = [1, 1]} : vector<10000x32xf32> to vector<128x32xf32>
    %add3A_95 = arith.addf %add3A_93, %slice3A_94 : vector<128x32xf32>
    %slice3A_96 = vector.extract_strided_slice %add3A_33 {offsets = [3456, 0], sizes = [128, 32], strides = [1, 1]} : vector<10000x32xf32> to vector<128x32xf32>
    %add3A_97 = arith.addf %add3A_95, %slice3A_96 : vector<128x32xf32>
    %slice3A_98 = vector.extract_strided_slice %add3A_33 {offsets = [3584, 0], sizes = [128, 32], strides = [1, 1]} : vector<10000x32xf32> to vector<128x32xf32>
    %add3A_99 = arith.addf %add3A_97, %slice3A_98 : vector<128x32xf32>
    %slice3A_100 = vector.extract_strided_slice %add3A_33 {offsets = [3712, 0], sizes = [128, 32], strides = [1, 1]} : vector<10000x32xf32> to vector<128x32xf32>
    %add3A_101 = arith.addf %add3A_99, %slice3A_100 : vector<128x32xf32>
    %slice3A_102 = vector.extract_strided_slice %add3A_33 {offsets = [3840, 0], sizes = [128, 32], strides = [1, 1]} : vector<10000x32xf32> to vector<128x32xf32>
    %add3A_103 = arith.addf %add3A_101, %slice3A_102 : vector<128x32xf32>
    %slice3A_104 = vector.extract_strided_slice %add3A_33 {offsets = [3968, 0], sizes = [128, 32], strides = [1, 1]} : vector<10000x32xf32> to vector<128x32xf32>
    %add3A_105 = arith.addf %add3A_103, %slice3A_104 : vector<128x32xf32>
    %slice3A_106 = vector.extract_strided_slice %add3A_33 {offsets = [4096, 0], sizes = [128, 32], strides = [1, 1]} : vector<10000x32xf32> to vector<128x32xf32>
    %add3A_107 = arith.addf %add3A_105, %slice3A_106 : vector<128x32xf32>
    %slice3A_108 = vector.extract_strided_slice %add3A_33 {offsets = [4224, 0], sizes = [128, 32], strides = [1, 1]} : vector<10000x32xf32> to vector<128x32xf32>
    %add3A_109 = arith.addf %add3A_107, %slice3A_108 : vector<128x32xf32>
    %slice3A_110 = vector.extract_strided_slice %add3A_33 {offsets = [4352, 0], sizes = [128, 32], strides = [1, 1]} : vector<10000x32xf32> to vector<128x32xf32>
    %add3A_111 = arith.addf %add3A_109, %slice3A_110 : vector<128x32xf32>
    %slice3A_112 = vector.extract_strided_slice %add3A_33 {offsets = [4480, 0], sizes = [128, 32], strides = [1, 1]} : vector<10000x32xf32> to vector<128x32xf32>
    %add3A_113 = arith.addf %add3A_111, %slice3A_112 : vector<128x32xf32>
    %slice3A_114 = vector.extract_strided_slice %add3A_33 {offsets = [4608, 0], sizes = [128, 32], strides = [1, 1]} : vector<10000x32xf32> to vector<128x32xf32>
    %add3A_115 = arith.addf %add3A_113, %slice3A_114 : vector<128x32xf32>
    %slice3A_116 = vector.extract_strided_slice %add3A_33 {offsets = [4736, 0], sizes = [128, 32], strides = [1, 1]} : vector<10000x32xf32> to vector<128x32xf32>
    %add3A_117 = arith.addf %add3A_115, %slice3A_116 : vector<128x32xf32>
    %slice3A_118 = vector.extract_strided_slice %add3A_33 {offsets = [4864, 0], sizes = [128, 32], strides = [1, 1]} : vector<10000x32xf32> to vector<128x32xf32>
    %add3A_119 = arith.addf %add3A_117, %slice3A_118 : vector<128x32xf32>
    %slice3A_120 = vector.extract_strided_slice %add3A_33 {offsets = [4992, 0], sizes = [128, 32], strides = [1, 1]} : vector<10000x32xf32> to vector<128x32xf32>
    %add3A_121 = arith.addf %add3A_119, %slice3A_120 : vector<128x32xf32>
    %slice3A_122 = vector.extract_strided_slice %add3A_33 {offsets = [5120, 0], sizes = [128, 32], strides = [1, 1]} : vector<10000x32xf32> to vector<128x32xf32>
    %add3A_123 = arith.addf %add3A_121, %slice3A_122 : vector<128x32xf32>
    %slice3A_124 = vector.extract_strided_slice %add3A_33 {offsets = [5248, 0], sizes = [128, 32], strides = [1, 1]} : vector<10000x32xf32> to vector<128x32xf32>
    %add3A_125 = arith.addf %add3A_123, %slice3A_124 : vector<128x32xf32>
    %slice3A_126 = vector.extract_strided_slice %add3A_33 {offsets = [5376, 0], sizes = [128, 32], strides = [1, 1]} : vector<10000x32xf32> to vector<128x32xf32>
    %add3A_127 = arith.addf %add3A_125, %slice3A_126 : vector<128x32xf32>
    %slice3A_128 = vector.extract_strided_slice %add3A_33 {offsets = [5504, 0], sizes = [128, 32], strides = [1, 1]} : vector<10000x32xf32> to vector<128x32xf32>
    %add3A_129 = arith.addf %add3A_127, %slice3A_128 : vector<128x32xf32>
    %slice3A_130 = vector.extract_strided_slice %add3A_33 {offsets = [5632, 0], sizes = [128, 32], strides = [1, 1]} : vector<10000x32xf32> to vector<128x32xf32>
    %add3A_131 = arith.addf %add3A_129, %slice3A_130 : vector<128x32xf32>
    %slice3A_132 = vector.extract_strided_slice %add3A_33 {offsets = [5760, 0], sizes = [128, 32], strides = [1, 1]} : vector<10000x32xf32> to vector<128x32xf32>
    %add3A_133 = arith.addf %add3A_131, %slice3A_132 : vector<128x32xf32>
    %slice3A_134 = vector.extract_strided_slice %add3A_33 {offsets = [5888, 0], sizes = [128, 32], strides = [1, 1]} : vector<10000x32xf32> to vector<128x32xf32>
    %add3A_135 = arith.addf %add3A_133, %slice3A_134 : vector<128x32xf32>
    %slice3A_136 = vector.extract_strided_slice %add3A_33 {offsets = [6016, 0], sizes = [128, 32], strides = [1, 1]} : vector<10000x32xf32> to vector<128x32xf32>
    %add3A_137 = arith.addf %add3A_135, %slice3A_136 : vector<128x32xf32>
    %slice3A_138 = vector.extract_strided_slice %add3A_33 {offsets = [6144, 0], sizes = [128, 32], strides = [1, 1]} : vector<10000x32xf32> to vector<128x32xf32>
    %add3A_139 = arith.addf %add3A_137, %slice3A_138 : vector<128x32xf32>
    %slice3A_140 = vector.extract_strided_slice %add3A_33 {offsets = [6272, 0], sizes = [128, 32], strides = [1, 1]} : vector<10000x32xf32> to vector<128x32xf32>
    %add3A_141 = arith.addf %add3A_139, %slice3A_140 : vector<128x32xf32>
    %slice3A_142 = vector.extract_strided_slice %add3A_33 {offsets = [6400, 0], sizes = [128, 32], strides = [1, 1]} : vector<10000x32xf32> to vector<128x32xf32>
    %add3A_143 = arith.addf %add3A_141, %slice3A_142 : vector<128x32xf32>
    %slice3A_144 = vector.extract_strided_slice %add3A_33 {offsets = [6528, 0], sizes = [128, 32], strides = [1, 1]} : vector<10000x32xf32> to vector<128x32xf32>
    %add3A_145 = arith.addf %add3A_143, %slice3A_144 : vector<128x32xf32>
    %slice3A_146 = vector.extract_strided_slice %add3A_33 {offsets = [6656, 0], sizes = [128, 32], strides = [1, 1]} : vector<10000x32xf32> to vector<128x32xf32>
    %add3A_147 = arith.addf %add3A_145, %slice3A_146 : vector<128x32xf32>
    %slice3A_148 = vector.extract_strided_slice %add3A_33 {offsets = [6784, 0], sizes = [128, 32], strides = [1, 1]} : vector<10000x32xf32> to vector<128x32xf32>
    %add3A_149 = arith.addf %add3A_147, %slice3A_148 : vector<128x32xf32>
    %slice3A_150 = vector.extract_strided_slice %add3A_33 {offsets = [6912, 0], sizes = [128, 32], strides = [1, 1]} : vector<10000x32xf32> to vector<128x32xf32>
    %add3A_151 = arith.addf %add3A_149, %slice3A_150 : vector<128x32xf32>
    %slice3A_152 = vector.extract_strided_slice %add3A_33 {offsets = [7040, 0], sizes = [128, 32], strides = [1, 1]} : vector<10000x32xf32> to vector<128x32xf32>
    %add3A_153 = arith.addf %add3A_151, %slice3A_152 : vector<128x32xf32>
    %slice3A_154 = vector.extract_strided_slice %add3A_33 {offsets = [7168, 0], sizes = [128, 32], strides = [1, 1]} : vector<10000x32xf32> to vector<128x32xf32>
    %add3A_155 = arith.addf %add3A_153, %slice3A_154 : vector<128x32xf32>
    %slice3A_156 = vector.extract_strided_slice %add3A_33 {offsets = [7296, 0], sizes = [128, 32], strides = [1, 1]} : vector<10000x32xf32> to vector<128x32xf32>
    %add3A_157 = arith.addf %add3A_155, %slice3A_156 : vector<128x32xf32>
    %slice3A_158 = vector.extract_strided_slice %add3A_33 {offsets = [7424, 0], sizes = [128, 32], strides = [1, 1]} : vector<10000x32xf32> to vector<128x32xf32>
    %add3A_159 = arith.addf %add3A_157, %slice3A_158 : vector<128x32xf32>
    %slice3A_160 = vector.extract_strided_slice %add3A_33 {offsets = [7552, 0], sizes = [128, 32], strides = [1, 1]} : vector<10000x32xf32> to vector<128x32xf32>
    %add3A_161 = arith.addf %add3A_159, %slice3A_160 : vector<128x32xf32>
    %slice3A_162 = vector.extract_strided_slice %add3A_33 {offsets = [7680, 0], sizes = [128, 32], strides = [1, 1]} : vector<10000x32xf32> to vector<128x32xf32>
    %add3A_163 = arith.addf %add3A_161, %slice3A_162 : vector<128x32xf32>
    %slice3A_164 = vector.extract_strided_slice %add3A_33 {offsets = [7808, 0], sizes = [128, 32], strides = [1, 1]} : vector<10000x32xf32> to vector<128x32xf32>
    %add3A_165 = arith.addf %add3A_163, %slice3A_164 : vector<128x32xf32>
    %slice3A_166 = vector.extract_strided_slice %add3A_33 {offsets = [7936, 0], sizes = [128, 32], strides = [1, 1]} : vector<10000x32xf32> to vector<128x32xf32>
    %add3A_167 = arith.addf %add3A_165, %slice3A_166 : vector<128x32xf32>
    %slice3A_168 = vector.extract_strided_slice %add3A_33 {offsets = [8064, 0], sizes = [128, 32], strides = [1, 1]} : vector<10000x32xf32> to vector<128x32xf32>
    %add3A_169 = arith.addf %add3A_167, %slice3A_168 : vector<128x32xf32>
    %slice3A_170 = vector.extract_strided_slice %add3A_33 {offsets = [8192, 0], sizes = [128, 32], strides = [1, 1]} : vector<10000x32xf32> to vector<128x32xf32>
    %add3A_171 = arith.addf %add3A_169, %slice3A_170 : vector<128x32xf32>
    %slice3A_172 = vector.extract_strided_slice %add3A_33 {offsets = [8320, 0], sizes = [128, 32], strides = [1, 1]} : vector<10000x32xf32> to vector<128x32xf32>
    %add3A_173 = arith.addf %add3A_171, %slice3A_172 : vector<128x32xf32>
    %slice3A_174 = vector.extract_strided_slice %add3A_33 {offsets = [8448, 0], sizes = [128, 32], strides = [1, 1]} : vector<10000x32xf32> to vector<128x32xf32>
    %add3A_175 = arith.addf %add3A_173, %slice3A_174 : vector<128x32xf32>
    %slice3A_176 = vector.extract_strided_slice %add3A_33 {offsets = [8576, 0], sizes = [128, 32], strides = [1, 1]} : vector<10000x32xf32> to vector<128x32xf32>
    %add3A_177 = arith.addf %add3A_175, %slice3A_176 : vector<128x32xf32>
    %slice3A_178 = vector.extract_strided_slice %add3A_33 {offsets = [8704, 0], sizes = [128, 32], strides = [1, 1]} : vector<10000x32xf32> to vector<128x32xf32>
    %add3A_179 = arith.addf %add3A_177, %slice3A_178 : vector<128x32xf32>
    %slice3A_180 = vector.extract_strided_slice %add3A_33 {offsets = [8832, 0], sizes = [128, 32], strides = [1, 1]} : vector<10000x32xf32> to vector<128x32xf32>
    %add3A_181 = arith.addf %add3A_179, %slice3A_180 : vector<128x32xf32>
    %slice3A_182 = vector.extract_strided_slice %add3A_33 {offsets = [8960, 0], sizes = [128, 32], strides = [1, 1]} : vector<10000x32xf32> to vector<128x32xf32>
    %add3A_183 = arith.addf %add3A_181, %slice3A_182 : vector<128x32xf32>
    %slice3A_184 = vector.extract_strided_slice %add3A_33 {offsets = [9088, 0], sizes = [128, 32], strides = [1, 1]} : vector<10000x32xf32> to vector<128x32xf32>
    %add3A_185 = arith.addf %add3A_183, %slice3A_184 : vector<128x32xf32>
    %slice3A_186 = vector.extract_strided_slice %add3A_33 {offsets = [9216, 0], sizes = [128, 32], strides = [1, 1]} : vector<10000x32xf32> to vector<128x32xf32>
    %add3A_187 = arith.addf %add3A_185, %slice3A_186 : vector<128x32xf32>
    %slice3A_188 = vector.extract_strided_slice %add3A_33 {offsets = [9344, 0], sizes = [128, 32], strides = [1, 1]} : vector<10000x32xf32> to vector<128x32xf32>
    %add3A_189 = arith.addf %add3A_187, %slice3A_188 : vector<128x32xf32>
    %slice3A_190 = vector.extract_strided_slice %add3A_33 {offsets = [9472, 0], sizes = [128, 32], strides = [1, 1]} : vector<10000x32xf32> to vector<128x32xf32>
    %add3A_191 = arith.addf %add3A_189, %slice3A_190 : vector<128x32xf32>
    %slice3A_192 = vector.extract_strided_slice %add3A_33 {offsets = [9600, 0], sizes = [128, 32], strides = [1, 1]} : vector<10000x32xf32> to vector<128x32xf32>
    %add3A_193 = arith.addf %add3A_191, %slice3A_192 : vector<128x32xf32>
    %slice3A_194 = vector.extract_strided_slice %add3A_33 {offsets = [9728, 0], sizes = [128, 32], strides = [1, 1]} : vector<10000x32xf32> to vector<128x32xf32>
    %add3A_195 = arith.addf %add3A_193, %slice3A_194 : vector<128x32xf32>
    %slice3A_196 = vector.extract_strided_slice %add3A_33 {offsets = [9856, 0], sizes = [128, 32], strides = [1, 1]} : vector<10000x32xf32> to vector<128x32xf32>
    %add3A_197 = arith.addf %add3A_195, %slice3A_196 : vector<128x32xf32>
    %slice3A_198 = vector.extract_strided_slice %add3A_33 {offsets = [9984, 0], sizes = [16, 32], strides = [1, 1]} : vector<10000x32xf32> to vector<16x32xf32>
    %broadcast_in_dim3A_199 = arith.constant 0.000000e+00 : f32
    %broadcast_in_dim3A_200 = vector.broadcast %broadcast_in_dim3A_199 : f32 to vector<112x32xf32>
    %concatenate3A = tpu.concatenate %slice3A_198, %broadcast_in_dim3A_200 in 0 : vector<16x32xf32>, vector<112x32xf32> -> vector<128x32xf32>
    %add3A_201 = arith.addf %add3A_197, %concatenate3A : vector<128x32xf32>
    %slice3A_202 = vector.extract_strided_slice %add3A_201 {offsets = [0, 0], sizes = [8, 32], strides = [1, 1]} : vector<128x32xf32> to vector<8x32xf32>
    %slice3A_203 = vector.extract_strided_slice %add3A_201 {offsets = [8, 0], sizes = [8, 32], strides = [1, 1]} : vector<128x32xf32> to vector<8x32xf32>
    %add3A_204 = arith.addf %slice3A_202, %slice3A_203 : vector<8x32xf32>
    %slice3A_205 = vector.extract_strided_slice %add3A_201 {offsets = [16, 0], sizes = [8, 32], strides = [1, 1]} : vector<128x32xf32> to vector<8x32xf32>
    %add3A_206 = arith.addf %add3A_204, %slice3A_205 : vector<8x32xf32>
    %slice3A_207 = vector.extract_strided_slice %add3A_201 {offsets = [24, 0], sizes = [8, 32], strides = [1, 1]} : vector<128x32xf32> to vector<8x32xf32>
    %add3A_208 = arith.addf %add3A_206, %slice3A_207 : vector<8x32xf32>
    %slice3A_209 = vector.extract_strided_slice %add3A_201 {offsets = [32, 0], sizes = [8, 32], strides = [1, 1]} : vector<128x32xf32> to vector<8x32xf32>
    %add3A_210 = arith.addf %add3A_208, %slice3A_209 : vector<8x32xf32>
    %slice3A_211 = vector.extract_strided_slice %add3A_201 {offsets = [40, 0], sizes = [8, 32], strides = [1, 1]} : vector<128x32xf32> to vector<8x32xf32>
    %add3A_212 = arith.addf %add3A_210, %slice3A_211 : vector<8x32xf32>
    %slice3A_213 = vector.extract_strided_slice %add3A_201 {offsets = [48, 0], sizes = [8, 32], strides = [1, 1]} : vector<128x32xf32> to vector<8x32xf32>
    %add3A_214 = arith.addf %add3A_212, %slice3A_213 : vector<8x32xf32>
    %slice3A_215 = vector.extract_strided_slice %add3A_201 {offsets = [56, 0], sizes = [8, 32], strides = [1, 1]} : vector<128x32xf32> to vector<8x32xf32>
    %add3A_216 = arith.addf %add3A_214, %slice3A_215 : vector<8x32xf32>
    %slice3A_217 = vector.extract_strided_slice %add3A_201 {offsets = [64, 0], sizes = [8, 32], strides = [1, 1]} : vector<128x32xf32> to vector<8x32xf32>
    %add3A_218 = arith.addf %add3A_216, %slice3A_217 : vector<8x32xf32>
    %slice3A_219 = vector.extract_strided_slice %add3A_201 {offsets = [72, 0], sizes = [8, 32], strides = [1, 1]} : vector<128x32xf32> to vector<8x32xf32>
    %add3A_220 = arith.addf %add3A_218, %slice3A_219 : vector<8x32xf32>
    %slice3A_221 = vector.extract_strided_slice %add3A_201 {offsets = [80, 0], sizes = [8, 32], strides = [1, 1]} : vector<128x32xf32> to vector<8x32xf32>
    %add3A_222 = arith.addf %add3A_220, %slice3A_221 : vector<8x32xf32>
    %slice3A_223 = vector.extract_strided_slice %add3A_201 {offsets = [88, 0], sizes = [8, 32], strides = [1, 1]} : vector<128x32xf32> to vector<8x32xf32>
    %add3A_224 = arith.addf %add3A_222, %slice3A_223 : vector<8x32xf32>
    %slice3A_225 = vector.extract_strided_slice %add3A_201 {offsets = [96, 0], sizes = [8, 32], strides = [1, 1]} : vector<128x32xf32> to vector<8x32xf32>
    %add3A_226 = arith.addf %add3A_224, %slice3A_225 : vector<8x32xf32>
    %slice3A_227 = vector.extract_strided_slice %add3A_201 {offsets = [104, 0], sizes = [8, 32], strides = [1, 1]} : vector<128x32xf32> to vector<8x32xf32>
    %add3A_228 = arith.addf %add3A_226, %slice3A_227 : vector<8x32xf32>
    %slice3A_229 = vector.extract_strided_slice %add3A_201 {offsets = [112, 0], sizes = [8, 32], strides = [1, 1]} : vector<128x32xf32> to vector<8x32xf32>
    %add3A_230 = arith.addf %add3A_228, %slice3A_229 : vector<8x32xf32>
    %slice3A_231 = vector.extract_strided_slice %add3A_201 {offsets = [120, 0], sizes = [8, 32], strides = [1, 1]} : vector<128x32xf32> to vector<8x32xf32>
    %add3A_232 = arith.addf %add3A_230, %slice3A_231 : vector<8x32xf32>
    %slice3A_233 = vector.extract_strided_slice %add3A_232 {offsets = [0, 0], sizes = [4, 32], strides = [1, 1]} : vector<8x32xf32> to vector<4x32xf32>
    %slice3A_234 = vector.extract_strided_slice %add3A_232 {offsets = [4, 0], sizes = [4, 32], strides = [1, 1]} : vector<8x32xf32> to vector<4x32xf32>
    %add3A_235 = arith.addf %slice3A_233, %slice3A_234 : vector<4x32xf32>
    %slice3A_236 = vector.extract_strided_slice %add3A_235 {offsets = [0, 0], sizes = [2, 32], strides = [1, 1]} : vector<4x32xf32> to vector<2x32xf32>
    %slice3A_237 = vector.extract_strided_slice %add3A_235 {offsets = [2, 0], sizes = [2, 32], strides = [1, 1]} : vector<4x32xf32> to vector<2x32xf32>
    %add3A_238 = arith.addf %slice3A_236, %slice3A_237 : vector<2x32xf32>
    %slice3A_239 = vector.extract_strided_slice %add3A_238 {offsets = [0, 0], sizes = [1, 32], strides = [1, 1]} : vector<2x32xf32> to vector<1x32xf32>
    %slice3A_240 = vector.extract_strided_slice %add3A_238 {offsets = [1, 0], sizes = [1, 32], strides = [1, 1]} : vector<2x32xf32> to vector<1x32xf32>
    %add3A_241 = arith.addf %slice3A_239, %slice3A_240 : vector<1x32xf32>
    %mul3A = arith.constant 9.99999974E-5 : f32
    %mul3A_242 = vector.broadcast %mul3A : f32 to vector<1x32xf32>
    %mul3A_243 = arith.mulf %add3A_241, %mul3A_242 : vector<1x32xf32>
    %sub3A = vector.broadcast %mul3A_243 : vector<1x32xf32> to vector<10000x32xf32>
    %sub3A_244 = arith.subf %add3A_33, %sub3A : vector<10000x32xf32>
    %mul3A_245 = arith.mulf %sub3A_244, %sub3A_244 : vector<10000x32xf32>
    %broadcast_in_dim3A_246 = arith.constant 0.000000e+00 : f32
    %broadcast_in_dim3A_247 = vector.broadcast %broadcast_in_dim3A_246 : f32 to vector<128x32xf32>
    %slice3A_248 = vector.extract_strided_slice %mul3A_245 {offsets = [0, 0], sizes = [128, 32], strides = [1, 1]} : vector<10000x32xf32> to vector<128x32xf32>
    %add3A_249 = arith.addf %broadcast_in_dim3A_247, %slice3A_248 : vector<128x32xf32>
    %slice3A_250 = vector.extract_strided_slice %mul3A_245 {offsets = [128, 0], sizes = [128, 32], strides = [1, 1]} : vector<10000x32xf32> to vector<128x32xf32>
    %add3A_251 = arith.addf %add3A_249, %slice3A_250 : vector<128x32xf32>
    %slice3A_252 = vector.extract_strided_slice %mul3A_245 {offsets = [256, 0], sizes = [128, 32], strides = [1, 1]} : vector<10000x32xf32> to vector<128x32xf32>
    %add3A_253 = arith.addf %add3A_251, %slice3A_252 : vector<128x32xf32>
    %slice3A_254 = vector.extract_strided_slice %mul3A_245 {offsets = [384, 0], sizes = [128, 32], strides = [1, 1]} : vector<10000x32xf32> to vector<128x32xf32>
    %add3A_255 = arith.addf %add3A_253, %slice3A_254 : vector<128x32xf32>
    %slice3A_256 = vector.extract_strided_slice %mul3A_245 {offsets = [512, 0], sizes = [128, 32], strides = [1, 1]} : vector<10000x32xf32> to vector<128x32xf32>
    %add3A_257 = arith.addf %add3A_255, %slice3A_256 : vector<128x32xf32>
    %slice3A_258 = vector.extract_strided_slice %mul3A_245 {offsets = [640, 0], sizes = [128, 32], strides = [1, 1]} : vector<10000x32xf32> to vector<128x32xf32>
    %add3A_259 = arith.addf %add3A_257, %slice3A_258 : vector<128x32xf32>
    %slice3A_260 = vector.extract_strided_slice %mul3A_245 {offsets = [768, 0], sizes = [128, 32], strides = [1, 1]} : vector<10000x32xf32> to vector<128x32xf32>
    %add3A_261 = arith.addf %add3A_259, %slice3A_260 : vector<128x32xf32>
    %slice3A_262 = vector.extract_strided_slice %mul3A_245 {offsets = [896, 0], sizes = [128, 32], strides = [1, 1]} : vector<10000x32xf32> to vector<128x32xf32>
    %add3A_263 = arith.addf %add3A_261, %slice3A_262 : vector<128x32xf32>
    %slice3A_264 = vector.extract_strided_slice %mul3A_245 {offsets = [1024, 0], sizes = [128, 32], strides = [1, 1]} : vector<10000x32xf32> to vector<128x32xf32>
    %add3A_265 = arith.addf %add3A_263, %slice3A_264 : vector<128x32xf32>
    %slice3A_266 = vector.extract_strided_slice %mul3A_245 {offsets = [1152, 0], sizes = [128, 32], strides = [1, 1]} : vector<10000x32xf32> to vector<128x32xf32>
    %add3A_267 = arith.addf %add3A_265, %slice3A_266 : vector<128x32xf32>
    %slice3A_268 = vector.extract_strided_slice %mul3A_245 {offsets = [1280, 0], sizes = [128, 32], strides = [1, 1]} : vector<10000x32xf32> to vector<128x32xf32>
    %add3A_269 = arith.addf %add3A_267, %slice3A_268 : vector<128x32xf32>
    %slice3A_270 = vector.extract_strided_slice %mul3A_245 {offsets = [1408, 0], sizes = [128, 32], strides = [1, 1]} : vector<10000x32xf32> to vector<128x32xf32>
    %add3A_271 = arith.addf %add3A_269, %slice3A_270 : vector<128x32xf32>
    %slice3A_272 = vector.extract_strided_slice %mul3A_245 {offsets = [1536, 0], sizes = [128, 32], strides = [1, 1]} : vector<10000x32xf32> to vector<128x32xf32>
    %add3A_273 = arith.addf %add3A_271, %slice3A_272 : vector<128x32xf32>
    %slice3A_274 = vector.extract_strided_slice %mul3A_245 {offsets = [1664, 0], sizes = [128, 32], strides = [1, 1]} : vector<10000x32xf32> to vector<128x32xf32>
    %add3A_275 = arith.addf %add3A_273, %slice3A_274 : vector<128x32xf32>
    %slice3A_276 = vector.extract_strided_slice %mul3A_245 {offsets = [1792, 0], sizes = [128, 32], strides = [1, 1]} : vector<10000x32xf32> to vector<128x32xf32>
    %add3A_277 = arith.addf %add3A_275, %slice3A_276 : vector<128x32xf32>
    %slice3A_278 = vector.extract_strided_slice %mul3A_245 {offsets = [1920, 0], sizes = [128, 32], strides = [1, 1]} : vector<10000x32xf32> to vector<128x32xf32>
    %add3A_279 = arith.addf %add3A_277, %slice3A_278 : vector<128x32xf32>
    %slice3A_280 = vector.extract_strided_slice %mul3A_245 {offsets = [2048, 0], sizes = [128, 32], strides = [1, 1]} : vector<10000x32xf32> to vector<128x32xf32>
    %add3A_281 = arith.addf %add3A_279, %slice3A_280 : vector<128x32xf32>
    %slice3A_282 = vector.extract_strided_slice %mul3A_245 {offsets = [2176, 0], sizes = [128, 32], strides = [1, 1]} : vector<10000x32xf32> to vector<128x32xf32>
    %add3A_283 = arith.addf %add3A_281, %slice3A_282 : vector<128x32xf32>
    %slice3A_284 = vector.extract_strided_slice %mul3A_245 {offsets = [2304, 0], sizes = [128, 32], strides = [1, 1]} : vector<10000x32xf32> to vector<128x32xf32>
    %add3A_285 = arith.addf %add3A_283, %slice3A_284 : vector<128x32xf32>
    %slice3A_286 = vector.extract_strided_slice %mul3A_245 {offsets = [2432, 0], sizes = [128, 32], strides = [1, 1]} : vector<10000x32xf32> to vector<128x32xf32>
    %add3A_287 = arith.addf %add3A_285, %slice3A_286 : vector<128x32xf32>
    %slice3A_288 = vector.extract_strided_slice %mul3A_245 {offsets = [2560, 0], sizes = [128, 32], strides = [1, 1]} : vector<10000x32xf32> to vector<128x32xf32>
    %add3A_289 = arith.addf %add3A_287, %slice3A_288 : vector<128x32xf32>
    %slice3A_290 = vector.extract_strided_slice %mul3A_245 {offsets = [2688, 0], sizes = [128, 32], strides = [1, 1]} : vector<10000x32xf32> to vector<128x32xf32>
    %add3A_291 = arith.addf %add3A_289, %slice3A_290 : vector<128x32xf32>
    %slice3A_292 = vector.extract_strided_slice %mul3A_245 {offsets = [2816, 0], sizes = [128, 32], strides = [1, 1]} : vector<10000x32xf32> to vector<128x32xf32>
    %add3A_293 = arith.addf %add3A_291, %slice3A_292 : vector<128x32xf32>
    %slice3A_294 = vector.extract_strided_slice %mul3A_245 {offsets = [2944, 0], sizes = [128, 32], strides = [1, 1]} : vector<10000x32xf32> to vector<128x32xf32>
    %add3A_295 = arith.addf %add3A_293, %slice3A_294 : vector<128x32xf32>
    %slice3A_296 = vector.extract_strided_slice %mul3A_245 {offsets = [3072, 0], sizes = [128, 32], strides = [1, 1]} : vector<10000x32xf32> to vector<128x32xf32>
    %add3A_297 = arith.addf %add3A_295, %slice3A_296 : vector<128x32xf32>
    %slice3A_298 = vector.extract_strided_slice %mul3A_245 {offsets = [3200, 0], sizes = [128, 32], strides = [1, 1]} : vector<10000x32xf32> to vector<128x32xf32>
    %add3A_299 = arith.addf %add3A_297, %slice3A_298 : vector<128x32xf32>
    %slice3A_300 = vector.extract_strided_slice %mul3A_245 {offsets = [3328, 0], sizes = [128, 32], strides = [1, 1]} : vector<10000x32xf32> to vector<128x32xf32>
    %add3A_301 = arith.addf %add3A_299, %slice3A_300 : vector<128x32xf32>
    %slice3A_302 = vector.extract_strided_slice %mul3A_245 {offsets = [3456, 0], sizes = [128, 32], strides = [1, 1]} : vector<10000x32xf32> to vector<128x32xf32>
    %add3A_303 = arith.addf %add3A_301, %slice3A_302 : vector<128x32xf32>
    %slice3A_304 = vector.extract_strided_slice %mul3A_245 {offsets = [3584, 0], sizes = [128, 32], strides = [1, 1]} : vector<10000x32xf32> to vector<128x32xf32>
    %add3A_305 = arith.addf %add3A_303, %slice3A_304 : vector<128x32xf32>
    %slice3A_306 = vector.extract_strided_slice %mul3A_245 {offsets = [3712, 0], sizes = [128, 32], strides = [1, 1]} : vector<10000x32xf32> to vector<128x32xf32>
    %add3A_307 = arith.addf %add3A_305, %slice3A_306 : vector<128x32xf32>
    %slice3A_308 = vector.extract_strided_slice %mul3A_245 {offsets = [3840, 0], sizes = [128, 32], strides = [1, 1]} : vector<10000x32xf32> to vector<128x32xf32>
    %add3A_309 = arith.addf %add3A_307, %slice3A_308 : vector<128x32xf32>
    %slice3A_310 = vector.extract_strided_slice %mul3A_245 {offsets = [3968, 0], sizes = [128, 32], strides = [1, 1]} : vector<10000x32xf32> to vector<128x32xf32>
    %add3A_311 = arith.addf %add3A_309, %slice3A_310 : vector<128x32xf32>
    %slice3A_312 = vector.extract_strided_slice %mul3A_245 {offsets = [4096, 0], sizes = [128, 32], strides = [1, 1]} : vector<10000x32xf32> to vector<128x32xf32>
    %add3A_313 = arith.addf %add3A_311, %slice3A_312 : vector<128x32xf32>
    %slice3A_314 = vector.extract_strided_slice %mul3A_245 {offsets = [4224, 0], sizes = [128, 32], strides = [1, 1]} : vector<10000x32xf32> to vector<128x32xf32>
    %add3A_315 = arith.addf %add3A_313, %slice3A_314 : vector<128x32xf32>
    %slice3A_316 = vector.extract_strided_slice %mul3A_245 {offsets = [4352, 0], sizes = [128, 32], strides = [1, 1]} : vector<10000x32xf32> to vector<128x32xf32>
    %add3A_317 = arith.addf %add3A_315, %slice3A_316 : vector<128x32xf32>
    %slice3A_318 = vector.extract_strided_slice %mul3A_245 {offsets = [4480, 0], sizes = [128, 32], strides = [1, 1]} : vector<10000x32xf32> to vector<128x32xf32>
    %add3A_319 = arith.addf %add3A_317, %slice3A_318 : vector<128x32xf32>
    %slice3A_320 = vector.extract_strided_slice %mul3A_245 {offsets = [4608, 0], sizes = [128, 32], strides = [1, 1]} : vector<10000x32xf32> to vector<128x32xf32>
    %add3A_321 = arith.addf %add3A_319, %slice3A_320 : vector<128x32xf32>
    %slice3A_322 = vector.extract_strided_slice %mul3A_245 {offsets = [4736, 0], sizes = [128, 32], strides = [1, 1]} : vector<10000x32xf32> to vector<128x32xf32>
    %add3A_323 = arith.addf %add3A_321, %slice3A_322 : vector<128x32xf32>
    %slice3A_324 = vector.extract_strided_slice %mul3A_245 {offsets = [4864, 0], sizes = [128, 32], strides = [1, 1]} : vector<10000x32xf32> to vector<128x32xf32>
    %add3A_325 = arith.addf %add3A_323, %slice3A_324 : vector<128x32xf32>
    %slice3A_326 = vector.extract_strided_slice %mul3A_245 {offsets = [4992, 0], sizes = [128, 32], strides = [1, 1]} : vector<10000x32xf32> to vector<128x32xf32>
    %add3A_327 = arith.addf %add3A_325, %slice3A_326 : vector<128x32xf32>
    %slice3A_328 = vector.extract_strided_slice %mul3A_245 {offsets = [5120, 0], sizes = [128, 32], strides = [1, 1]} : vector<10000x32xf32> to vector<128x32xf32>
    %add3A_329 = arith.addf %add3A_327, %slice3A_328 : vector<128x32xf32>
    %slice3A_330 = vector.extract_strided_slice %mul3A_245 {offsets = [5248, 0], sizes = [128, 32], strides = [1, 1]} : vector<10000x32xf32> to vector<128x32xf32>
    %add3A_331 = arith.addf %add3A_329, %slice3A_330 : vector<128x32xf32>
    %slice3A_332 = vector.extract_strided_slice %mul3A_245 {offsets = [5376, 0], sizes = [128, 32], strides = [1, 1]} : vector<10000x32xf32> to vector<128x32xf32>
    %add3A_333 = arith.addf %add3A_331, %slice3A_332 : vector<128x32xf32>
    %slice3A_334 = vector.extract_strided_slice %mul3A_245 {offsets = [5504, 0], sizes = [128, 32], strides = [1, 1]} : vector<10000x32xf32> to vector<128x32xf32>
    %add3A_335 = arith.addf %add3A_333, %slice3A_334 : vector<128x32xf32>
    %slice3A_336 = vector.extract_strided_slice %mul3A_245 {offsets = [5632, 0], sizes = [128, 32], strides = [1, 1]} : vector<10000x32xf32> to vector<128x32xf32>
    %add3A_337 = arith.addf %add3A_335, %slice3A_336 : vector<128x32xf32>
    %slice3A_338 = vector.extract_strided_slice %mul3A_245 {offsets = [5760, 0], sizes = [128, 32], strides = [1, 1]} : vector<10000x32xf32> to vector<128x32xf32>
    %add3A_339 = arith.addf %add3A_337, %slice3A_338 : vector<128x32xf32>
    %slice3A_340 = vector.extract_strided_slice %mul3A_245 {offsets = [5888, 0], sizes = [128, 32], strides = [1, 1]} : vector<10000x32xf32> to vector<128x32xf32>
    %add3A_341 = arith.addf %add3A_339, %slice3A_340 : vector<128x32xf32>
    %slice3A_342 = vector.extract_strided_slice %mul3A_245 {offsets = [6016, 0], sizes = [128, 32], strides = [1, 1]} : vector<10000x32xf32> to vector<128x32xf32>
    %add3A_343 = arith.addf %add3A_341, %slice3A_342 : vector<128x32xf32>
    %slice3A_344 = vector.extract_strided_slice %mul3A_245 {offsets = [6144, 0], sizes = [128, 32], strides = [1, 1]} : vector<10000x32xf32> to vector<128x32xf32>
    %add3A_345 = arith.addf %add3A_343, %slice3A_344 : vector<128x32xf32>
    %slice3A_346 = vector.extract_strided_slice %mul3A_245 {offsets = [6272, 0], sizes = [128, 32], strides = [1, 1]} : vector<10000x32xf32> to vector<128x32xf32>
    %add3A_347 = arith.addf %add3A_345, %slice3A_346 : vector<128x32xf32>
    %slice3A_348 = vector.extract_strided_slice %mul3A_245 {offsets = [6400, 0], sizes = [128, 32], strides = [1, 1]} : vector<10000x32xf32> to vector<128x32xf32>
    %add3A_349 = arith.addf %add3A_347, %slice3A_348 : vector<128x32xf32>
    %slice3A_350 = vector.extract_strided_slice %mul3A_245 {offsets = [6528, 0], sizes = [128, 32], strides = [1, 1]} : vector<10000x32xf32> to vector<128x32xf32>
    %add3A_351 = arith.addf %add3A_349, %slice3A_350 : vector<128x32xf32>
    %slice3A_352 = vector.extract_strided_slice %mul3A_245 {offsets = [6656, 0], sizes = [128, 32], strides = [1, 1]} : vector<10000x32xf32> to vector<128x32xf32>
    %add3A_353 = arith.addf %add3A_351, %slice3A_352 : vector<128x32xf32>
    %slice3A_354 = vector.extract_strided_slice %mul3A_245 {offsets = [6784, 0], sizes = [128, 32], strides = [1, 1]} : vector<10000x32xf32> to vector<128x32xf32>
    %add3A_355 = arith.addf %add3A_353, %slice3A_354 : vector<128x32xf32>
    %slice3A_356 = vector.extract_strided_slice %mul3A_245 {offsets = [6912, 0], sizes = [128, 32], strides = [1, 1]} : vector<10000x32xf32> to vector<128x32xf32>
    %add3A_357 = arith.addf %add3A_355, %slice3A_356 : vector<128x32xf32>
    %slice3A_358 = vector.extract_strided_slice %mul3A_245 {offsets = [7040, 0], sizes = [128, 32], strides = [1, 1]} : vector<10000x32xf32> to vector<128x32xf32>
    %add3A_359 = arith.addf %add3A_357, %slice3A_358 : vector<128x32xf32>
    %slice3A_360 = vector.extract_strided_slice %mul3A_245 {offsets = [7168, 0], sizes = [128, 32], strides = [1, 1]} : vector<10000x32xf32> to vector<128x32xf32>
    %add3A_361 = arith.addf %add3A_359, %slice3A_360 : vector<128x32xf32>
    %slice3A_362 = vector.extract_strided_slice %mul3A_245 {offsets = [7296, 0], sizes = [128, 32], strides = [1, 1]} : vector<10000x32xf32> to vector<128x32xf32>
    %add3A_363 = arith.addf %add3A_361, %slice3A_362 : vector<128x32xf32>
    %slice3A_364 = vector.extract_strided_slice %mul3A_245 {offsets = [7424, 0], sizes = [128, 32], strides = [1, 1]} : vector<10000x32xf32> to vector<128x32xf32>
    %add3A_365 = arith.addf %add3A_363, %slice3A_364 : vector<128x32xf32>
    %slice3A_366 = vector.extract_strided_slice %mul3A_245 {offsets = [7552, 0], sizes = [128, 32], strides = [1, 1]} : vector<10000x32xf32> to vector<128x32xf32>
    %add3A_367 = arith.addf %add3A_365, %slice3A_366 : vector<128x32xf32>
    %slice3A_368 = vector.extract_strided_slice %mul3A_245 {offsets = [7680, 0], sizes = [128, 32], strides = [1, 1]} : vector<10000x32xf32> to vector<128x32xf32>
    %add3A_369 = arith.addf %add3A_367, %slice3A_368 : vector<128x32xf32>
    %slice3A_370 = vector.extract_strided_slice %mul3A_245 {offsets = [7808, 0], sizes = [128, 32], strides = [1, 1]} : vector<10000x32xf32> to vector<128x32xf32>
    %add3A_371 = arith.addf %add3A_369, %slice3A_370 : vector<128x32xf32>
    %slice3A_372 = vector.extract_strided_slice %mul3A_245 {offsets = [7936, 0], sizes = [128, 32], strides = [1, 1]} : vector<10000x32xf32> to vector<128x32xf32>
    %add3A_373 = arith.addf %add3A_371, %slice3A_372 : vector<128x32xf32>
    %slice3A_374 = vector.extract_strided_slice %mul3A_245 {offsets = [8064, 0], sizes = [128, 32], strides = [1, 1]} : vector<10000x32xf32> to vector<128x32xf32>
    %add3A_375 = arith.addf %add3A_373, %slice3A_374 : vector<128x32xf32>
    %slice3A_376 = vector.extract_strided_slice %mul3A_245 {offsets = [8192, 0], sizes = [128, 32], strides = [1, 1]} : vector<10000x32xf32> to vector<128x32xf32>
    %add3A_377 = arith.addf %add3A_375, %slice3A_376 : vector<128x32xf32>
    %slice3A_378 = vector.extract_strided_slice %mul3A_245 {offsets = [8320, 0], sizes = [128, 32], strides = [1, 1]} : vector<10000x32xf32> to vector<128x32xf32>
    %add3A_379 = arith.addf %add3A_377, %slice3A_378 : vector<128x32xf32>
    %slice3A_380 = vector.extract_strided_slice %mul3A_245 {offsets = [8448, 0], sizes = [128, 32], strides = [1, 1]} : vector<10000x32xf32> to vector<128x32xf32>
    %add3A_381 = arith.addf %add3A_379, %slice3A_380 : vector<128x32xf32>
    %slice3A_382 = vector.extract_strided_slice %mul3A_245 {offsets = [8576, 0], sizes = [128, 32], strides = [1, 1]} : vector<10000x32xf32> to vector<128x32xf32>
    %add3A_383 = arith.addf %add3A_381, %slice3A_382 : vector<128x32xf32>
    %slice3A_384 = vector.extract_strided_slice %mul3A_245 {offsets = [8704, 0], sizes = [128, 32], strides = [1, 1]} : vector<10000x32xf32> to vector<128x32xf32>
    %add3A_385 = arith.addf %add3A_383, %slice3A_384 : vector<128x32xf32>
    %slice3A_386 = vector.extract_strided_slice %mul3A_245 {offsets = [8832, 0], sizes = [128, 32], strides = [1, 1]} : vector<10000x32xf32> to vector<128x32xf32>
    %add3A_387 = arith.addf %add3A_385, %slice3A_386 : vector<128x32xf32>
    %slice3A_388 = vector.extract_strided_slice %mul3A_245 {offsets = [8960, 0], sizes = [128, 32], strides = [1, 1]} : vector<10000x32xf32> to vector<128x32xf32>
    %add3A_389 = arith.addf %add3A_387, %slice3A_388 : vector<128x32xf32>
    %slice3A_390 = vector.extract_strided_slice %mul3A_245 {offsets = [9088, 0], sizes = [128, 32], strides = [1, 1]} : vector<10000x32xf32> to vector<128x32xf32>
    %add3A_391 = arith.addf %add3A_389, %slice3A_390 : vector<128x32xf32>
    %slice3A_392 = vector.extract_strided_slice %mul3A_245 {offsets = [9216, 0], sizes = [128, 32], strides = [1, 1]} : vector<10000x32xf32> to vector<128x32xf32>
    %add3A_393 = arith.addf %add3A_391, %slice3A_392 : vector<128x32xf32>
    %slice3A_394 = vector.extract_strided_slice %mul3A_245 {offsets = [9344, 0], sizes = [128, 32], strides = [1, 1]} : vector<10000x32xf32> to vector<128x32xf32>
    %add3A_395 = arith.addf %add3A_393, %slice3A_394 : vector<128x32xf32>
    %slice3A_396 = vector.extract_strided_slice %mul3A_245 {offsets = [9472, 0], sizes = [128, 32], strides = [1, 1]} : vector<10000x32xf32> to vector<128x32xf32>
    %add3A_397 = arith.addf %add3A_395, %slice3A_396 : vector<128x32xf32>
    %slice3A_398 = vector.extract_strided_slice %mul3A_245 {offsets = [9600, 0], sizes = [128, 32], strides = [1, 1]} : vector<10000x32xf32> to vector<128x32xf32>
    %add3A_399 = arith.addf %add3A_397, %slice3A_398 : vector<128x32xf32>
    %slice3A_400 = vector.extract_strided_slice %mul3A_245 {offsets = [9728, 0], sizes = [128, 32], strides = [1, 1]} : vector<10000x32xf32> to vector<128x32xf32>
    %add3A_401 = arith.addf %add3A_399, %slice3A_400 : vector<128x32xf32>
    %slice3A_402 = vector.extract_strided_slice %mul3A_245 {offsets = [9856, 0], sizes = [128, 32], strides = [1, 1]} : vector<10000x32xf32> to vector<128x32xf32>
    %add3A_403 = arith.addf %add3A_401, %slice3A_402 : vector<128x32xf32>
    %slice3A_404 = vector.extract_strided_slice %mul3A_245 {offsets = [9984, 0], sizes = [16, 32], strides = [1, 1]} : vector<10000x32xf32> to vector<16x32xf32>
    %broadcast_in_dim3A_405 = arith.constant 0.000000e+00 : f32
    %broadcast_in_dim3A_406 = vector.broadcast %broadcast_in_dim3A_405 : f32 to vector<112x32xf32>
    %concatenate3A_407 = tpu.concatenate %slice3A_404, %broadcast_in_dim3A_406 in 0 : vector<16x32xf32>, vector<112x32xf32> -> vector<128x32xf32>
    %add3A_408 = arith.addf %add3A_403, %concatenate3A_407 : vector<128x32xf32>
    %slice3A_409 = vector.extract_strided_slice %add3A_408 {offsets = [0, 0], sizes = [8, 32], strides = [1, 1]} : vector<128x32xf32> to vector<8x32xf32>
    %slice3A_410 = vector.extract_strided_slice %add3A_408 {offsets = [8, 0], sizes = [8, 32], strides = [1, 1]} : vector<128x32xf32> to vector<8x32xf32>
    %add3A_411 = arith.addf %slice3A_409, %slice3A_410 : vector<8x32xf32>
    %slice3A_412 = vector.extract_strided_slice %add3A_408 {offsets = [16, 0], sizes = [8, 32], strides = [1, 1]} : vector<128x32xf32> to vector<8x32xf32>
    %add3A_413 = arith.addf %add3A_411, %slice3A_412 : vector<8x32xf32>
    %slice3A_414 = vector.extract_strided_slice %add3A_408 {offsets = [24, 0], sizes = [8, 32], strides = [1, 1]} : vector<128x32xf32> to vector<8x32xf32>
    %add3A_415 = arith.addf %add3A_413, %slice3A_414 : vector<8x32xf32>
    %slice3A_416 = vector.extract_strided_slice %add3A_408 {offsets = [32, 0], sizes = [8, 32], strides = [1, 1]} : vector<128x32xf32> to vector<8x32xf32>
    %add3A_417 = arith.addf %add3A_415, %slice3A_416 : vector<8x32xf32>
    %slice3A_418 = vector.extract_strided_slice %add3A_408 {offsets = [40, 0], sizes = [8, 32], strides = [1, 1]} : vector<128x32xf32> to vector<8x32xf32>
    %add3A_419 = arith.addf %add3A_417, %slice3A_418 : vector<8x32xf32>
    %slice3A_420 = vector.extract_strided_slice %add3A_408 {offsets = [48, 0], sizes = [8, 32], strides = [1, 1]} : vector<128x32xf32> to vector<8x32xf32>
    %add3A_421 = arith.addf %add3A_419, %slice3A_420 : vector<8x32xf32>
    %slice3A_422 = vector.extract_strided_slice %add3A_408 {offsets = [56, 0], sizes = [8, 32], strides = [1, 1]} : vector<128x32xf32> to vector<8x32xf32>
    %add3A_423 = arith.addf %add3A_421, %slice3A_422 : vector<8x32xf32>
    %slice3A_424 = vector.extract_strided_slice %add3A_408 {offsets = [64, 0], sizes = [8, 32], strides = [1, 1]} : vector<128x32xf32> to vector<8x32xf32>
    %add3A_425 = arith.addf %add3A_423, %slice3A_424 : vector<8x32xf32>
    %slice3A_426 = vector.extract_strided_slice %add3A_408 {offsets = [72, 0], sizes = [8, 32], strides = [1, 1]} : vector<128x32xf32> to vector<8x32xf32>
    %add3A_427 = arith.addf %add3A_425, %slice3A_426 : vector<8x32xf32>
    %slice3A_428 = vector.extract_strided_slice %add3A_408 {offsets = [80, 0], sizes = [8, 32], strides = [1, 1]} : vector<128x32xf32> to vector<8x32xf32>
    %add3A_429 = arith.addf %add3A_427, %slice3A_428 : vector<8x32xf32>
    %slice3A_430 = vector.extract_strided_slice %add3A_408 {offsets = [88, 0], sizes = [8, 32], strides = [1, 1]} : vector<128x32xf32> to vector<8x32xf32>
    %add3A_431 = arith.addf %add3A_429, %slice3A_430 : vector<8x32xf32>
    %slice3A_432 = vector.extract_strided_slice %add3A_408 {offsets = [96, 0], sizes = [8, 32], strides = [1, 1]} : vector<128x32xf32> to vector<8x32xf32>
    %add3A_433 = arith.addf %add3A_431, %slice3A_432 : vector<8x32xf32>
    %slice3A_434 = vector.extract_strided_slice %add3A_408 {offsets = [104, 0], sizes = [8, 32], strides = [1, 1]} : vector<128x32xf32> to vector<8x32xf32>
    %add3A_435 = arith.addf %add3A_433, %slice3A_434 : vector<8x32xf32>
    %slice3A_436 = vector.extract_strided_slice %add3A_408 {offsets = [112, 0], sizes = [8, 32], strides = [1, 1]} : vector<128x32xf32> to vector<8x32xf32>
    %add3A_437 = arith.addf %add3A_435, %slice3A_436 : vector<8x32xf32>
    %slice3A_438 = vector.extract_strided_slice %add3A_408 {offsets = [120, 0], sizes = [8, 32], strides = [1, 1]} : vector<128x32xf32> to vector<8x32xf32>
    %add3A_439 = arith.addf %add3A_437, %slice3A_438 : vector<8x32xf32>
    %slice3A_440 = vector.extract_strided_slice %add3A_439 {offsets = [0, 0], sizes = [4, 32], strides = [1, 1]} : vector<8x32xf32> to vector<4x32xf32>
    %slice3A_441 = vector.extract_strided_slice %add3A_439 {offsets = [4, 0], sizes = [4, 32], strides = [1, 1]} : vector<8x32xf32> to vector<4x32xf32>
    %add3A_442 = arith.addf %slice3A_440, %slice3A_441 : vector<4x32xf32>
    %slice3A_443 = vector.extract_strided_slice %add3A_442 {offsets = [0, 0], sizes = [2, 32], strides = [1, 1]} : vector<4x32xf32> to vector<2x32xf32>
    %slice3A_444 = vector.extract_strided_slice %add3A_442 {offsets = [2, 0], sizes = [2, 32], strides = [1, 1]} : vector<4x32xf32> to vector<2x32xf32>
    %add3A_445 = arith.addf %slice3A_443, %slice3A_444 : vector<2x32xf32>
    %slice3A_446 = vector.extract_strided_slice %add3A_445 {offsets = [0, 0], sizes = [1, 32], strides = [1, 1]} : vector<2x32xf32> to vector<1x32xf32>
    %slice3A_447 = vector.extract_strided_slice %add3A_445 {offsets = [1, 0], sizes = [1, 32], strides = [1, 1]} : vector<2x32xf32> to vector<1x32xf32>
    %add3A_448 = arith.addf %slice3A_446, %slice3A_447 : vector<1x32xf32>
    %mul3A_449 = arith.constant 9.99999974E-5 : f32
    %mul3A_450 = vector.broadcast %mul3A_449 : f32 to vector<1x32xf32>
    %mul3A_451 = arith.mulf %add3A_448, %mul3A_450 : vector<1x32xf32>
    %add3A_452 = arith.constant 9.99999974E-6 : f32
    %add3A_453 = vector.broadcast %add3A_452 : f32 to vector<1x32xf32>
    %add3A_454 = arith.addf %mul3A_451, %add3A_453 : vector<1x32xf32>
    %sqrt3A = math.sqrt %add3A_454 : vector<1x32xf32>
    %div3A_455 = vector.broadcast %sqrt3A : vector<1x32xf32> to vector<10000x32xf32>
    %div3A_456 = arith.divf %sub3A_244, %div3A_455 : vector<10000x32xf32>
    %mul3A_457 = vector.broadcast %get3A_36 : vector<1x32xf32> to vector<10000x32xf32>
    %mul3A_458 = arith.mulf %div3A_456, %mul3A_457 : vector<10000x32xf32>
    %add3A_459 = vector.broadcast %get3A_39 : vector<1x32xf32> to vector<10000x32xf32>
    %add3A_460 = arith.addf %mul3A_458, %add3A_459 : vector<10000x32xf32>
    %broadcast_in_dim3A_461 = arith.constant 0.000000e+00 : f32
    %broadcast_in_dim3A_462 = vector.broadcast %broadcast_in_dim3A_461 : f32 to vector<240x32xf32>
    %concatenate3A_463 = tpu.concatenate %add3A_460, %broadcast_in_dim3A_462 in 0 : vector<10000x32xf32>, vector<240x32xf32> -> vector<10240x32xf32>
    %swap3A = arith.constant 0 : index
    %swap3A_464 = arith.constant 0 : index
    %swap3A_465 = vector.load %arg8[%swap3A, %swap3A_464] : memref<10240x32xf32, #tpu.memory_space<vmem>>, vector<10240x32xf32>
    tpu.vector_store %arg8[%swap3A, %swap3A_464], %concatenate3A_463 {strides = array<i32>} : memref<10240x32xf32, #tpu.memory_space<vmem>>, vector<10240x32xf32>,
    return
  }
}

module attributes {stable_mosaic.version = 14 : i64} {
  func.func @_t4b_body(%arg0: memref<10240x1xf32, #tpu.memory_space<vmem>>, %arg1: memref<1x10240xf32, #tpu.memory_space<vmem>>, %arg2: memref<10240x1xi32, #tpu.memory_space<vmem>>, %arg3: memref<1x10240xi32, #tpu.memory_space<vmem>>, %arg4: memref<10240x1xi32, #tpu.memory_space<vmem>>) attributes {dimension_semantics = [], scalar_prefetch = 0 : i64, scratch_operands = 0 : i64, tpu.core_type = #tpu.core_type<tc>} {
    %get3A = arith.constant 0 : index
    %get3A_0 = arith.constant 0 : index
    %get3A_1 = vector.load %arg3[%get3A, %get3A_0] : memref<1x10240xi32, #tpu.memory_space<vmem>>, vector<1x10240xi32>
    %scan3A = arith.constant 0 : i32
    %scan3A_2 = arith.constant 80 : i32
    %scan3A_3 = arith.addi %scan3A, %scan3A_2 : i32
    %scan3A_4 = arith.constant 1 : i32
    scf.for %scan3A_6 = %scan3A to %scan3A_3 step %scan3A_4  : i32 {
      %mul3A = arith.constant 128 : i32
      %mul3A_7 = arith.muli %scan3A_6, %mul3A : i32
      %get3A_8 = arith.index_cast %mul3A_7 : i32 to index
      %get3A_9 = arith.constant 0 : index
      %get3A_10 = vector.load %arg0[%get3A_8, %get3A_9] : memref<10240x1xf32, #tpu.memory_space<vmem>>, vector<128x1xf32>
      %mul3A_11 = arith.constant 128 : i32
      %mul3A_12 = arith.muli %scan3A_6, %mul3A_11 : i32
      %get3A_13 = arith.index_cast %mul3A_12 : i32 to index
      %get3A_14 = arith.constant 0 : index
      %get3A_15 = vector.load %arg2[%get3A_13, %get3A_14] : memref<10240x1xi32, #tpu.memory_space<vmem>>, vector<128x1xi32>
      %iota3A = tpu.iota {dimensions = array<i32: 0>} : vector<128x1xi32>
      %mul3A_16 = arith.constant 128 : i32
      %mul3A_17 = arith.muli %scan3A_6, %mul3A_16 : i32
      %add3A = vector.broadcast %mul3A_17 : i32 to vector<128x1xi32>
      %add3A_18 = arith.addi %iota3A, %add3A : vector<128x1xi32>
      %reduce_min3A = vector.shape_cast %get3A_15 : vector<128x1xi32> to vector<1x128x1xi32>
      %reduce_min3A_19 = arith.constant dense<2147483647> : vector<1xi32>
      %reduce_min3A_20 = vector.multi_reduction <minsi>, %reduce_min3A, %reduce_min3A_19 [1, 2] : vector<1x128x1xi32> to vector<1xi32>
      %reduce_min3A_21 = vector.shape_cast %reduce_min3A_20 : vector<1xi32> to vector<1x1x1xi32>
      %reduce_min3A_22 = vector.extract %reduce_min3A_21[0, 0, 0] : i32 from vector<1x1x1xi32>
      %reduce_max3A = vector.shape_cast %get3A_15 : vector<128x1xi32> to vector<1x128x1xi32>
      %reduce_max3A_23 = arith.constant dense<-2147483648> : vector<1xi32>
      %reduce_max3A_24 = vector.multi_reduction <maxsi>, %reduce_max3A, %reduce_max3A_23 [1, 2] : vector<1x128x1xi32> to vector<1xi32>
      %reduce_max3A_25 = vector.shape_cast %reduce_max3A_24 : vector<1xi32> to vector<1x1x1xi32>
      %reduce_max3A_26 = vector.extract %reduce_max3A_25[0, 0, 0] : i32 from vector<1x1x1xi32>
      %lt3A = vector.broadcast %reduce_min3A_22 : i32 to vector<1x10240xi32>
      %lt3A_27 = arith.cmpi slt, %get3A_1, %lt3A : vector<1x10240xi32>
      %convert_element_type3A = arith.extui %lt3A_27 : vector<1x10240xi1> to vector<1x10240xi32>
      %reduce_sum3A = vector.shape_cast %convert_element_type3A : vector<1x10240xi32> to vector<1x1x10240xi32>
      %reduce_sum3A_28 = arith.constant dense<0> : vector<1xi32>
      %reduce_sum3A_29 = vector.multi_reduction <add>, %reduce_sum3A, %reduce_sum3A_28 [1, 2] : vector<1x1x10240xi32> to vector<1xi32>
      %reduce_sum3A_30 = vector.shape_cast %reduce_sum3A_29 : vector<1xi32> to vector<1x1x1xi32>
      %reduce_sum3A_31 = vector.extract %reduce_sum3A_30[0, 0, 0] : i32 from vector<1x1x1xi32>
      %le3A = vector.broadcast %reduce_max3A_26 : i32 to vector<1x10240xi32>
      %le3A_32 = arith.cmpi sle, %get3A_1, %le3A : vector<1x10240xi32>
      %convert_element_type3A_33 = arith.extui %le3A_32 : vector<1x10240xi1> to vector<1x10240xi32>
      %reduce_sum3A_34 = vector.shape_cast %convert_element_type3A_33 : vector<1x10240xi32> to vector<1x1x10240xi32>
      %reduce_sum3A_35 = arith.constant dense<0> : vector<1xi32>
      %reduce_sum3A_36 = vector.multi_reduction <add>, %reduce_sum3A_34, %reduce_sum3A_35 [1, 2] : vector<1x1x10240xi32> to vector<1xi32>
      %reduce_sum3A_37 = vector.shape_cast %reduce_sum3A_36 : vector<1xi32> to vector<1x1x1xi32>
      %reduce_sum3A_38 = vector.extract %reduce_sum3A_37[0, 0, 0] : i32 from vector<1x1x1xi32>
      %jit3A = arith.constant 256 : i32
      %div3A = arith.divsi %reduce_sum3A_31, %jit3A : i32
      %sign3A = arith.constant 0 : i32
      %sign3A_39 = arith.cmpi sgt, %reduce_sum3A_31, %sign3A : i32
      %sign3A_40 = arith.extui %sign3A_39 : i1 to i32
      %sign3A_41 = arith.constant 0 : i32
      %sign3A_42 = arith.cmpi slt, %reduce_sum3A_31, %sign3A_41 : i32
      %sign3A_43 = arith.extui %sign3A_42 : i1 to i32
      %sign3A_44 = arith.subi %sign3A_40, %sign3A_43 : i32
      %sign3A_45 = arith.constant 0 : i32
      %sign3A_46 = arith.cmpi sgt, %jit3A, %sign3A_45 : i32
      %sign3A_47 = arith.extui %sign3A_46 : i1 to i32
      %sign3A_48 = arith.constant 0 : i32
      %sign3A_49 = arith.cmpi slt, %jit3A, %sign3A_48 : i32
      %sign3A_50 = arith.extui %sign3A_49 : i1 to i32
      %sign3A_51 = arith.subi %sign3A_47, %sign3A_50 : i32
      %ne3A = arith.cmpi ne, %sign3A_44, %sign3A_51 : i32
      %rem3A = arith.remsi %reduce_sum3A_31, %jit3A : i32
      %ne3A_52 = arith.constant 0 : i32
      %ne3A_53 = arith.cmpi ne, %rem3A, %ne3A_52 : i32
      %and3A = arith.andi %ne3A, %ne3A_53 : i1
      %sub3A = arith.constant 1 : i32
      %sub3A_54 = arith.subi %div3A, %sub3A : i32
      %select_n3A = arith.select %and3A, %sub3A_54, %div3A : i32
      %add3A_55 = arith.constant 256 : i32
      %add3A_56 = arith.addi %reduce_sum3A_38, %add3A_55 : i32
      %sub3A_57 = arith.constant 1 : i32
      %sub3A_58 = arith.subi %add3A_56, %sub3A_57 : i32
      %jit3A_59 = arith.constant 256 : i32
      %div3A_60 = arith.divsi %sub3A_58, %jit3A_59 : i32
      %sign3A_61 = arith.constant 0 : i32
      %sign3A_62 = arith.cmpi sgt, %sub3A_58, %sign3A_61 : i32
      %sign3A_63 = arith.extui %sign3A_62 : i1 to i32
      %sign3A_64 = arith.constant 0 : i32
      %sign3A_65 = arith.cmpi slt, %sub3A_58, %sign3A_64 : i32
      %sign3A_66 = arith.extui %sign3A_65 : i1 to i32
      %sign3A_67 = arith.subi %sign3A_63, %sign3A_66 : i32
      %sign3A_68 = arith.constant 0 : i32
      %sign3A_69 = arith.cmpi sgt, %jit3A_59, %sign3A_68 : i32
      %sign3A_70 = arith.extui %sign3A_69 : i1 to i32
      %sign3A_71 = arith.constant 0 : i32
      %sign3A_72 = arith.cmpi slt, %jit3A_59, %sign3A_71 : i32
      %sign3A_73 = arith.extui %sign3A_72 : i1 to i32
      %sign3A_74 = arith.subi %sign3A_70, %sign3A_73 : i32
      %ne3A_75 = arith.cmpi ne, %sign3A_67, %sign3A_74 : i32
      %rem3A_76 = arith.remsi %sub3A_58, %jit3A_59 : i32
      %ne3A_77 = arith.constant 0 : i32
      %ne3A_78 = arith.cmpi ne, %rem3A_76, %ne3A_77 : i32
      %and3A_79 = arith.andi %ne3A_75, %ne3A_78 : i1
      %sub3A_80 = arith.constant 1 : i32
      %sub3A_81 = arith.subi %div3A_60, %sub3A_80 : i32
      %select_n3A_82 = arith.select %and3A_79, %sub3A_81, %div3A_60 : i32
      %broadcast_in_dim3A = arith.constant 0 : i32
      %broadcast_in_dim3A_83 = vector.broadcast %broadcast_in_dim3A : i32 to vector<128x1xi32>
      %while3A = arith.subi %select_n3A_82, %select_n3A : i32
      %while3A_84 = arith.addi %select_n3A, %while3A : i32
      %while3A_85 = arith.constant 1 : i32
      %while3A_86 = arith.divsi %while3A, %while3A_85 : i32
      %while3A_87 = arith.muli %while3A_86, %while3A_85 : i32
      %while3A_88 = arith.addi %select_n3A, %while3A_87 : i32
      %while3A_89 = arith.constant 1 : i32
      %while3A_90 = scf.for %while3A_111 = %select_n3A to %while3A_88 step %while3A_89 iter_args(%while3A_112 = %broadcast_in_dim3A_83) -> (vector<128x1xi32>)  : i32 {
        %mul3A_113 = arith.constant 256 : i32
        %mul3A_114 = arith.muli %while3A_111, %mul3A_113 : i32
        %get3A_115 = arith.constant 0 : index
        %get3A_116 = arith.index_cast %mul3A_114 : i32 to index
        %get3A_117 = vector.load %arg1[%get3A_115, %get3A_116] : memref<1x10240xf32, #tpu.memory_space<vmem>>, vector<1x256xf32>
        %mul3A_118 = arith.constant 256 : i32
        %mul3A_119 = arith.muli %while3A_111, %mul3A_118 : i32
        %get3A_120 = arith.constant 0 : index
        %get3A_121 = arith.index_cast %mul3A_119 : i32 to index
        %get3A_122 = vector.load %arg3[%get3A_120, %get3A_121] : memref<1x10240xi32, #tpu.memory_space<vmem>>, vector<1x256xi32>
        %iota3A_123 = tpu.iota {dimensions = array<i32: 1>} : vector<1x256xi32>
        %mul3A_124 = arith.constant 256 : i32
        %mul3A_125 = arith.muli %while3A_111, %mul3A_124 : i32
        %add3A_126 = vector.broadcast %mul3A_125 : i32 to vector<1x256xi32>
        %add3A_127 = arith.addi %iota3A_123, %add3A_126 : vector<1x256xi32>
        %gt3A = vector.broadcast %get3A_117 : vector<1x256xf32> to vector<128x256xf32>
        %gt3A_128 = vector.broadcast %get3A_10 : vector<128x1xf32> to vector<128x256xf32>
        %gt3A_129 = arith.cmpf ogt, %gt3A, %gt3A_128 : vector<128x256xf32>
        %eq3A = vector.broadcast %get3A_117 : vector<1x256xf32> to vector<128x256xf32>
        %eq3A_130 = vector.broadcast %get3A_10 : vector<128x1xf32> to vector<128x256xf32>
        %eq3A_131 = arith.cmpf oeq, %eq3A, %eq3A_130 : vector<128x256xf32>
        %lt3A_132 = vector.broadcast %add3A_127 : vector<1x256xi32> to vector<128x256xi32>
        %lt3A_133 = vector.broadcast %add3A_18 : vector<128x1xi32> to vector<128x256xi32>
        %lt3A_134 = arith.cmpi slt, %lt3A_132, %lt3A_133 : vector<128x256xi32>
        %and3A_135 = arith.andi %eq3A_131, %lt3A_134 : vector<128x256xi1>
        %or3A = arith.ori %gt3A_129, %and3A_135 : vector<128x256xi1>
        %eq3A_136 = vector.broadcast %get3A_122 : vector<1x256xi32> to vector<128x256xi32>
        %eq3A_137 = vector.broadcast %get3A_15 : vector<128x1xi32> to vector<128x256xi32>
        %eq3A_138 = arith.cmpi eq, %eq3A_136, %eq3A_137 : vector<128x256xi32>
        %and3A_139 = arith.andi %eq3A_138, %or3A : vector<128x256xi1>
        %convert_element_type3A_140 = arith.extui %and3A_139 : vector<128x256xi1> to vector<128x256xi32>
        %reduce_sum3A_141 = arith.constant dense<0> : vector<128xi32>
        %reduce_sum3A_142 = vector.multi_reduction <add>, %convert_element_type3A_140, %reduce_sum3A_141 [1] : vector<128x256xi32> to vector<128xi32>
        %broadcast_in_dim3A_143 = vector.shape_cast %reduce_sum3A_142 : vector<128xi32> to vector<128x1xi32>
        %add3A_144 = arith.addi %while3A_112, %broadcast_in_dim3A_143 : vector<128x1xi32>
        scf.yield %add3A_144 : vector<128x1xi32>
      }
      %while3A_91 = arith.constant 1 : i32
      %while3A_92 = scf.for %while3A_111 = %while3A_88 to %while3A_84 step %while3A_91 iter_args(%while3A_112 = %while3A_90) -> (vector<128x1xi32>)  : i32 {
        %mul3A_113 = arith.constant 256 : i32
        %mul3A_114 = arith.muli %while3A_111, %mul3A_113 : i32
        %get3A_115 = arith.constant 0 : index
        %get3A_116 = arith.index_cast %mul3A_114 : i32 to index
        %get3A_117 = vector.load %arg1[%get3A_115, %get3A_116] : memref<1x10240xf32, #tpu.memory_space<vmem>>, vector<1x256xf32>
        %mul3A_118 = arith.constant 256 : i32
        %mul3A_119 = arith.muli %while3A_111, %mul3A_118 : i32
        %get3A_120 = arith.constant 0 : index
        %get3A_121 = arith.index_cast %mul3A_119 : i32 to index
        %get3A_122 = vector.load %arg3[%get3A_120, %get3A_121] : memref<1x10240xi32, #tpu.memory_space<vmem>>, vector<1x256xi32>
        %iota3A_123 = tpu.iota {dimensions = array<i32: 1>} : vector<1x256xi32>
        %mul3A_124 = arith.constant 256 : i32
        %mul3A_125 = arith.muli %while3A_111, %mul3A_124 : i32
        %add3A_126 = vector.broadcast %mul3A_125 : i32 to vector<1x256xi32>
        %add3A_127 = arith.addi %iota3A_123, %add3A_126 : vector<1x256xi32>
        %gt3A = vector.broadcast %get3A_117 : vector<1x256xf32> to vector<128x256xf32>
        %gt3A_128 = vector.broadcast %get3A_10 : vector<128x1xf32> to vector<128x256xf32>
        %gt3A_129 = arith.cmpf ogt, %gt3A, %gt3A_128 : vector<128x256xf32>
        %eq3A = vector.broadcast %get3A_117 : vector<1x256xf32> to vector<128x256xf32>
        %eq3A_130 = vector.broadcast %get3A_10 : vector<128x1xf32> to vector<128x256xf32>
        %eq3A_131 = arith.cmpf oeq, %eq3A, %eq3A_130 : vector<128x256xf32>
        %lt3A_132 = vector.broadcast %add3A_127 : vector<1x256xi32> to vector<128x256xi32>
        %lt3A_133 = vector.broadcast %add3A_18 : vector<128x1xi32> to vector<128x256xi32>
        %lt3A_134 = arith.cmpi slt, %lt3A_132, %lt3A_133 : vector<128x256xi32>
        %and3A_135 = arith.andi %eq3A_131, %lt3A_134 : vector<128x256xi1>
        %or3A = arith.ori %gt3A_129, %and3A_135 : vector<128x256xi1>
        %eq3A_136 = vector.broadcast %get3A_122 : vector<1x256xi32> to vector<128x256xi32>
        %eq3A_137 = vector.broadcast %get3A_15 : vector<128x1xi32> to vector<128x256xi32>
        %eq3A_138 = arith.cmpi eq, %eq3A_136, %eq3A_137 : vector<128x256xi32>
        %and3A_139 = arith.andi %eq3A_138, %or3A : vector<128x256xi1>
        %convert_element_type3A_140 = arith.extui %and3A_139 : vector<128x256xi1> to vector<128x256xi32>
        %reduce_sum3A_141 = arith.constant dense<0> : vector<128xi32>
        %reduce_sum3A_142 = vector.multi_reduction <add>, %convert_element_type3A_140, %reduce_sum3A_141 [1] : vector<128x256xi32> to vector<128xi32>
        %broadcast_in_dim3A_143 = vector.shape_cast %reduce_sum3A_142 : vector<128xi32> to vector<128x1xi32>
        %add3A_144 = arith.addi %while3A_112, %broadcast_in_dim3A_143 : vector<128x1xi32>
        scf.yield %add3A_144 : vector<128x1xi32>
      }
      %lt3A_93 = arith.constant 30 : i32
      %lt3A_94 = vector.broadcast %lt3A_93 : i32 to vector<128x1xi32>
      %lt3A_95 = arith.cmpi slt, %while3A_92, %lt3A_94 : vector<128x1xi32>
      %lt3A_96 = arith.constant 128 : i32
      %lt3A_97 = vector.broadcast %lt3A_96 : i32 to vector<128x1xi32>
      %lt3A_98 = arith.cmpi slt, %get3A_15, %lt3A_97 : vector<128x1xi32>
      %and3A_99 = arith.andi %lt3A_95, %lt3A_98 : vector<128x1xi1>
      %mul3A_100 = arith.constant 30 : i32
      %mul3A_101 = vector.broadcast %mul3A_100 : i32 to vector<128x1xi32>
      %mul3A_102 = arith.muli %get3A_15, %mul3A_101 : vector<128x1xi32>
      %add3A_103 = arith.addi %mul3A_102, %while3A_92 : vector<128x1xi32>
      %jit3A_104 = arith.constant 3840 : i32
      %broadcast_in_dim3A_105 = vector.broadcast %jit3A_104 : i32 to vector<128x1xi32>
      %select_n3A_106 = arith.select %and3A_99, %add3A_103, %broadcast_in_dim3A_105 : vector<128x1xi1>, vector<128x1xi32>
      %mul3A_107 = arith.constant 128 : i32
      %mul3A_108 = arith.muli %scan3A_6, %mul3A_107 : i32
      %swap3A = arith.index_cast %mul3A_108 : i32 to index
      %swap3A_109 = arith.constant 0 : index
      %swap3A_110 = vector.load %arg4[%swap3A, %swap3A_109] : memref<10240x1xi32, #tpu.memory_space<vmem>>, vector<128x1xi32>
      tpu.vector_store %arg4[%swap3A, %swap3A_109], %select_n3A_106 {strides = array<i32>} : memref<10240x1xi32, #tpu.memory_space<vmem>>, vector<128x1xi32>,
    }
    %scan3A_5 = arith.constant 80 : i32
    return
  }
}

module attributes {stable_mosaic.version = 14 : i64} {
  func.func @_t5_body(%arg0: memref<128x960xf32, #tpu.memory_space<vmem>>, %arg1: memref<128x960xf32, #tpu.memory_space<vmem>>, %arg2: memref<960x32xf32, #tpu.memory_space<vmem>>, %arg3: memref<1x32xf32, #tpu.memory_space<vmem>>, %arg4: memref<32x1xf32, #tpu.memory_space<vmem>>, %arg5: memref<1x1xf32, #tpu.memory_space<vmem>>, %arg6: memref<128x1xf32, #tpu.memory_space<vmem>>) attributes {dimension_semantics = [], scalar_prefetch = 0 : i64, scratch_operands = 0 : i64, tpu.core_type = #tpu.core_type<tc>} {
    %get3A = arith.constant 0 : index
    %get3A_0 = arith.constant 0 : index
    %get3A_1 = vector.load %arg0[%get3A, %get3A_0] : memref<128x960xf32, #tpu.memory_space<vmem>>, vector<128x960xf32>
    %get3A_2 = arith.constant 0 : index
    %get3A_3 = arith.constant 0 : index
    %get3A_4 = vector.load %arg1[%get3A_2, %get3A_3] : memref<128x960xf32, #tpu.memory_space<vmem>>, vector<128x960xf32>
    %add3A = arith.addf %get3A_1, %get3A_4 : vector<128x960xf32>
    %convert_element_type3A = arith.truncf %add3A : vector<128x960xf32> to vector<128x960xbf16>
    %get3A_5 = arith.constant 0 : index
    %get3A_6 = arith.constant 0 : index
    %get3A_7 = vector.load %arg2[%get3A_5, %get3A_6] : memref<960x32xf32, #tpu.memory_space<vmem>>, vector<960x32xf32>
    %convert_element_type3A_8 = arith.truncf %get3A_7 : vector<960x32xf32> to vector<960x32xbf16>
    %dot_general3A = arith.constant dense<0.000000e+00> : vector<128x32xf32>
    %dot_general3A_9 = tpu.matmul %convert_element_type3A, %convert_element_type3A_8, %dot_general3A {dimension_numbers = #tpu.dot_dimension_numbers<[1], [0], [0], [1], [0, 0, 1, 1], [], []>, transpose_lhs_hint = false} : vector<128x960xbf16>, vector<960x32xbf16>, vector<128x32xf32> -> vector<128x32xf32>
    %get3A_10 = arith.constant 0 : index
    %get3A_11 = arith.constant 0 : index
    %get3A_12 = vector.load %arg3[%get3A_10, %get3A_11] : memref<1x32xf32, #tpu.memory_space<vmem>>, vector<1x32xf32>
    %add3A_13 = vector.broadcast %get3A_12 : vector<1x32xf32> to vector<128x32xf32>
    %add3A_14 = arith.addf %dot_general3A_9, %add3A_13 : vector<128x32xf32>
    %max3A = arith.constant 0.000000e+00 : f32
    %max3A_15 = vector.broadcast %max3A : f32 to vector<128x32xf32>
    %max3A_16 = arith.maximumf %add3A_14, %max3A_15 : vector<128x32xf32>
    %convert_element_type3A_17 = arith.truncf %max3A_16 : vector<128x32xf32> to vector<128x32xbf16>
    %get3A_18 = arith.constant 0 : index
    %get3A_19 = arith.constant 0 : index
    %get3A_20 = vector.load %arg4[%get3A_18, %get3A_19] : memref<32x1xf32, #tpu.memory_space<vmem>>, vector<32x1xf32>
    %convert_element_type3A_21 = arith.truncf %get3A_20 : vector<32x1xf32> to vector<32x1xbf16>
    %dot_general3A_22 = arith.constant dense<0.000000e+00> : vector<128x1xf32>
    %dot_general3A_23 = tpu.matmul %convert_element_type3A_17, %convert_element_type3A_21, %dot_general3A_22 {dimension_numbers = #tpu.dot_dimension_numbers<[1], [0], [0], [1], [0, 0, 1, 1], [], []>, transpose_lhs_hint = false} : vector<128x32xbf16>, vector<32x1xbf16>, vector<128x1xf32> -> vector<128x1xf32>
    %get3A_24 = arith.constant 0 : index
    %get3A_25 = arith.constant 0 : index
    %get3A_26 = vector.load %arg5[%get3A_24, %get3A_25] : memref<1x1xf32, #tpu.memory_space<vmem>>, vector<1x1xf32>
    %add3A_27 = vector.broadcast %get3A_26 : vector<1x1xf32> to vector<128x1xf32>
    %add3A_28 = arith.addf %dot_general3A_23, %add3A_27 : vector<128x1xf32>
    %swap3A = arith.constant 0 : index
    %swap3A_29 = arith.constant 0 : index
    %swap3A_30 = vector.load %arg6[%swap3A, %swap3A_29] : memref<128x1xf32, #tpu.memory_space<vmem>>, vector<128x1xf32>
    tpu.vector_store %arg6[%swap3A, %swap3A_29], %add3A_28 {strides = array<i32>} : memref<128x1xf32, #tpu.memory_space<vmem>>, vector<128x1xf32>,
    return
  }
}

</mosaic_0001>

<sc_bundles>
// kernel: kernel.11.cloned.1.call-start
scs
__scs_entry_jumppad:
0x0: {  	(pc) =	sbr.rel $0x88, $3  }
0x1: {  	(tag) =	ssettag $0x0;
	lr =	simm.s32 $0x1  }
0x2: {  	[smem:$0x3F8B] =	sst lr;
	_ =	strace $0xD0000000  }
0x3: {  	_ = 	snop  }
0x4: {  	_ = 	snop  }
0x5: {  	_ = 	snop  }
0x6: {  	_ = 	snop  }
0x7: {  	_ = 	snop  }
__scs_overlays_trampoline_lowered:
0x8: {  	[smem:$0x3F9A] =	sst s0  }
0x9: {  	[smem:$0x3F9B] =	sst s1  }
0xa: {  	[smem:$0x3F9C] =	sst s2  }
0xb: {  	[smem:$0x3F9D] =	sst s3  }
0xc: {  	[smem:$0x3F9E] =	sst s4  }
0xd: {  	[smem:$0x3F9F] =	sst s5  }
0xe: {  	[smem:$0x3FA0] =	sst s6  }
0xf: {  	[smem:$0x3FA1] =	sst s7  }
0x10: {  	[smem:$0x3FA2] =	sst s8  }
0x11: {  	[smem:$0x3FA3] =	sst s9;
	s0 =	simm.s32 @!p0 $0x0  }
0x12: {  	s1 =	sld [smem:$0x3F89];
	s0 =	simm.s32 @p0 $0x1  }
0x13: {  	[smem:$0x3FA4] =	sst s0;
	s0 =	simm.s32 @!p1 $0x0  }
0x14: {  	s2 =	sld [smem:$0x3F88];
	s0 =	simm.s32 @p1 $0x1  }
0x15: {  	[smem:$0x3FA5] =	sst s0;
	s0 =	simm.s32 @!p2 $0x0  }
0x16: {  	s3 =	sld [smem:$0x3FDB];
	s0 =	simm.s32 @p2 $0x1  }
0x17: {  	s4 =	simm.s32 $0x1BF5;
	[smem:$0x3FA7] =	sst s0  }
0x18: {  	s0 =	sld [smem:$0x3F8A];
	_ =	swait.ge [sflag:s4], $0x0  }
0x19: {  	s7 =	sld [smem:$0x3F8B]  }
0x1a: {  	s8 =	sadd.s32 $0xFFFFE003, lr  }
0x1b: {  	s9 =	sadd.s32 $0xFFFFFEF7, lr;
	s5 =	simm.s32 $0xFFFFFFFF;
	p2 =	slt.u32 s8, $0xFFFFF086  }
0x1c: {  	p1 =	slt.u32 s9, $0xF7A;
	s5 =	simm.s32 @!p2 $0x0  }
0x1d: {  	s5 =	simm.s32 @p1 $0x1;
	p0 =	seq.s32 s7, s2  }
0x1e: {  	s7 =	smul.u32 @!p0 $0xF7A, s2;
	p2 =	seq.s32 @!p0 s5, $0x0  }
0x1f: {  	s9 =	smul.u32 $0xF7A, s1;
	s8 =	simm.s32 @!p0 $0x1BF5;
	p2 =	por !p2, p0  }
0x20: {  	[sflag:s8] =	ssyncset.s32 @!p0 $0xFFFFF086;
	s6 =	sadd.s32 @!p0 s3, s7;
	s7 =	simm.s32 @!p0 $0x108  }
0x21: {  	s3 =	sadd.s32 s3, s9;
	s6 =	sadd.s32 @!p0 $0x88, s6;
	s7 =	simm.s32 @p2 $0x1082  }
0x22: {  	[simem:s7], [sflag:s8] =	dma.local @!p0 [hbm:s6], $0xF7A  }
0x23: {  	s9 =	sor.u32 $0xD0000000, s2;
	s6 =	simm.s32 $0x108;
	_ =	swait.ge @!p0 [sflag:s8], $0x0  }
0x24: {  	s3 =	sadd.s32 $0x88, s3;
	s6 =	simm.s32 @!p1 $0x1082;
	[sflag:s4] =	ssyncset.s32 $0xFFFFF086  }
0x25: {  	[simem:s6], [sflag:s4] =	dma.local [hbm:s3], $0xF7A  }
0x26: {  	[smem:$0x3F8B] =	sst s1;
	(tag) =	ssettag s2;
	_ =	strace s9  }
0x27: {  	s1 =	sld [smem:$0x3F9B]  }
0x28: {  	s2 =	sld [smem:$0x3F9C]  }
0x29: {  	s4 =	sld [smem:$0x3F9E]  }
0x2a: {  	p0 =	seq.s32 s5, $0x0;
	s5 =	sld [smem:$0x3F9F]  }
0x2b: {  	s6 =	sld [smem:$0x3FA0]  }
0x2c: {  	s7 =	sld [smem:$0x3FA1]  }
0x2d: {  	s3 =	simm.s32 $0x108;
	s8 =	sld [smem:$0x3FA2]  }
0x2e: {  	s3 =	simm.s32 @!p0 $0x1082;
	s9 =	sld [smem:$0x3FA3]  }
0x2f: {  	lr =	sadd.s32 s0, s3;
	s0 =	sld [smem:$0x3F9A]  }
0x30: {  	s3 =	sld [smem:$0x3F9D]  }
0x31: {  	[smem:$0x3FA6] =	sst s10  }
0x32: {  	s10 =	sld [smem:$0x3FA4];
	_ =	sdelay $0x3  }
0x33: {  	p0 =	seq.s32 s10, $0x1;
	s10 =	sld [smem:$0x3FA6];
	_ =	sdelay $0x3  }
0x34: {  	[smem:$0x3FA6] =	sst s10  }
0x35: {  	s10 =	sld [smem:$0x3FA5];
	_ =	sdelay $0x3  }
0x36: {  	p1 =	seq.s32 s10, $0x1;
	s10 =	sld [smem:$0x3FA6];
	_ =	sdelay $0x3  }
0x37: {  	[smem:$0x3FA6] =	sst s10  }
0x38: {  	s10 =	sld [smem:$0x3FA7]  }
0x39: {  	_ = 	snop;
	(pc) =	sbr.ind lr, $3  }
0x3a: {  	_ = 	snop  }
0x3b: {  	_ = 	snop  }
0x3c: {  	p2 =	seq.s32 s10, $0x1;
	s10 =	sld [smem:$0x3FA6]  }
0x3d: {  	_ =	shalt  }
0x3e: {  	_ =	shalt  }
0x3f: {  	_ =	shalt  }
0x40: {  	_ =	shalt  }
0x41: {  	_ =	shalt  }
0x42: {  	_ =	shalt  }
0x43: {  	_ =	shalt  }
0x44: {  	_ =	shalt  }
0x45: {  	_ =	shalt  }
0x46: {  	_ =	shalt  }
0x47: {  	_ =	shalt  }
0x48: {  	_ =	shalt  }
0x49: {  	_ =	shalt  }
0x4a: {  	_ =	shalt  }
0x4b: {  	_ =	shalt  }
0x4c: {  	_ =	shalt  }
0x4d: {  	_ =	shalt  }
0x4e: {  	_ =	shalt  }
0x4f: {  	_ =	shalt  }
0x50: {  	_ =	shalt  }
0x51: {  	_ =	shalt  }
0x52: {  	_ =	shalt  }
0x53: {  	_ =	shalt  }
0x54: {  	_ =	shalt  }
0x55: {  	_ =	shalt  }
0x56: {  	_ =	shalt  }
0x57: {  	_ =	shalt  }
0x58: {  	_ =	shalt  }
0x59: {  	_ =	shalt  }
0x5a: {  	_ =	shalt  }
0x5b: {  	_ =	shalt  }
0x5c: {  	_ =	shalt  }
0x5d: {  	_ =	shalt  }
0x5e: {  	_ =	shalt  }
0x5f: {  	_ =	shalt  }
0x60: {  	_ =	shalt  }
0x61: {  	_ =	shalt  }
0x62: {  	_ =	shalt  }
0x63: {  	_ =	shalt  }
0x64: {  	_ =	shalt  }
0x65: {  	_ =	shalt  }
0x66: {  	_ =	shalt  }
0x67: {  	_ =	shalt  }
0x68: {  	_ =	shalt  }
0x69: {  	_ =	shalt  }
0x6a: {  	_ =	shalt  }
0x6b: {  	_ =	shalt  }
0x6c: {  	_ =	shalt  }
0x6d: {  	_ =	shalt  }
0x6e: {  	_ =	shalt  }
0x6f: {  	_ =	shalt  }
0x70: {  	_ =	shalt  }
0x71: {  	_ =	shalt  }
0x72: {  	_ =	shalt  }
0x73: {  	_ =	shalt  }
0x74: {  	_ =	shalt  }
0x75: {  	_ =	shalt  }
0x76: {  	_ =	shalt  }
0x77: {  	_ =	shalt  }
0x78: {  	_ =	shalt  }
0x79: {  	_ =	shalt  }
0x7a: {  	_ =	shalt  }
0x7b: {  	_ =	shalt  }
0x7c: {  	_ =	shalt  }
0x7d: {  	_ =	shalt  }
0x7e: {  	_ =	shalt  }
0x7f: {  	_ =	shalt  }
0x80: {  	_ =	shalt  }
0x81: {  	_ =	shalt  }
0x82: {  	_ =	shalt  }
0x83: {  	_ =	shalt  }
0x84: {  	_ =	shalt  }
0x85: {  	_ =	shalt  }
0x86: {  	_ =	shalt  }
0x87: {  	_ =	shalt  }
.Lfunc_end0:
.L_simem_size_0:
called_computation_lowered:
.L_overlay_start_0:
0x88: {  	s2 =	sld [smem:$0x3FD9]  }
0x89: {  	s3 =	sld [smem:$0x3FFE];
	_ =	sdelay $0x1  }
0x8a: {  	s1 =	srdreg.scid  }
0x8b: {  	s0 =	sand.u32 $0x1, s1  }
0x8c: {  	s16 =	sshll.u32 s0, $0xA;
	s2 =	sadd.s32 s3, s2  }
0x8d: {  	s2 =	sadd.s32 s2, s16  }
0x8e: {  	[smem:$0x3FB2] =	sst s2  }
0x8f: {  	_ = 	snop  }
0x90: {  	(tm) =	ssettm $0x1  }
0x91: {  	s17 =	sld [smem:$0x3FFB];
	_ =	sdelay $0x3  }
0x92: {  	_ =	strace s17  }
0x93: {  	s2 =	sld [smem:$0x3FFC];
	_ =	sdelay $0x3  }
0x94: {  	_ =	strace s2  }
0x95: {  	s2 =	sld [smem:$0x3FFD];
	_ =	sdelay $0x3  }
0x96: {  	_ =	strace s2  }
0x97: {  	_ =	strace $0x8FFFFFFF  }
0x98: {  	s18 =	sld [smem:$0x3FDB];
	_ =	sdelay $0x1  }
0x99: {  	s19 =	simm.s32 $_scs_section_size  }
0x9a: {  	s4 =	simm.s32 $_size__tile_overlayer_lowered;
	s5 =	simm.s32 $_tile_overlayer_lowered  }
0x9b: {  	s22 =	simm.s32 $0x1BFF;
	s21 =	sshll.u32 s5, $0x1;
	s2 =	sadd.s32 s19, s18  }
0x9c: {  	s6 =	simm.s32 $0x0;
	s20 =	sshll.u32 s4, $0x1;
	s4 =	sadd.s32 s21, s2  }
0x9d: {  	[timem:s6], [sflag:s22] =	dma.local [hbm:s4], s20  }
0x9e: {  	_ =	swait.ge [sflag:s22], s20  }
0x9f: {  	s3 =	ssub.s32 $0x0, s20;
	[sflag:s22] =	ssyncset.done $0x0  }
0xa0: {  	[sflag:s22] =	ssyncadd.s32 s3;
	_ =	sdelay $0x1  }
0xa1: {  	s23 =	simm.s32 $0x1B8B  }
0xa2: {  	_ =	swait.ge [sflag:s23], $0x1  }
0xa3: {  	[sflag:s23] =	ssyncset.done $0x0  }
0xa4: {  	s25 =	simm.s32 $0x1B8E;
	s24 =	sld [smem:$0x3FFE];
	[sflag:s23] =	ssyncadd.s32 $0xFFFFFFFF  }
0xa5: {  	s26 =	simm.s32 $execute0_lowered;
	[smem:$0x3FD2] =	sst s25  }
0xa6: {  	s4 =	sshll.u32 s26, $0x1;
	_ =	strace $0x80000046;
	[dreg:$0x1] =	wrdreg $0xFFFFFFFF  }
0xa7: {  	s28 =	simm.s32 $_size_execute0_lowered;
	s2 =	sadd.s32 s2, s4;
	[dreg:$0x0] =	wrdreg $0x0  }
0xa8: {  	s4 =	sshll.u32 s28, $0x1;
	[dreg:$0x2] =	wrdreg s2  }
0xa9: {  	[dreg:$0x3] =	wrdreg s4  }
0xaa: {  	[dreg:$0x4] =	wrdreg $0xC0  }
0xab: {  	_ =	task [dreg:s6], $0x5FFFF  }
0xac: {  	[dreg:$0x1] =	wrdreg $0xFFFFFFFF  }
0xad: {  	[dreg:$0x0] =	wrdreg $0x60  }
0xae: {  	[dreg:$0x2] =	wrdreg s24  }
0xaf: {  	[dreg:$0x3] =	wrdreg $0x7B200  }
0xb0: {  	[dreg:$0x4] =	wrdreg $0x9  }
0xb1: {  	_ =	task.clear_ibuf [dreg:s6], $0x5FFFF;
	_ =	strace $0x90000046  }
0xb2: {  	s29 =	simm.s32 $0x9;
	_ =	strace $0x80000048  }
0xb3: {  	_ =	swait.ge [sflag:s29], $0x1  }
0xb4: {  	[sflag:s29] =	ssyncadd.s32 $0xFFFFFFFF  }
0xb5: {  	_ =	strace $0x90000048  }
0xb6: {  	_ =	sfence  }
0xb7: {  	s30 =	sld [smem:$0x0];
	_ =	sdelay $0x2  }
0xb8: {  	s31 =	sshll.u32 s1, $0xD;
	s1 =	sshrl.u32 s1, $0x2  }
0xb9: {  	s3 =	sand.u32 $0x4000, s31;
	s1 =	sadd.s32 s1, s30  }
0xba: {  	s0 =	sor.u32 s3, s0;
	s1 =	sshll.u32 s1, $0x11  }
0xbb: {  	s0 =	sor.u32 s1, s0  }
0xbc: {  	s0 =	sadd.s32 $0x8F2B, s0  }
0xbd: {  	[sflag:s0] =	ssyncadd.remote.s32 $0x1  }
0xbe: {  	_ =	sfence.sel $0xFFFF  }
0xbf: {  	[dreg:$0x0] =	wrdreg $0xFFFFFFFF;
	(pc) =	sbr.abs _section_cstart, $3  }
0xc0: {  	[dreg:$0x1] =	wrdreg $0xFFFFFFFF  }
0xc1: {  	_ =	task.clear_ibuf [dreg:s6], $0x2FFFF;
	_ =	strace $0x9FFFFFFF  }
0xc2: {  	(tm) =	ssettm $0x7FFFFFFF  }
0xc3: {  	_ =	shalt  }
tec
execute0_lowered:
.L_overlay_start_1:
0x0: {  	(tag) =	ssettag $0x1  }
0x1: {  	s6 =	rddreg [dreg:$0x0]  }
0x2: {  	s0 =	srdreg.scid;
	s2 =	rddreg [dreg:$0x1]  }
0x3: {  	s3 =	simm.s32 $0x0;
	s14 =	simm.s32 $0x50;
	s15 =	simm.s32 $0x4E20  }
0x4: {  	s16 =	simm.s32 $0x1;
	s5 =	sand.u32 $0x1, s0;
	s0 =	stileid.u32  }
0x5: {  	s17 =	simm.s32 $0x0;
	[smem:$0x7FF] =	sst s3;
	s7 =	smul.u32 $0x16800, s0  }
0x6: {  	s1 =	sshll.u32 s5, $0x4;
	s8 =	smul.u32 $0x168000, s5;
	s5 =	ssub.s32 $0x2, s5  }
0x7: {  	s31 =	sshll.u32 s0, $0x6;
	s1 =	sor.u32 s0, s1;
	s11 =	sshrl.u32 s5, $0x1  }
0x8: {  	s4 =	smul.u32 $0x4E2, s1;
	s1 =	rddreg [dreg:$0x2];
	_ =	strace $0x80000047  }
0x9: {  	s8 =	sadd.s32 s7, s8;
	s10 =	sshrl.u32 s7, $0x3;
	s11 =	ssub.s32 s5, s11  }
0xa: {  	s13 =	sadd.s32 s7, s2;
	s8 =	sshrl.u32 s8, $0x3;
	s10 =	sadd.s32 s10, s6  }
0xb: {  	s9 =	sadd.s32 s4, s6;
	s4 =	sadd.s32 $0x15E00, s6;
	s12 =	sadd.s32 s8, s6  }
0xc: {  	s5 =	sadd.s32 $0x42E00, s10;
	s6 =	sor.u32 $0x1C02, s31;
	s10 =	smax.u32 s11, $0x1  }
0xd: {  	s11 =	sshrl.u32 s13, $0x3;
	s13 =	simm.s32 $0x2710;
	s7 =	sadd.s32 $0xC000, s9  }
0xe: {  	s8 =	sadd.s32 $0x2200, s9;
	s9 =	sadd.s32 $0x6FE00, s12;
	s12 =	simm.s32 $0x2  }
.LBB2_1:
0xf: {  	[spmem:s11], [sflag:s6] =	dma.local [hbm:s5], $0x2D00  }
0x10: {  	_ =	swait.ge [sflag:s12], $0x2D00  }
0x11: {  	[sflag:s12] =	ssyncset.done $0x0  }
0x12: {  	[sflag:s12] =	ssyncadd.s32 $0xFFFFD300  }
0x13: {  	[tilespmem:s3], [sflag:$0x2] =	stream.linear.gather [hbm4b:s7+s3], $0x2710, $0x38;
	[tilespmem:$0x1E320] =	vst v63  }
0x14: {  	_ =	swait.ge [sflag:s12], $0x2710  }
0x15: {  	[sflag:s12] =	ssyncset.done $0x0  }
0x16: {  	[sflag:s12] =	ssyncadd.s32 $0xFFFFD8F0  }
0x17: {  	[tilespmem:s13], [sflag:$0x2] =	stream.linear.gather [hbm4b:s8+s3], $0x2710, $0x38;
	[tilespmem:$0x1E320] =	vst v63  }
0x18: {  	_ =	swait.ge [sflag:s12], $0x2710  }
0x19: {  	[sflag:s12] =	ssyncset.done $0x0  }
0x1a: {  	[sflag:s12] =	ssyncadd.s32 $0xFFFFD8F0  }
0x1b: {  	s18 =	simm.s32 $0x0;
	[bflag:$0x0] =	sbarrier.arrive $0xFFFF  }
0x1c: {  	[tilespmem:s15], [sflag:$0x1] =	stream.indirect.gather [hbm4b:s4+s14], $0x90, s18, s14, $0xb8;
	[tilespmem:$0x1E320] =	vst v63  }
0x1d: {  	_ =	swait.ge [sflag:s16], $0x2D00  }
0x1e: {  	[sflag:s16] =	ssyncset.done $0x0  }
0x1f: {  	s31 =	simm.s32 $0x2710;
	[sflag:s16] =	ssyncadd.s32 $0xFFFFD300  }
0x20: {  	[spmem:s2] =	stream.indirect.scatter.add.f32 [tilespmem:s15], [sflag:$0x2], $0x90, s31, s14, $0xb8;
	[tilespmem:$0x1E320] =	vst v63  }
0x21: {  	_ =	swait.ge [sflag:s12], $0x2D00  }
0x22: {  	s19 =	simm.s32 $0x280;
	s18 =	simm.s32 $0x140;
	[sflag:s12] =	ssyncset.done $0x0  }
.LBB2_2:
0x23: {  	s20 =	sshra.s32 s18, $0x2  }
0x24: {  	[sflag:s12] =	ssyncadd.s32 $0xFFFFD300;
	s18 =	smov.u32 s19;
	s21 =	sadd.s32 $0x140, s19  }
0x25: {  	[tilespmem:s15], [sflag:$0x1] =	stream.indirect.gather [hbm4b:s4+s14], $0x90, s20, s14, $0xb8;
	[tilespmem:$0x1E320] =	vst v63  }
0x26: {  	p0 =	sne.s32 s19, $0x9B00;
	_ =	swait.ge [sflag:s16], $0x2D00  }
.Ltmp0:
0x27: {  	[sflag:s16] =	ssyncset.done $0x0;
	(pc) =	sbr.rel @p0 .LBB2_2-.Ltmp0, $4  }
0x28: {  	s19 =	sadd.s32 $0x2710, s20;
	[sflag:s16] =	ssyncadd.s32 $0xFFFFD300  }
0x29: {  	[spmem:s2] =	stream.indirect.scatter.add.f32 [tilespmem:s15], [sflag:$0x2], $0x90, s19, s14, $0xb8;
	[tilespmem:$0x1E320] =	vst v63  }
0x2a: {  	_ =	swait.ge [sflag:s12], $0x2D00  }
0x2b: {  	s19 =	smov.u32 s21;
	[sflag:s12] =	ssyncset.done $0x0  }
0x2c: {  	s18 =	sshra.s32 s18, $0x2;
	[sflag:s12] =	ssyncadd.s32 $0xFFFFD300  }
0x2d: {  	[tilespmem:s15], [sflag:$0x1] =	stream.indirect.gather [hbm4b:s4+s14], $0x90, s18, s14, $0xb8;
	[tilespmem:$0x1E320] =	vst v63  }
0x2e: {  	_ =	swait.ge [sflag:s16], $0x2D00  }
0x2f: {  	[sflag:s16] =	ssyncset.done $0x0  }
0x30: {  	s18 =	sadd.s32 $0x2710, s18;
	[sflag:s16] =	ssyncadd.s32 $0xFFFFD300  }
0x31: {  	[spmem:s2] =	stream.indirect.scatter.add.f32 [tilespmem:s15], [sflag:$0x2], $0x90, s18, s14, $0xb8;
	[tilespmem:$0x1E320] =	vst v63  }
0x32: {  	_ =	swait.ge [sflag:s12], $0x2D00  }
0x33: {  	s17 =	sadd.s32 $0x1, s17;
	[sflag:s12] =	ssyncset.done $0x0  }
0x34: {  	p0 =	sne.s32 s17, s10;
	[sflag:s12] =	ssyncadd.s32 $0xFFFFD300  }
.Ltmp1:
0x35: {  	[bflag:$0x0] =	sbarrier.arrive $0xFFFF;
	(pc) =	sbr.rel @p0 .LBB2_1-.Ltmp1, $4  }
0x36: {  	[hbm:s9], [sflag:s6] =	dma.local [spmem:s11], $0x2D00  }
0x37: {  	_ =	swait.ge [sflag:s12], $0x2D00  }
0x38: {  	[sflag:s12] =	ssyncset.done $0x0  }
0x39: {  	[sflag:s12] =	ssyncadd.s32 $0xFFFFD300  }
0x3a: {  	_ =	sfence.sel $0x180000  }
0x3b: {  	[bflag:$0x0] =	sbarrier.arrive $0xFFFF  }
0x3c: {  	p0 =	sne.s32 s0, $0x0;
	_ =	strace $0x90000047  }
0x3d: {  	s0 =	sadd.s32 @!p0 $0x100000, s1;
	[bflag:$0x2] =	sbarrier.arrive $0xFFFF  }
0x3e: {  	[sflag:s0] =	ssyncadd.tile.s32 @!p0 $0x1;
	_ =	shalt  }
.Lfunc_end2:
_tile_overlayer_lowered:
.L_overlay_start_2:
0x3f: {  	(tag) =	ssettag $0x2  }
0x40: {  	s0 =	rddreg [dreg:$0x0];
	s2 =	stileid.u32  }
0x41: {  	s1 =	rddreg [dreg:$0x1];
	p0 =	sne.s32 s2, $0x0  }
0x42: {  	s3 =	rddreg [dreg:$0x2];
	[bflag:$0x3] =	sbarrier.arrive $0xFFFF;
	s2 =	simm.s32 @!p0 $0x1C02  }
0x43: {  	[timem:s3], [sflag:s2] =	dma.local @!p0 [hbm:s0], s1  }
0x44: {  	s0 =	simm.s32 @!p0 $0x2  }
0x45: {  	_ =	swait.ge @!p0 [sflag:s0], s1  }
0x46: {  	s1 =	ssub.s32 @!p0 $0x0, s1;
	[sflag:s0] =	ssyncset.done @!p0 $0x0  }
0x47: {  	[sflag:s0] =	ssyncadd.s32 @!p0 s1  }
0x48: {  	[bflag:$0x3] =	sbarrier.arrive $0xFFFF  }
0x49: {  	_ =	shalt  }

// kernel: kernel.14.cloned.1.call-start
scs
__scs_entry_jumppad:
0x0: {  	(pc) =	sbr.rel $0x88, $3  }
0x1: {  	(tag) =	ssettag $0x0;
	lr =	simm.s32 $0x1  }
0x2: {  	[smem:$0x3F8B] =	sst lr;
	_ =	strace $0xD0000000  }
0x3: {  	_ = 	snop  }
0x4: {  	_ = 	snop  }
0x5: {  	_ = 	snop  }
0x6: {  	_ = 	snop  }
0x7: {  	_ = 	snop  }
__scs_overlays_trampoline_lowered:
0x8: {  	[smem:$0x3F9A] =	sst s0  }
0x9: {  	[smem:$0x3F9B] =	sst s1  }
0xa: {  	[smem:$0x3F9C] =	sst s2  }
0xb: {  	[smem:$0x3F9D] =	sst s3  }
0xc: {  	[smem:$0x3F9E] =	sst s4  }
0xd: {  	[smem:$0x3F9F] =	sst s5  }
0xe: {  	[smem:$0x3FA0] =	sst s6  }
0xf: {  	[smem:$0x3FA1] =	sst s7  }
0x10: {  	[smem:$0x3FA2] =	sst s8  }
0x11: {  	[smem:$0x3FA3] =	sst s9;
	s0 =	simm.s32 @!p0 $0x0  }
0x12: {  	s1 =	sld [smem:$0x3F89];
	s0 =	simm.s32 @p0 $0x1  }
0x13: {  	[smem:$0x3FA4] =	sst s0;
	s0 =	simm.s32 @!p1 $0x0  }
0x14: {  	s2 =	sld [smem:$0x3F88];
	s0 =	simm.s32 @p1 $0x1  }
0x15: {  	[smem:$0x3FA5] =	sst s0;
	s0 =	simm.s32 @!p2 $0x0  }
0x16: {  	s3 =	sld [smem:$0x3FDB];
	s0 =	simm.s32 @p2 $0x1  }
0x17: {  	s4 =	simm.s32 $0x1BF5;
	[smem:$0x3FA7] =	sst s0  }
0x18: {  	s0 =	sld [smem:$0x3F8A];
	_ =	swait.ge [sflag:s4], $0x0  }
0x19: {  	s7 =	sld [smem:$0x3F8B]  }
0x1a: {  	s8 =	sadd.s32 $0xFFFFE003, lr  }
0x1b: {  	s9 =	sadd.s32 $0xFFFFFEF7, lr;
	s5 =	simm.s32 $0xFFFFFFFF;
	p2 =	slt.u32 s8, $0xFFFFF086  }
0x1c: {  	p1 =	slt.u32 s9, $0xF7A;
	s5 =	simm.s32 @!p2 $0x0  }
0x1d: {  	s5 =	simm.s32 @p1 $0x1;
	p0 =	seq.s32 s7, s2  }
0x1e: {  	s7 =	smul.u32 @!p0 $0xF7A, s2;
	p2 =	seq.s32 @!p0 s5, $0x0  }
0x1f: {  	s9 =	smul.u32 $0xF7A, s1;
	s8 =	simm.s32 @!p0 $0x1BF5;
	p2 =	por !p2, p0  }
0x20: {  	[sflag:s8] =	ssyncset.s32 @!p0 $0xFFFFF086;
	s6 =	sadd.s32 @!p0 s3, s7;
	s7 =	simm.s32 @!p0 $0x108  }
0x21: {  	s3 =	sadd.s32 s3, s9;
	s6 =	sadd.s32 @!p0 $0x88, s6;
	s7 =	simm.s32 @p2 $0x1082  }
0x22: {  	[simem:s7], [sflag:s8] =	dma.local @!p0 [hbm:s6], $0xF7A  }
0x23: {  	s9 =	sor.u32 $0xD0000000, s2;
	s6 =	simm.s32 $0x108;
	_ =	swait.ge @!p0 [sflag:s8], $0x0  }
0x24: {  	s3 =	sadd.s32 $0x88, s3;
	s6 =	simm.s32 @!p1 $0x1082;
	[sflag:s4] =	ssyncset.s32 $0xFFFFF086  }
0x25: {  	[simem:s6], [sflag:s4] =	dma.local [hbm:s3], $0xF7A  }
0x26: {  	[smem:$0x3F8B] =	sst s1;
	(tag) =	ssettag s2;
	_ =	strace s9  }
0x27: {  	s1 =	sld [smem:$0x3F9B]  }
0x28: {  	s2 =	sld [smem:$0x3F9C]  }
0x29: {  	s4 =	sld [smem:$0x3F9E]  }
0x2a: {  	p0 =	seq.s32 s5, $0x0;
	s5 =	sld [smem:$0x3F9F]  }
0x2b: {  	s6 =	sld [smem:$0x3FA0]  }
0x2c: {  	s7 =	sld [smem:$0x3FA1]  }
0x2d: {  	s3 =	simm.s32 $0x108;
	s8 =	sld [smem:$0x3FA2]  }
0x2e: {  	s3 =	simm.s32 @!p0 $0x1082;
	s9 =	sld [smem:$0x3FA3]  }
0x2f: {  	lr =	sadd.s32 s0, s3;
	s0 =	sld [smem:$0x3F9A]  }
0x30: {  	s3 =	sld [smem:$0x3F9D]  }
0x31: {  	[smem:$0x3FA6] =	sst s10  }
0x32: {  	s10 =	sld [smem:$0x3FA4];
	_ =	sdelay $0x3  }
0x33: {  	p0 =	seq.s32 s10, $0x1;
	s10 =	sld [smem:$0x3FA6];
	_ =	sdelay $0x3  }
0x34: {  	[smem:$0x3FA6] =	sst s10  }
0x35: {  	s10 =	sld [smem:$0x3FA5];
	_ =	sdelay $0x3  }
0x36: {  	p1 =	seq.s32 s10, $0x1;
	s10 =	sld [smem:$0x3FA6];
	_ =	sdelay $0x3  }
0x37: {  	[smem:$0x3FA6] =	sst s10  }
0x38: {  	s10 =	sld [smem:$0x3FA7]  }
0x39: {  	_ = 	snop;
	(pc) =	sbr.ind lr, $3  }
0x3a: {  	_ = 	snop  }
0x3b: {  	_ = 	snop  }
0x3c: {  	p2 =	seq.s32 s10, $0x1;
	s10 =	sld [smem:$0x3FA6]  }
0x3d: {  	_ =	shalt  }
0x3e: {  	_ =	shalt  }
0x3f: {  	_ =	shalt  }
0x40: {  	_ =	shalt  }
0x41: {  	_ =	shalt  }
0x42: {  	_ =	shalt  }
0x43: {  	_ =	shalt  }
0x44: {  	_ =	shalt  }
0x45: {  	_ =	shalt  }
0x46: {  	_ =	shalt  }
0x47: {  	_ =	shalt  }
0x48: {  	_ =	shalt  }
0x49: {  	_ =	shalt  }
0x4a: {  	_ =	shalt  }
0x4b: {  	_ =	shalt  }
0x4c: {  	_ =	shalt  }
0x4d: {  	_ =	shalt  }
0x4e: {  	_ =	shalt  }
0x4f: {  	_ =	shalt  }
0x50: {  	_ =	shalt  }
0x51: {  	_ =	shalt  }
0x52: {  	_ =	shalt  }
0x53: {  	_ =	shalt  }
0x54: {  	_ =	shalt  }
0x55: {  	_ =	shalt  }
0x56: {  	_ =	shalt  }
0x57: {  	_ =	shalt  }
0x58: {  	_ =	shalt  }
0x59: {  	_ =	shalt  }
0x5a: {  	_ =	shalt  }
0x5b: {  	_ =	shalt  }
0x5c: {  	_ =	shalt  }
0x5d: {  	_ =	shalt  }
0x5e: {  	_ =	shalt  }
0x5f: {  	_ =	shalt  }
0x60: {  	_ =	shalt  }
0x61: {  	_ =	shalt  }
0x62: {  	_ =	shalt  }
0x63: {  	_ =	shalt  }
0x64: {  	_ =	shalt  }
0x65: {  	_ =	shalt  }
0x66: {  	_ =	shalt  }
0x67: {  	_ =	shalt  }
0x68: {  	_ =	shalt  }
0x69: {  	_ =	shalt  }
0x6a: {  	_ =	shalt  }
0x6b: {  	_ =	shalt  }
0x6c: {  	_ =	shalt  }
0x6d: {  	_ =	shalt  }
0x6e: {  	_ =	shalt  }
0x6f: {  	_ =	shalt  }
0x70: {  	_ =	shalt  }
0x71: {  	_ =	shalt  }
0x72: {  	_ =	shalt  }
0x73: {  	_ =	shalt  }
0x74: {  	_ =	shalt  }
0x75: {  	_ =	shalt  }
0x76: {  	_ =	shalt  }
0x77: {  	_ =	shalt  }
0x78: {  	_ =	shalt  }
0x79: {  	_ =	shalt  }
0x7a: {  	_ =	shalt  }
0x7b: {  	_ =	shalt  }
0x7c: {  	_ =	shalt  }
0x7d: {  	_ =	shalt  }
0x7e: {  	_ =	shalt  }
0x7f: {  	_ =	shalt  }
0x80: {  	_ =	shalt  }
0x81: {  	_ =	shalt  }
0x82: {  	_ =	shalt  }
0x83: {  	_ =	shalt  }
0x84: {  	_ =	shalt  }
0x85: {  	_ =	shalt  }
0x86: {  	_ =	shalt  }
0x87: {  	_ =	shalt  }
.Lfunc_end0:
.L_simem_size_0:
called_computation.1_lowered:
.L_overlay_start_0:
0x88: {  	s2 =	sld [smem:$0x3FD9]  }
0x89: {  	s3 =	sld [smem:$0x3FFE];
	_ =	sdelay $0x1  }
0x8a: {  	s1 =	srdreg.scid  }
0x8b: {  	s0 =	sand.u32 $0x1, s1  }
0x8c: {  	s16 =	sshll.u32 s0, $0xA;
	s2 =	sadd.s32 s3, s2  }
0x8d: {  	s2 =	sadd.s32 s2, s16  }
0x8e: {  	[smem:$0x3FB2] =	sst s2  }
0x8f: {  	_ = 	snop  }
0x90: {  	(tm) =	ssettm $0x1  }
0x91: {  	s17 =	sld [smem:$0x3FFB];
	_ =	sdelay $0x3  }
0x92: {  	_ =	strace s17  }
0x93: {  	s2 =	sld [smem:$0x3FFC];
	_ =	sdelay $0x3  }
0x94: {  	_ =	strace s2  }
0x95: {  	s2 =	sld [smem:$0x3FFD];
	_ =	sdelay $0x3  }
0x96: {  	_ =	strace s2  }
0x97: {  	_ =	strace $0x8FFFFFFF  }
0x98: {  	s18 =	sld [smem:$0x3FDB];
	_ =	sdelay $0x1  }
0x99: {  	s19 =	simm.s32 $_scs_section_size  }
0x9a: {  	s4 =	simm.s32 $_size__tile_overlayer_lowered;
	s5 =	simm.s32 $_tile_overlayer_lowered  }
0x9b: {  	s22 =	simm.s32 $0x1BFF;
	s21 =	sshll.u32 s5, $0x1;
	s2 =	sadd.s32 s19, s18  }
0x9c: {  	s6 =	simm.s32 $0x0;
	s20 =	sshll.u32 s4, $0x1;
	s4 =	sadd.s32 s21, s2  }
0x9d: {  	[timem:s6], [sflag:s22] =	dma.local [hbm:s4], s20  }
0x9e: {  	_ =	swait.ge [sflag:s22], s20  }
0x9f: {  	s3 =	ssub.s32 $0x0, s20;
	[sflag:s22] =	ssyncset.done $0x0  }
0xa0: {  	[sflag:s22] =	ssyncadd.s32 s3;
	_ =	sdelay $0x1  }
0xa1: {  	s23 =	simm.s32 $0x1B8B  }
0xa2: {  	_ =	swait.ge [sflag:s23], $0x1  }
0xa3: {  	[sflag:s23] =	ssyncset.done $0x0  }
0xa4: {  	s25 =	simm.s32 $0x1B8E;
	s24 =	sld [smem:$0x3FFE];
	[sflag:s23] =	ssyncadd.s32 $0xFFFFFFFF  }
0xa5: {  	s26 =	simm.s32 $execute0_lowered;
	[smem:$0x3FD2] =	sst s25  }
0xa6: {  	s4 =	sshll.u32 s26, $0x1;
	_ =	strace $0x80000049;
	[dreg:$0x1] =	wrdreg $0xFFFFFFFF  }
0xa7: {  	s28 =	simm.s32 $_size_execute0_lowered;
	s2 =	sadd.s32 s2, s4;
	[dreg:$0x0] =	wrdreg $0x0  }
0xa8: {  	s4 =	sshll.u32 s28, $0x1;
	[dreg:$0x2] =	wrdreg s2  }
0xa9: {  	[dreg:$0x3] =	wrdreg s4  }
0xaa: {  	[dreg:$0x4] =	wrdreg $0xC0  }
0xab: {  	_ =	task [dreg:s6], $0x5FFFF  }
0xac: {  	[dreg:$0x1] =	wrdreg $0xFFFFFFFF  }
0xad: {  	[dreg:$0x0] =	wrdreg $0x60  }
0xae: {  	[dreg:$0x2] =	wrdreg s24  }
0xaf: {  	[dreg:$0x3] =	wrdreg $0x58200  }
0xb0: {  	[dreg:$0x4] =	wrdreg $0x9  }
0xb1: {  	_ =	task.clear_ibuf [dreg:s6], $0x5FFFF;
	_ =	strace $0x90000049  }
0xb2: {  	s29 =	simm.s32 $0x9;
	_ =	strace $0x8000004B  }
0xb3: {  	_ =	swait.ge [sflag:s29], $0x1  }
0xb4: {  	[sflag:s29] =	ssyncadd.s32 $0xFFFFFFFF  }
0xb5: {  	_ =	strace $0x9000004B  }
0xb6: {  	_ =	sfence  }
0xb7: {  	s30 =	sld [smem:$0x0];
	_ =	sdelay $0x2  }
0xb8: {  	s31 =	sshll.u32 s1, $0xD;
	s1 =	sshrl.u32 s1, $0x2  }
0xb9: {  	s3 =	sand.u32 $0x4000, s31;
	s1 =	sadd.s32 s1, s30  }
0xba: {  	s0 =	sor.u32 s3, s0;
	s1 =	sshll.u32 s1, $0x11  }
0xbb: {  	s0 =	sor.u32 s1, s0  }
0xbc: {  	s0 =	sadd.s32 $0x8F2B, s0  }
0xbd: {  	[sflag:s0] =	ssyncadd.remote.s32 $0x1  }
0xbe: {  	_ =	sfence.sel $0xFFFF  }
0xbf: {  	[dreg:$0x0] =	wrdreg $0xFFFFFFFF;
	(pc) =	sbr.abs _section_cstart, $3  }
0xc0: {  	[dreg:$0x1] =	wrdreg $0xFFFFFFFF  }
0xc1: {  	_ =	task.clear_ibuf [dreg:s6], $0x2FFFF;
	_ =	strace $0x9FFFFFFF  }
0xc2: {  	(tm) =	ssettm $0x7FFFFFFF  }
0xc3: {  	_ =	shalt  }
tec
execute0_lowered:
.L_overlay_start_1:
0x0: {  	(tag) =	ssettag $0x1  }
0x1: {  	s6 =	rddreg [dreg:$0x0]  }
0x2: {  	s0 =	srdreg.scid;
	s2 =	rddreg [dreg:$0x1]  }
0x3: {  	s3 =	simm.s32 $0x0;
	s14 =	simm.s32 $0x50;
	s15 =	simm.s32 $0x4E20  }
0x4: {  	s16 =	simm.s32 $0x1;
	s5 =	sand.u32 $0x1, s0;
	s0 =	stileid.u32  }
0x5: {  	s17 =	simm.s32 $0x0;
	[smem:$0x7FF] =	sst s3;
	s7 =	smul.u32 $0x5000, s0  }
0x6: {  	s1 =	sshll.u32 s5, $0x4;
	s8 =	smul.u32 $0x50000, s5;
	s5 =	ssub.s32 $0x2, s5  }
0x7: {  	s31 =	sshll.u32 s0, $0x6;
	s1 =	sor.u32 s0, s1;
	s11 =	sshrl.u32 s5, $0x1  }
0x8: {  	s4 =	smul.u32 $0x4E2, s1;
	s1 =	rddreg [dreg:$0x2];
	_ =	strace $0x8000004A  }
0x9: {  	s8 =	sadd.s32 s7, s8;
	s10 =	sshrl.u32 s7, $0x3;
	s11 =	ssub.s32 s5, s11  }
0xa: {  	s13 =	sadd.s32 s7, s2;
	s8 =	sshrl.u32 s8, $0x3;
	s10 =	sadd.s32 s10, s6  }
0xb: {  	s9 =	sadd.s32 s4, s6;
	s4 =	sadd.s32 $0x15E00, s6;
	s12 =	sadd.s32 s8, s6  }
0xc: {  	s5 =	sadd.s32 $0x1FE00, s10;
	s6 =	sor.u32 $0x1C02, s31;
	s10 =	smax.u32 s11, $0x1  }
0xd: {  	s11 =	sshrl.u32 s13, $0x3;
	s13 =	simm.s32 $0x2710;
	s7 =	sadd.s32 $0xC000, s9  }
0xe: {  	s8 =	sadd.s32 $0x2200, s9;
	s9 =	sadd.s32 $0x29E00, s12;
	s12 =	simm.s32 $0x2  }
.LBB2_1:
0xf: {  	[spmem:s11], [sflag:s6] =	dma.local [hbm:s5], $0xA00  }
0x10: {  	_ =	swait.ge [sflag:s12], $0xA00  }
0x11: {  	[sflag:s12] =	ssyncset.done $0x0  }
0x12: {  	[sflag:s12] =	ssyncadd.s32 $0xFFFFF600  }
0x13: {  	[tilespmem:s3], [sflag:$0x2] =	stream.linear.gather [hbm4b:s7+s3], $0x2710, $0x38;
	[tilespmem:$0xA820] =	vst v63  }
0x14: {  	_ =	swait.ge [sflag:s12], $0x2710  }
0x15: {  	[sflag:s12] =	ssyncset.done $0x0  }
0x16: {  	[sflag:s12] =	ssyncadd.s32 $0xFFFFD8F0  }
0x17: {  	[tilespmem:s13], [sflag:$0x2] =	stream.linear.gather [hbm4b:s8+s3], $0x2710, $0x38;
	[tilespmem:$0xA820] =	vst v63  }
0x18: {  	_ =	swait.ge [sflag:s12], $0x2710  }
0x19: {  	[sflag:s12] =	ssyncset.done $0x0  }
0x1a: {  	[sflag:s12] =	ssyncadd.s32 $0xFFFFD8F0  }
0x1b: {  	s18 =	simm.s32 $0x0;
	[bflag:$0x0] =	sbarrier.arrive $0xFFFF  }
0x1c: {  	[tilespmem:s15], [sflag:$0x1] =	stream.indirect.gather [hbm4b:s4+s14], $0x20, s18, s14, $0xb8;
	[tilespmem:$0xA820] =	vst v63  }
0x1d: {  	_ =	swait.ge [sflag:s16], $0xA00  }
0x1e: {  	[sflag:s16] =	ssyncset.done $0x0  }
0x1f: {  	s31 =	simm.s32 $0x2710;
	[sflag:s16] =	ssyncadd.s32 $0xFFFFF600  }
0x20: {  	[spmem:s2] =	stream.indirect.scatter.add.f32 [tilespmem:s15], [sflag:$0x2], $0x20, s31, s14, $0xb8;
	[tilespmem:$0xA820] =	vst v63  }
0x21: {  	_ =	swait.ge [sflag:s12], $0xA00  }
0x22: {  	s19 =	simm.s32 $0x280;
	s18 =	simm.s32 $0x140;
	[sflag:s12] =	ssyncset.done $0x0  }
.LBB2_2:
0x23: {  	s20 =	sshra.s32 s18, $0x2  }
0x24: {  	[sflag:s12] =	ssyncadd.s32 $0xFFFFF600;
	s18 =	smov.u32 s19;
	s21 =	sadd.s32 $0x140, s19  }
0x25: {  	[tilespmem:s15], [sflag:$0x1] =	stream.indirect.gather [hbm4b:s4+s14], $0x20, s20, s14, $0xb8;
	[tilespmem:$0xA820] =	vst v63  }
0x26: {  	p0 =	sne.s32 s19, $0x9B00;
	_ =	swait.ge [sflag:s16], $0xA00  }
.Ltmp0:
0x27: {  	[sflag:s16] =	ssyncset.done $0x0;
	(pc) =	sbr.rel @p0 .LBB2_2-.Ltmp0, $4  }
0x28: {  	s19 =	sadd.s32 $0x2710, s20;
	[sflag:s16] =	ssyncadd.s32 $0xFFFFF600  }
0x29: {  	[spmem:s2] =	stream.indirect.scatter.add.f32 [tilespmem:s15], [sflag:$0x2], $0x20, s19, s14, $0xb8;
	[tilespmem:$0xA820] =	vst v63  }
0x2a: {  	_ =	swait.ge [sflag:s12], $0xA00  }
0x2b: {  	s19 =	smov.u32 s21;
	[sflag:s12] =	ssyncset.done $0x0  }
0x2c: {  	s18 =	sshra.s32 s18, $0x2;
	[sflag:s12] =	ssyncadd.s32 $0xFFFFF600  }
0x2d: {  	[tilespmem:s15], [sflag:$0x1] =	stream.indirect.gather [hbm4b:s4+s14], $0x20, s18, s14, $0xb8;
	[tilespmem:$0xA820] =	vst v63  }
0x2e: {  	_ =	swait.ge [sflag:s16], $0xA00  }
0x2f: {  	[sflag:s16] =	ssyncset.done $0x0  }
0x30: {  	s18 =	sadd.s32 $0x2710, s18;
	[sflag:s16] =	ssyncadd.s32 $0xFFFFF600  }
0x31: {  	[spmem:s2] =	stream.indirect.scatter.add.f32 [tilespmem:s15], [sflag:$0x2], $0x20, s18, s14, $0xb8;
	[tilespmem:$0xA820] =	vst v63  }
0x32: {  	_ =	swait.ge [sflag:s12], $0xA00  }
0x33: {  	s17 =	sadd.s32 $0x1, s17;
	[sflag:s12] =	ssyncset.done $0x0  }
0x34: {  	p0 =	sne.s32 s17, s10;
	[sflag:s12] =	ssyncadd.s32 $0xFFFFF600  }
.Ltmp1:
0x35: {  	[bflag:$0x0] =	sbarrier.arrive $0xFFFF;
	(pc) =	sbr.rel @p0 .LBB2_1-.Ltmp1, $4  }
0x36: {  	[hbm:s9], [sflag:s6] =	dma.local [spmem:s11], $0xA00  }
0x37: {  	_ =	swait.ge [sflag:s12], $0xA00  }
0x38: {  	[sflag:s12] =	ssyncset.done $0x0  }
0x39: {  	[sflag:s12] =	ssyncadd.s32 $0xFFFFF600  }
0x3a: {  	_ =	sfence.sel $0x180000  }
0x3b: {  	[bflag:$0x0] =	sbarrier.arrive $0xFFFF  }
0x3c: {  	p0 =	sne.s32 s0, $0x0;
	_ =	strace $0x9000004A  }
0x3d: {  	s0 =	sadd.s32 @!p0 $0x100000, s1;
	[bflag:$0x2] =	sbarrier.arrive $0xFFFF  }
0x3e: {  	[sflag:s0] =	ssyncadd.tile.s32 @!p0 $0x1;
	_ =	shalt  }
.Lfunc_end2:
_tile_overlayer_lowered:
.L_overlay_start_2:
0x3f: {  	(tag) =	ssettag $0x2  }
0x40: {  	s0 =	rddreg [dreg:$0x0];
	s2 =	stileid.u32  }
0x41: {  	s1 =	rddreg [dreg:$0x1];
	p0 =	sne.s32 s2, $0x0  }
0x42: {  	s3 =	rddreg [dreg:$0x2];
	[bflag:$0x3] =	sbarrier.arrive $0xFFFF;
	s2 =	simm.s32 @!p0 $0x1C02  }
0x43: {  	[timem:s3], [sflag:s2] =	dma.local @!p0 [hbm:s0], s1  }
0x44: {  	s0 =	simm.s32 @!p0 $0x2  }
0x45: {  	_ =	swait.ge @!p0 [sflag:s0], s1  }
0x46: {  	s1 =	ssub.s32 @!p0 $0x0, s1;
	[sflag:s0] =	ssyncset.done @!p0 $0x0  }
0x47: {  	[sflag:s0] =	ssyncadd.s32 @!p0 s1  }
0x48: {  	[bflag:$0x3] =	sbarrier.arrive $0xFFFF  }
0x49: {  	_ =	shalt  }

// kernel: kernel.17.cloned.1.call-start
scs
__scs_entry_jumppad:
0x0: {  	(pc) =	sbr.rel $0x88, $3  }
0x1: {  	(tag) =	ssettag $0x0;
	lr =	simm.s32 $0x1  }
0x2: {  	[smem:$0x3F8B] =	sst lr;
	_ =	strace $0xD0000000  }
0x3: {  	_ = 	snop  }
0x4: {  	_ = 	snop  }
0x5: {  	_ = 	snop  }
0x6: {  	_ = 	snop  }
0x7: {  	_ = 	snop  }
__scs_overlays_trampoline_lowered:
0x8: {  	[smem:$0x3F9A] =	sst s0  }
0x9: {  	[smem:$0x3F9B] =	sst s1  }
0xa: {  	[smem:$0x3F9C] =	sst s2  }
0xb: {  	[smem:$0x3F9D] =	sst s3  }
0xc: {  	[smem:$0x3F9E] =	sst s4  }
0xd: {  	[smem:$0x3F9F] =	sst s5  }
0xe: {  	[smem:$0x3FA0] =	sst s6  }
0xf: {  	[smem:$0x3FA1] =	sst s7  }
0x10: {  	[smem:$0x3FA2] =	sst s8  }
0x11: {  	[smem:$0x3FA3] =	sst s9;
	s0 =	simm.s32 @!p0 $0x0  }
0x12: {  	s1 =	sld [smem:$0x3F89];
	s0 =	simm.s32 @p0 $0x1  }
0x13: {  	[smem:$0x3FA4] =	sst s0;
	s0 =	simm.s32 @!p1 $0x0  }
0x14: {  	s2 =	sld [smem:$0x3F88];
	s0 =	simm.s32 @p1 $0x1  }
0x15: {  	[smem:$0x3FA5] =	sst s0;
	s0 =	simm.s32 @!p2 $0x0  }
0x16: {  	s3 =	sld [smem:$0x3FDB];
	s0 =	simm.s32 @p2 $0x1  }
0x17: {  	s4 =	simm.s32 $0x1BF5;
	[smem:$0x3FA7] =	sst s0  }
0x18: {  	s0 =	sld [smem:$0x3F8A];
	_ =	swait.ge [sflag:s4], $0x0  }
0x19: {  	s7 =	sld [smem:$0x3F8B]  }
0x1a: {  	s8 =	sadd.s32 $0xFFFFE003, lr  }
0x1b: {  	s9 =	sadd.s32 $0xFFFFFEF7, lr;
	s5 =	simm.s32 $0xFFFFFFFF;
	p2 =	slt.u32 s8, $0xFFFFF086  }
0x1c: {  	p1 =	slt.u32 s9, $0xF7A;
	s5 =	simm.s32 @!p2 $0x0  }
0x1d: {  	s5 =	simm.s32 @p1 $0x1;
	p0 =	seq.s32 s7, s2  }
0x1e: {  	s7 =	smul.u32 @!p0 $0xF7A, s2;
	p2 =	seq.s32 @!p0 s5, $0x0  }
0x1f: {  	s9 =	smul.u32 $0xF7A, s1;
	s8 =	simm.s32 @!p0 $0x1BF5;
	p2 =	por !p2, p0  }
0x20: {  	[sflag:s8] =	ssyncset.s32 @!p0 $0xFFFFF086;
	s6 =	sadd.s32 @!p0 s3, s7;
	s7 =	simm.s32 @!p0 $0x108  }
0x21: {  	s3 =	sadd.s32 s3, s9;
	s6 =	sadd.s32 @!p0 $0x88, s6;
	s7 =	simm.s32 @p2 $0x1082  }
0x22: {  	[simem:s7], [sflag:s8] =	dma.local @!p0 [hbm:s6], $0xF7A  }
0x23: {  	s9 =	sor.u32 $0xD0000000, s2;
	s6 =	simm.s32 $0x108;
	_ =	swait.ge @!p0 [sflag:s8], $0x0  }
0x24: {  	s3 =	sadd.s32 $0x88, s3;
	s6 =	simm.s32 @!p1 $0x1082;
	[sflag:s4] =	ssyncset.s32 $0xFFFFF086  }
0x25: {  	[simem:s6], [sflag:s4] =	dma.local [hbm:s3], $0xF7A  }
0x26: {  	[smem:$0x3F8B] =	sst s1;
	(tag) =	ssettag s2;
	_ =	strace s9  }
0x27: {  	s1 =	sld [smem:$0x3F9B]  }
0x28: {  	s2 =	sld [smem:$0x3F9C]  }
0x29: {  	s4 =	sld [smem:$0x3F9E]  }
0x2a: {  	p0 =	seq.s32 s5, $0x0;
	s5 =	sld [smem:$0x3F9F]  }
0x2b: {  	s6 =	sld [smem:$0x3FA0]  }
0x2c: {  	s7 =	sld [smem:$0x3FA1]  }
0x2d: {  	s3 =	simm.s32 $0x108;
	s8 =	sld [smem:$0x3FA2]  }
0x2e: {  	s3 =	simm.s32 @!p0 $0x1082;
	s9 =	sld [smem:$0x3FA3]  }
0x2f: {  	lr =	sadd.s32 s0, s3;
	s0 =	sld [smem:$0x3F9A]  }
0x30: {  	s3 =	sld [smem:$0x3F9D]  }
0x31: {  	[smem:$0x3FA6] =	sst s10  }
0x32: {  	s10 =	sld [smem:$0x3FA4];
	_ =	sdelay $0x3  }
0x33: {  	p0 =	seq.s32 s10, $0x1;
	s10 =	sld [smem:$0x3FA6];
	_ =	sdelay $0x3  }
0x34: {  	[smem:$0x3FA6] =	sst s10  }
0x35: {  	s10 =	sld [smem:$0x3FA5];
	_ =	sdelay $0x3  }
0x36: {  	p1 =	seq.s32 s10, $0x1;
	s10 =	sld [smem:$0x3FA6];
	_ =	sdelay $0x3  }
0x37: {  	[smem:$0x3FA6] =	sst s10  }
0x38: {  	s10 =	sld [smem:$0x3FA7]  }
0x39: {  	_ = 	snop;
	(pc) =	sbr.ind lr, $3  }
0x3a: {  	_ = 	snop  }
0x3b: {  	_ = 	snop  }
0x3c: {  	p2 =	seq.s32 s10, $0x1;
	s10 =	sld [smem:$0x3FA6]  }
0x3d: {  	_ =	shalt  }
0x3e: {  	_ =	shalt  }
0x3f: {  	_ =	shalt  }
0x40: {  	_ =	shalt  }
0x41: {  	_ =	shalt  }
0x42: {  	_ =	shalt  }
0x43: {  	_ =	shalt  }
0x44: {  	_ =	shalt  }
0x45: {  	_ =	shalt  }
0x46: {  	_ =	shalt  }
0x47: {  	_ =	shalt  }
0x48: {  	_ =	shalt  }
0x49: {  	_ =	shalt  }
0x4a: {  	_ =	shalt  }
0x4b: {  	_ =	shalt  }
0x4c: {  	_ =	shalt  }
0x4d: {  	_ =	shalt  }
0x4e: {  	_ =	shalt  }
0x4f: {  	_ =	shalt  }
0x50: {  	_ =	shalt  }
0x51: {  	_ =	shalt  }
0x52: {  	_ =	shalt  }
0x53: {  	_ =	shalt  }
0x54: {  	_ =	shalt  }
0x55: {  	_ =	shalt  }
0x56: {  	_ =	shalt  }
0x57: {  	_ =	shalt  }
0x58: {  	_ =	shalt  }
0x59: {  	_ =	shalt  }
0x5a: {  	_ =	shalt  }
0x5b: {  	_ =	shalt  }
0x5c: {  	_ =	shalt  }
0x5d: {  	_ =	shalt  }
0x5e: {  	_ =	shalt  }
0x5f: {  	_ =	shalt  }
0x60: {  	_ =	shalt  }
0x61: {  	_ =	shalt  }
0x62: {  	_ =	shalt  }
0x63: {  	_ =	shalt  }
0x64: {  	_ =	shalt  }
0x65: {  	_ =	shalt  }
0x66: {  	_ =	shalt  }
0x67: {  	_ =	shalt  }
0x68: {  	_ =	shalt  }
0x69: {  	_ =	shalt  }
0x6a: {  	_ =	shalt  }
0x6b: {  	_ =	shalt  }
0x6c: {  	_ =	shalt  }
0x6d: {  	_ =	shalt  }
0x6e: {  	_ =	shalt  }
0x6f: {  	_ =	shalt  }
0x70: {  	_ =	shalt  }
0x71: {  	_ =	shalt  }
0x72: {  	_ =	shalt  }
0x73: {  	_ =	shalt  }
0x74: {  	_ =	shalt  }
0x75: {  	_ =	shalt  }
0x76: {  	_ =	shalt  }
0x77: {  	_ =	shalt  }
0x78: {  	_ =	shalt  }
0x79: {  	_ =	shalt  }
0x7a: {  	_ =	shalt  }
0x7b: {  	_ =	shalt  }
0x7c: {  	_ =	shalt  }
0x7d: {  	_ =	shalt  }
0x7e: {  	_ =	shalt  }
0x7f: {  	_ =	shalt  }
0x80: {  	_ =	shalt  }
0x81: {  	_ =	shalt  }
0x82: {  	_ =	shalt  }
0x83: {  	_ =	shalt  }
0x84: {  	_ =	shalt  }
0x85: {  	_ =	shalt  }
0x86: {  	_ =	shalt  }
0x87: {  	_ =	shalt  }
.Lfunc_end0:
.L_simem_size_0:
called_computation.2_lowered:
.L_overlay_start_0:
0x88: {  	s2 =	sld [smem:$0x3FD9]  }
0x89: {  	s3 =	sld [smem:$0x3FFE];
	_ =	sdelay $0x1  }
0x8a: {  	s1 =	srdreg.scid  }
0x8b: {  	s0 =	sand.u32 $0x1, s1  }
0x8c: {  	s16 =	sshll.u32 s0, $0xA;
	s2 =	sadd.s32 s3, s2  }
0x8d: {  	s2 =	sadd.s32 s2, s16  }
0x8e: {  	[smem:$0x3FB2] =	sst s2  }
0x8f: {  	_ = 	snop  }
0x90: {  	(tm) =	ssettm $0x1  }
0x91: {  	s17 =	sld [smem:$0x3FFB];
	_ =	sdelay $0x3  }
0x92: {  	_ =	strace s17  }
0x93: {  	s2 =	sld [smem:$0x3FFC];
	_ =	sdelay $0x3  }
0x94: {  	_ =	strace s2  }
0x95: {  	s2 =	sld [smem:$0x3FFD];
	_ =	sdelay $0x3  }
0x96: {  	_ =	strace s2  }
0x97: {  	_ =	strace $0x8FFFFFFF  }
0x98: {  	s18 =	sld [smem:$0x3FDB];
	_ =	sdelay $0x1  }
0x99: {  	s19 =	simm.s32 $_scs_section_size  }
0x9a: {  	s4 =	simm.s32 $_size__tile_overlayer_lowered;
	s5 =	simm.s32 $_tile_overlayer_lowered  }
0x9b: {  	s22 =	simm.s32 $0x1BFF;
	s21 =	sshll.u32 s5, $0x1;
	s2 =	sadd.s32 s19, s18  }
0x9c: {  	s6 =	simm.s32 $0x0;
	s20 =	sshll.u32 s4, $0x1;
	s4 =	sadd.s32 s21, s2  }
0x9d: {  	[timem:s6], [sflag:s22] =	dma.local [hbm:s4], s20  }
0x9e: {  	_ =	swait.ge [sflag:s22], s20  }
0x9f: {  	s3 =	ssub.s32 $0x0, s20;
	[sflag:s22] =	ssyncset.done $0x0  }
0xa0: {  	[sflag:s22] =	ssyncadd.s32 s3;
	_ =	sdelay $0x1  }
0xa1: {  	s23 =	simm.s32 $0x1B8B  }
0xa2: {  	_ =	swait.ge [sflag:s23], $0x1  }
0xa3: {  	[sflag:s23] =	ssyncset.done $0x0  }
0xa4: {  	s25 =	simm.s32 $0x1B8E;
	s24 =	sld [smem:$0x3FFE];
	[sflag:s23] =	ssyncadd.s32 $0xFFFFFFFF  }
0xa5: {  	s26 =	simm.s32 $execute0_lowered;
	[smem:$0x3FD2] =	sst s25  }
0xa6: {  	s4 =	sshll.u32 s26, $0x1;
	_ =	strace $0x8000004C;
	[dreg:$0x1] =	wrdreg $0xFFFFFFFF  }
0xa7: {  	s28 =	simm.s32 $_size_execute0_lowered;
	s2 =	sadd.s32 s2, s4;
	[dreg:$0x0] =	wrdreg $0x0  }
0xa8: {  	s4 =	sshll.u32 s28, $0x1;
	[dreg:$0x2] =	wrdreg s2  }
0xa9: {  	[dreg:$0x3] =	wrdreg s4  }
0xaa: {  	[dreg:$0x4] =	wrdreg $0xC0  }
0xab: {  	_ =	task [dreg:s6], $0x5FFFF  }
0xac: {  	[dreg:$0x1] =	wrdreg $0xFFFFFFFF  }
0xad: {  	[dreg:$0x0] =	wrdreg $0x60  }
0xae: {  	[dreg:$0x2] =	wrdreg s24  }
0xaf: {  	[dreg:$0x3] =	wrdreg $0x58200  }
0xb0: {  	[dreg:$0x4] =	wrdreg $0x9  }
0xb1: {  	_ =	task.clear_ibuf [dreg:s6], $0x5FFFF;
	_ =	strace $0x9000004C  }
0xb2: {  	s29 =	simm.s32 $0x9;
	_ =	strace $0x8000004E  }
0xb3: {  	_ =	swait.ge [sflag:s29], $0x1  }
0xb4: {  	[sflag:s29] =	ssyncadd.s32 $0xFFFFFFFF  }
0xb5: {  	_ =	strace $0x9000004E  }
0xb6: {  	_ =	sfence  }
0xb7: {  	s30 =	sld [smem:$0x0];
	_ =	sdelay $0x2  }
0xb8: {  	s31 =	sshll.u32 s1, $0xD;
	s1 =	sshrl.u32 s1, $0x2  }
0xb9: {  	s3 =	sand.u32 $0x4000, s31;
	s1 =	sadd.s32 s1, s30  }
0xba: {  	s0 =	sor.u32 s3, s0;
	s1 =	sshll.u32 s1, $0x11  }
0xbb: {  	s0 =	sor.u32 s1, s0  }
0xbc: {  	s0 =	sadd.s32 $0x8F2B, s0  }
0xbd: {  	[sflag:s0] =	ssyncadd.remote.s32 $0x1  }
0xbe: {  	_ =	sfence.sel $0xFFFF  }
0xbf: {  	[dreg:$0x0] =	wrdreg $0xFFFFFFFF;
	(pc) =	sbr.abs _section_cstart, $3  }
0xc0: {  	[dreg:$0x1] =	wrdreg $0xFFFFFFFF  }
0xc1: {  	_ =	task.clear_ibuf [dreg:s6], $0x2FFFF;
	_ =	strace $0x9FFFFFFF  }
0xc2: {  	(tm) =	ssettm $0x7FFFFFFF  }
0xc3: {  	_ =	shalt  }
tec
execute0_lowered:
.L_overlay_start_1:
0x0: {  	(tag) =	ssettag $0x1  }
0x1: {  	s6 =	rddreg [dreg:$0x0]  }
0x2: {  	s0 =	srdreg.scid;
	s2 =	rddreg [dreg:$0x1]  }
0x3: {  	s3 =	simm.s32 $0x0;
	s14 =	simm.s32 $0x50;
	s15 =	simm.s32 $0x4E20  }
0x4: {  	s16 =	simm.s32 $0x1;
	s5 =	sand.u32 $0x1, s0;
	s0 =	stileid.u32  }
0x5: {  	s17 =	simm.s32 $0x0;
	[smem:$0x7FF] =	sst s3;
	s7 =	smul.u32 $0x5000, s0  }
0x6: {  	s1 =	sshll.u32 s5, $0x4;
	s8 =	smul.u32 $0x50000, s5;
	s5 =	ssub.s32 $0x2, s5  }
0x7: {  	s31 =	sshll.u32 s0, $0x6;
	s1 =	sor.u32 s0, s1;
	s11 =	sshrl.u32 s5, $0x1  }
0x8: {  	s4 =	smul.u32 $0x4E2, s1;
	s1 =	rddreg [dreg:$0x2];
	_ =	strace $0x8000004D  }
0x9: {  	s8 =	sadd.s32 s7, s8;
	s10 =	sshrl.u32 s7, $0x3;
	s11 =	ssub.s32 s5, s11  }
0xa: {  	s13 =	sadd.s32 s7, s2;
	s8 =	sshrl.u32 s8, $0x3;
	s10 =	sadd.s32 s10, s6  }
0xb: {  	s9 =	sadd.s32 s4, s6;
	s4 =	sadd.s32 $0x15E00, s6;
	s12 =	sadd.s32 s8, s6  }
0xc: {  	s5 =	sadd.s32 $0x1FE00, s10;
	s6 =	sor.u32 $0x1C02, s31;
	s10 =	smax.u32 s11, $0x1  }
0xd: {  	s11 =	sshrl.u32 s13, $0x3;
	s13 =	simm.s32 $0x2710;
	s7 =	sadd.s32 $0xC000, s9  }
0xe: {  	s8 =	sadd.s32 $0x2200, s9;
	s9 =	sadd.s32 $0x29E00, s12;
	s12 =	simm.s32 $0x2  }
.LBB2_1:
0xf: {  	[spmem:s11], [sflag:s6] =	dma.local [hbm:s5], $0xA00  }
0x10: {  	_ =	swait.ge [sflag:s12], $0xA00  }
0x11: {  	[sflag:s12] =	ssyncset.done $0x0  }
0x12: {  	[sflag:s12] =	ssyncadd.s32 $0xFFFFF600  }
0x13: {  	[tilespmem:s3], [sflag:$0x2] =	stream.linear.gather [hbm4b:s7+s3], $0x2710, $0x38;
	[tilespmem:$0xA820] =	vst v63  }
0x14: {  	_ =	swait.ge [sflag:s12], $0x2710  }
0x15: {  	[sflag:s12] =	ssyncset.done $0x0  }
0x16: {  	[sflag:s12] =	ssyncadd.s32 $0xFFFFD8F0  }
0x17: {  	[tilespmem:s13], [sflag:$0x2] =	stream.linear.gather [hbm4b:s8+s3], $0x2710, $0x38;
	[tilespmem:$0xA820] =	vst v63  }
0x18: {  	_ =	swait.ge [sflag:s12], $0x2710  }
0x19: {  	[sflag:s12] =	ssyncset.done $0x0  }
0x1a: {  	[sflag:s12] =	ssyncadd.s32 $0xFFFFD8F0  }
0x1b: {  	s18 =	simm.s32 $0x0;
	[bflag:$0x0] =	sbarrier.arrive $0xFFFF  }
0x1c: {  	[tilespmem:s15], [sflag:$0x1] =	stream.indirect.gather [hbm4b:s4+s14], $0x20, s18, s14, $0xb8;
	[tilespmem:$0xA820] =	vst v63  }
0x1d: {  	_ =	swait.ge [sflag:s16], $0xA00  }
0x1e: {  	[sflag:s16] =	ssyncset.done $0x0  }
0x1f: {  	s31 =	simm.s32 $0x2710;
	[sflag:s16] =	ssyncadd.s32 $0xFFFFF600  }
0x20: {  	[spmem:s2] =	stream.indirect.scatter.add.f32 [tilespmem:s15], [sflag:$0x2], $0x20, s31, s14, $0xb8;
	[tilespmem:$0xA820] =	vst v63  }
0x21: {  	_ =	swait.ge [sflag:s12], $0xA00  }
0x22: {  	s19 =	simm.s32 $0x280;
	s18 =	simm.s32 $0x140;
	[sflag:s12] =	ssyncset.done $0x0  }
.LBB2_2:
0x23: {  	s20 =	sshra.s32 s18, $0x2  }
0x24: {  	[sflag:s12] =	ssyncadd.s32 $0xFFFFF600;
	s18 =	smov.u32 s19;
	s21 =	sadd.s32 $0x140, s19  }
0x25: {  	[tilespmem:s15], [sflag:$0x1] =	stream.indirect.gather [hbm4b:s4+s14], $0x20, s20, s14, $0xb8;
	[tilespmem:$0xA820] =	vst v63  }
0x26: {  	p0 =	sne.s32 s19, $0x9B00;
	_ =	swait.ge [sflag:s16], $0xA00  }
.Ltmp0:
0x27: {  	[sflag:s16] =	ssyncset.done $0x0;
	(pc) =	sbr.rel @p0 .LBB2_2-.Ltmp0, $4  }
0x28: {  	s19 =	sadd.s32 $0x2710, s20;
	[sflag:s16] =	ssyncadd.s32 $0xFFFFF600  }
0x29: {  	[spmem:s2] =	stream.indirect.scatter.add.f32 [tilespmem:s15], [sflag:$0x2], $0x20, s19, s14, $0xb8;
	[tilespmem:$0xA820] =	vst v63  }
0x2a: {  	_ =	swait.ge [sflag:s12], $0xA00  }
0x2b: {  	s19 =	smov.u32 s21;
	[sflag:s12] =	ssyncset.done $0x0  }
0x2c: {  	s18 =	sshra.s32 s18, $0x2;
	[sflag:s12] =	ssyncadd.s32 $0xFFFFF600  }
0x2d: {  	[tilespmem:s15], [sflag:$0x1] =	stream.indirect.gather [hbm4b:s4+s14], $0x20, s18, s14, $0xb8;
	[tilespmem:$0xA820] =	vst v63  }
0x2e: {  	_ =	swait.ge [sflag:s16], $0xA00  }
0x2f: {  	[sflag:s16] =	ssyncset.done $0x0  }
0x30: {  	s18 =	sadd.s32 $0x2710, s18;
	[sflag:s16] =	ssyncadd.s32 $0xFFFFF600  }
0x31: {  	[spmem:s2] =	stream.indirect.scatter.add.f32 [tilespmem:s15], [sflag:$0x2], $0x20, s18, s14, $0xb8;
	[tilespmem:$0xA820] =	vst v63  }
0x32: {  	_ =	swait.ge [sflag:s12], $0xA00  }
0x33: {  	s17 =	sadd.s32 $0x1, s17;
	[sflag:s12] =	ssyncset.done $0x0  }
0x34: {  	p0 =	sne.s32 s17, s10;
	[sflag:s12] =	ssyncadd.s32 $0xFFFFF600  }
.Ltmp1:
0x35: {  	[bflag:$0x0] =	sbarrier.arrive $0xFFFF;
	(pc) =	sbr.rel @p0 .LBB2_1-.Ltmp1, $4  }
0x36: {  	[hbm:s9], [sflag:s6] =	dma.local [spmem:s11], $0xA00  }
0x37: {  	_ =	swait.ge [sflag:s12], $0xA00  }
0x38: {  	[sflag:s12] =	ssyncset.done $0x0  }
0x39: {  	[sflag:s12] =	ssyncadd.s32 $0xFFFFF600  }
0x3a: {  	_ =	sfence.sel $0x180000  }
0x3b: {  	[bflag:$0x0] =	sbarrier.arrive $0xFFFF  }
0x3c: {  	p0 =	sne.s32 s0, $0x0;
	_ =	strace $0x9000004D  }
0x3d: {  	s0 =	sadd.s32 @!p0 $0x100000, s1;
	[bflag:$0x2] =	sbarrier.arrive $0xFFFF  }
0x3e: {  	[sflag:s0] =	ssyncadd.tile.s32 @!p0 $0x1;
	_ =	shalt  }
.Lfunc_end2:
_tile_overlayer_lowered:
.L_overlay_start_2:
0x3f: {  	(tag) =	ssettag $0x2  }
0x40: {  	s0 =	rddreg [dreg:$0x0];
	s2 =	stileid.u32  }
0x41: {  	s1 =	rddreg [dreg:$0x1];
	p0 =	sne.s32 s2, $0x0  }
0x42: {  	s3 =	rddreg [dreg:$0x2];
	[bflag:$0x3] =	sbarrier.arrive $0xFFFF;
	s2 =	simm.s32 @!p0 $0x1C02  }
0x43: {  	[timem:s3], [sflag:s2] =	dma.local @!p0 [hbm:s0], s1  }
0x44: {  	s0 =	simm.s32 @!p0 $0x2  }
0x45: {  	_ =	swait.ge @!p0 [sflag:s0], s1  }
0x46: {  	s1 =	ssub.s32 @!p0 $0x0, s1;
	[sflag:s0] =	ssyncset.done @!p0 $0x0  }
0x47: {  	[sflag:s0] =	ssyncadd.s32 @!p0 s1  }
0x48: {  	[bflag:$0x3] =	sbarrier.arrive $0xFFFF  }
0x49: {  	_ =	shalt  }

// kernel: kernel.20.cloned.1.call-start
scs
__scs_entry_jumppad:
0x0: {  	(pc) =	sbr.rel $0x88, $3  }
0x1: {  	(tag) =	ssettag $0x0;
	lr =	simm.s32 $0x1  }
0x2: {  	[smem:$0x3F8B] =	sst lr;
	_ =	strace $0xD0000000  }
0x3: {  	_ = 	snop  }
0x4: {  	_ = 	snop  }
0x5: {  	_ = 	snop  }
0x6: {  	_ = 	snop  }
0x7: {  	_ = 	snop  }
__scs_overlays_trampoline_lowered:
0x8: {  	[smem:$0x3F9A] =	sst s0  }
0x9: {  	[smem:$0x3F9B] =	sst s1  }
0xa: {  	[smem:$0x3F9C] =	sst s2  }
0xb: {  	[smem:$0x3F9D] =	sst s3  }
0xc: {  	[smem:$0x3F9E] =	sst s4  }
0xd: {  	[smem:$0x3F9F] =	sst s5  }
0xe: {  	[smem:$0x3FA0] =	sst s6  }
0xf: {  	[smem:$0x3FA1] =	sst s7  }
0x10: {  	[smem:$0x3FA2] =	sst s8  }
0x11: {  	[smem:$0x3FA3] =	sst s9;
	s0 =	simm.s32 @!p0 $0x0  }
0x12: {  	s1 =	sld [smem:$0x3F89];
	s0 =	simm.s32 @p0 $0x1  }
0x13: {  	[smem:$0x3FA4] =	sst s0;
	s0 =	simm.s32 @!p1 $0x0  }
0x14: {  	s2 =	sld [smem:$0x3F88];
	s0 =	simm.s32 @p1 $0x1  }
0x15: {  	[smem:$0x3FA5] =	sst s0;
	s0 =	simm.s32 @!p2 $0x0  }
0x16: {  	s3 =	sld [smem:$0x3FDB];
	s0 =	simm.s32 @p2 $0x1  }
0x17: {  	s4 =	simm.s32 $0x1BF5;
	[smem:$0x3FA7] =	sst s0  }
0x18: {  	s0 =	sld [smem:$0x3F8A];
	_ =	swait.ge [sflag:s4], $0x0  }
0x19: {  	s7 =	sld [smem:$0x3F8B]  }
0x1a: {  	s8 =	sadd.s32 $0xFFFFE003, lr  }
0x1b: {  	s9 =	sadd.s32 $0xFFFFFEF7, lr;
	s5 =	simm.s32 $0xFFFFFFFF;
	p2 =	slt.u32 s8, $0xFFFFF086  }
0x1c: {  	p1 =	slt.u32 s9, $0xF7A;
	s5 =	simm.s32 @!p2 $0x0  }
0x1d: {  	s5 =	simm.s32 @p1 $0x1;
	p0 =	seq.s32 s7, s2  }
0x1e: {  	s7 =	smul.u32 @!p0 $0xF7A, s2;
	p2 =	seq.s32 @!p0 s5, $0x0  }
0x1f: {  	s9 =	smul.u32 $0xF7A, s1;
	s8 =	simm.s32 @!p0 $0x1BF5;
	p2 =	por !p2, p0  }
0x20: {  	[sflag:s8] =	ssyncset.s32 @!p0 $0xFFFFF086;
	s6 =	sadd.s32 @!p0 s3, s7;
	s7 =	simm.s32 @!p0 $0x108  }
0x21: {  	s3 =	sadd.s32 s3, s9;
	s6 =	sadd.s32 @!p0 $0x88, s6;
	s7 =	simm.s32 @p2 $0x1082  }
0x22: {  	[simem:s7], [sflag:s8] =	dma.local @!p0 [hbm:s6], $0xF7A  }
0x23: {  	s9 =	sor.u32 $0xD0000000, s2;
	s6 =	simm.s32 $0x108;
	_ =	swait.ge @!p0 [sflag:s8], $0x0  }
0x24: {  	s3 =	sadd.s32 $0x88, s3;
	s6 =	simm.s32 @!p1 $0x1082;
	[sflag:s4] =	ssyncset.s32 $0xFFFFF086  }
0x25: {  	[simem:s6], [sflag:s4] =	dma.local [hbm:s3], $0xF7A  }
0x26: {  	[smem:$0x3F8B] =	sst s1;
	(tag) =	ssettag s2;
	_ =	strace s9  }
0x27: {  	s1 =	sld [smem:$0x3F9B]  }
0x28: {  	s2 =	sld [smem:$0x3F9C]  }
0x29: {  	s4 =	sld [smem:$0x3F9E]  }
0x2a: {  	p0 =	seq.s32 s5, $0x0;
	s5 =	sld [smem:$0x3F9F]  }
0x2b: {  	s6 =	sld [smem:$0x3FA0]  }
0x2c: {  	s7 =	sld [smem:$0x3FA1]  }
0x2d: {  	s3 =	simm.s32 $0x108;
	s8 =	sld [smem:$0x3FA2]  }
0x2e: {  	s3 =	simm.s32 @!p0 $0x1082;
	s9 =	sld [smem:$0x3FA3]  }
0x2f: {  	lr =	sadd.s32 s0, s3;
	s0 =	sld [smem:$0x3F9A]  }
0x30: {  	s3 =	sld [smem:$0x3F9D]  }
0x31: {  	[smem:$0x3FA6] =	sst s10  }
0x32: {  	s10 =	sld [smem:$0x3FA4];
	_ =	sdelay $0x3  }
0x33: {  	p0 =	seq.s32 s10, $0x1;
	s10 =	sld [smem:$0x3FA6];
	_ =	sdelay $0x3  }
0x34: {  	[smem:$0x3FA6] =	sst s10  }
0x35: {  	s10 =	sld [smem:$0x3FA5];
	_ =	sdelay $0x3  }
0x36: {  	p1 =	seq.s32 s10, $0x1;
	s10 =	sld [smem:$0x3FA6];
	_ =	sdelay $0x3  }
0x37: {  	[smem:$0x3FA6] =	sst s10  }
0x38: {  	s10 =	sld [smem:$0x3FA7]  }
0x39: {  	_ = 	snop;
	(pc) =	sbr.ind lr, $3  }
0x3a: {  	_ = 	snop  }
0x3b: {  	_ = 	snop  }
0x3c: {  	p2 =	seq.s32 s10, $0x1;
	s10 =	sld [smem:$0x3FA6]  }
0x3d: {  	_ =	shalt  }
0x3e: {  	_ =	shalt  }
0x3f: {  	_ =	shalt  }
0x40: {  	_ =	shalt  }
0x41: {  	_ =	shalt  }
0x42: {  	_ =	shalt  }
0x43: {  	_ =	shalt  }
0x44: {  	_ =	shalt  }
0x45: {  	_ =	shalt  }
0x46: {  	_ =	shalt  }
0x47: {  	_ =	shalt  }
0x48: {  	_ =	shalt  }
0x49: {  	_ =	shalt  }
0x4a: {  	_ =	shalt  }
0x4b: {  	_ =	shalt  }
0x4c: {  	_ =	shalt  }
0x4d: {  	_ =	shalt  }
0x4e: {  	_ =	shalt  }
0x4f: {  	_ =	shalt  }
0x50: {  	_ =	shalt  }
0x51: {  	_ =	shalt  }
0x52: {  	_ =	shalt  }
0x53: {  	_ =	shalt  }
0x54: {  	_ =	shalt  }
0x55: {  	_ =	shalt  }
0x56: {  	_ =	shalt  }
0x57: {  	_ =	shalt  }
0x58: {  	_ =	shalt  }
0x59: {  	_ =	shalt  }
0x5a: {  	_ =	shalt  }
0x5b: {  	_ =	shalt  }
0x5c: {  	_ =	shalt  }
0x5d: {  	_ =	shalt  }
0x5e: {  	_ =	shalt  }
0x5f: {  	_ =	shalt  }
0x60: {  	_ =	shalt  }
0x61: {  	_ =	shalt  }
0x62: {  	_ =	shalt  }
0x63: {  	_ =	shalt  }
0x64: {  	_ =	shalt  }
0x65: {  	_ =	shalt  }
0x66: {  	_ =	shalt  }
0x67: {  	_ =	shalt  }
0x68: {  	_ =	shalt  }
0x69: {  	_ =	shalt  }
0x6a: {  	_ =	shalt  }
0x6b: {  	_ =	shalt  }
0x6c: {  	_ =	shalt  }
0x6d: {  	_ =	shalt  }
0x6e: {  	_ =	shalt  }
0x6f: {  	_ =	shalt  }
0x70: {  	_ =	shalt  }
0x71: {  	_ =	shalt  }
0x72: {  	_ =	shalt  }
0x73: {  	_ =	shalt  }
0x74: {  	_ =	shalt  }
0x75: {  	_ =	shalt  }
0x76: {  	_ =	shalt  }
0x77: {  	_ =	shalt  }
0x78: {  	_ =	shalt  }
0x79: {  	_ =	shalt  }
0x7a: {  	_ =	shalt  }
0x7b: {  	_ =	shalt  }
0x7c: {  	_ =	shalt  }
0x7d: {  	_ =	shalt  }
0x7e: {  	_ =	shalt  }
0x7f: {  	_ =	shalt  }
0x80: {  	_ =	shalt  }
0x81: {  	_ =	shalt  }
0x82: {  	_ =	shalt  }
0x83: {  	_ =	shalt  }
0x84: {  	_ =	shalt  }
0x85: {  	_ =	shalt  }
0x86: {  	_ =	shalt  }
0x87: {  	_ =	shalt  }
.Lfunc_end0:
.L_simem_size_0:
called_computation.3_lowered:
.L_overlay_start_0:
0x88: {  	s2 =	sld [smem:$0x3FD9]  }
0x89: {  	s3 =	sld [smem:$0x3FFE];
	_ =	sdelay $0x1  }
0x8a: {  	s1 =	srdreg.scid  }
0x8b: {  	s0 =	sand.u32 $0x1, s1  }
0x8c: {  	s16 =	sshll.u32 s0, $0xA;
	s2 =	sadd.s32 s3, s2  }
0x8d: {  	s2 =	sadd.s32 s2, s16  }
0x8e: {  	[smem:$0x3FB2] =	sst s2  }
0x8f: {  	_ = 	snop  }
0x90: {  	(tm) =	ssettm $0x1  }
0x91: {  	s17 =	sld [smem:$0x3FFB];
	_ =	sdelay $0x3  }
0x92: {  	_ =	strace s17  }
0x93: {  	s2 =	sld [smem:$0x3FFC];
	_ =	sdelay $0x3  }
0x94: {  	_ =	strace s2  }
0x95: {  	s2 =	sld [smem:$0x3FFD];
	_ =	sdelay $0x3  }
0x96: {  	_ =	strace s2  }
0x97: {  	_ =	strace $0x8FFFFFFF  }
0x98: {  	s18 =	sld [smem:$0x3FDB];
	_ =	sdelay $0x1  }
0x99: {  	s19 =	simm.s32 $_scs_section_size  }
0x9a: {  	s4 =	simm.s32 $_size__tile_overlayer_lowered;
	s5 =	simm.s32 $_tile_overlayer_lowered  }
0x9b: {  	s22 =	simm.s32 $0x1BFF;
	s21 =	sshll.u32 s5, $0x1;
	s2 =	sadd.s32 s19, s18  }
0x9c: {  	s6 =	simm.s32 $0x0;
	s20 =	sshll.u32 s4, $0x1;
	s4 =	sadd.s32 s21, s2  }
0x9d: {  	[timem:s6], [sflag:s22] =	dma.local [hbm:s4], s20  }
0x9e: {  	_ =	swait.ge [sflag:s22], s20  }
0x9f: {  	s3 =	ssub.s32 $0x0, s20;
	[sflag:s22] =	ssyncset.done $0x0  }
0xa0: {  	[sflag:s22] =	ssyncadd.s32 s3;
	_ =	sdelay $0x1  }
0xa1: {  	s23 =	simm.s32 $0x1B8B  }
0xa2: {  	_ =	swait.ge [sflag:s23], $0x1  }
0xa3: {  	[sflag:s23] =	ssyncset.done $0x0  }
0xa4: {  	s25 =	simm.s32 $0x1B8E;
	s24 =	sld [smem:$0x3FFE];
	[sflag:s23] =	ssyncadd.s32 $0xFFFFFFFF  }
0xa5: {  	s26 =	simm.s32 $execute0_lowered;
	[smem:$0x3FD2] =	sst s25  }
0xa6: {  	s4 =	sshll.u32 s26, $0x1;
	_ =	strace $0x8000004F;
	[dreg:$0x1] =	wrdreg $0xFFFFFFFF  }
0xa7: {  	s28 =	simm.s32 $_size_execute0_lowered;
	s2 =	sadd.s32 s2, s4;
	[dreg:$0x0] =	wrdreg $0x0  }
0xa8: {  	s4 =	sshll.u32 s28, $0x1;
	[dreg:$0x2] =	wrdreg s2  }
0xa9: {  	[dreg:$0x3] =	wrdreg s4  }
0xaa: {  	[dreg:$0x4] =	wrdreg $0xC0  }
0xab: {  	_ =	task [dreg:s6], $0x5FFFF  }
0xac: {  	[dreg:$0x1] =	wrdreg $0xFFFFFFFF  }
0xad: {  	[dreg:$0x0] =	wrdreg $0x60  }
0xae: {  	[dreg:$0x2] =	wrdreg s24  }
0xaf: {  	[dreg:$0x3] =	wrdreg $0x29400  }
0xb0: {  	[dreg:$0x4] =	wrdreg $0x9  }
0xb1: {  	_ =	task.clear_ibuf [dreg:s6], $0x5FFFF;
	_ =	strace $0x9000004F  }
0xb2: {  	s29 =	simm.s32 $0x9;
	_ =	strace $0x80000051  }
0xb3: {  	_ =	swait.ge [sflag:s29], $0x1  }
0xb4: {  	[sflag:s29] =	ssyncadd.s32 $0xFFFFFFFF  }
0xb5: {  	_ =	strace $0x90000051  }
0xb6: {  	_ =	sfence  }
0xb7: {  	s30 =	sld [smem:$0x0];
	_ =	sdelay $0x2  }
0xb8: {  	s31 =	sshll.u32 s1, $0xD;
	s1 =	sshrl.u32 s1, $0x2  }
0xb9: {  	s3 =	sand.u32 $0x4000, s31;
	s1 =	sadd.s32 s1, s30  }
0xba: {  	s0 =	sor.u32 s3, s0;
	s1 =	sshll.u32 s1, $0x11  }
0xbb: {  	s0 =	sor.u32 s1, s0  }
0xbc: {  	s0 =	sadd.s32 $0x8F2B, s0  }
0xbd: {  	[sflag:s0] =	ssyncadd.remote.s32 $0x1  }
0xbe: {  	_ =	sfence.sel $0xFFFF  }
0xbf: {  	[dreg:$0x0] =	wrdreg $0xFFFFFFFF;
	(pc) =	sbr.abs _section_cstart, $3  }
0xc0: {  	[dreg:$0x1] =	wrdreg $0xFFFFFFFF  }
0xc1: {  	_ =	task.clear_ibuf [dreg:s6], $0x2FFFF;
	_ =	strace $0x9FFFFFFF  }
0xc2: {  	(tm) =	ssettm $0x7FFFFFFF  }
0xc3: {  	_ =	shalt  }
tec
execute0_lowered:
.L_overlay_start_1:
0x0: {  	(tag) =	ssettag $0x1  }
0x1: {  	s17 =	rddreg [dreg:$0x0];
	s1 =	srdreg.scid  }
0x2: {  	s0 =	stileid.u32;
	s2 =	rddreg [dreg:$0x1]  }
0x3: {  	s3 =	simm.s32 $0x0;
	s18 =	sand.u32 $0x1, s1;
	s1 =	rddreg [dreg:$0x2]  }
0x4: {  	s19 =	smul.u32 $0x1F00, s0;
	[smem:$0x7FF] =	sst s3  }
0x5: {  	s5 =	sshll.u32 s0, $0x6;
	s4 =	sshll.u32 s18, $0x4;
	_ =	strace $0x80000050  }
0x6: {  	s5 =	sor.u32 $0x1C01, s5;
	s8 =	sor.u32 s0, s4;
	s29 =	sshrl.u32 s19, $0x3  }
0x7: {  	s6 =	sadd.s32 s19, s2;
	s9 =	smul.u32 $0x28, s8;
	s4 =	sadd.s32 s29, s17  }
0x8: {  	s7 =	sshrl.u32 s6, $0x3;
	s6 =	simm.s32 $0x1;
	s4 =	sadd.s32 $0xC800, s4  }
0x9: {  	[spmem:s7], [sflag:s5] =	dma.local [hbm:s4], $0x3E0  }
0xa: {  	_ =	swait.ge [sflag:s6], $0x3E0  }
0xb: {  	s9 =	sadd.s32 s9, s17;
	[sflag:s6] =	ssyncset.done $0x0  }
0xc: {  	s10 =	smul.u32 $0x500, s8;
	s8 =	sadd.s32 $0xC200, s9;
	[sflag:s6] =	ssyncadd.s32 $0xFFFFFC20  }
0xd: {  	[tilespmem:s3], [sflag:$0x1] =	stream.linear.gather [hbm4b:s8+s3], $0x140, $0x38;
	[tilespmem:$0x4840] =	vst v63  }
0xe: {  	_ =	swait.ge [sflag:s6], $0x140  }
0xf: {  	s30 =	sadd.s32 s10, s17;
	[sflag:s6] =	ssyncset.done $0x0  }
0x10: {  	s10 =	simm.s32 $0x140;
	s9 =	sadd.s32 $0x2200, s30;
	[sflag:s6] =	ssyncadd.s32 $0xFFFFFEC0  }
0x11: {  	[tilespmem:s10], [sflag:$0x1] =	stream.linear.gather [hbm4b:s9+s3], $0x2800, $0x38;
	[tilespmem:$0x4840] =	vst v63  }
0x12: {  	_ =	swait.ge [sflag:s6], $0x2800  }
0x13: {  	[sflag:s6] =	ssyncset.done $0x0  }
0x14: {  	[sflag:s6] =	ssyncadd.s32 $0xFFFFD800  }
0x15: {  	s11 =	simm.s32 $0x50;
	[bflag:$0x0] =	sbarrier.arrive $0xFFFF  }
0x16: {  	[spmem:s2] =	stream.indirect.scatter.add.f32 [tilespmem:s10], [sflag:$0x1], $0x20, s3, s11, $0xb8;
	[tilespmem:$0x4840] =	vst v63  }
0x17: {  	_ =	swait.ge [sflag:s6], $0xA00  }
0x18: {  	[sflag:s6] =	ssyncset.done $0x0  }
0x19: {  	s12 =	simm.s32 $0xB40;
	[sflag:s6] =	ssyncadd.s32 $0xFFFFF600  }
0x1a: {  	[spmem:s2] =	stream.indirect.scatter.add.f32 [tilespmem:s12], [sflag:$0x1], $0x20, s11, s11, $0xb8;
	[tilespmem:$0x4840] =	vst v63  }
0x1b: {  	_ =	swait.ge [sflag:s6], $0xA00  }
0x1c: {  	[sflag:s6] =	ssyncset.done $0x0  }
0x1d: {  	s13 =	simm.s32 $0xA0;
	s14 =	simm.s32 $0x1540;
	[sflag:s6] =	ssyncadd.s32 $0xFFFFF600  }
0x1e: {  	[spmem:s2] =	stream.indirect.scatter.add.f32 [tilespmem:s14], [sflag:$0x1], $0x20, s13, s11, $0xb8;
	[tilespmem:$0x4840] =	vst v63  }
0x1f: {  	s20 =	smul.u32 $0x1F000, s18;
	s18 =	ssub.s32 $0x2, s18;
	_ =	swait.ge [sflag:s6], $0xA00  }
0x20: {  	s15 =	simm.s32 $0xF0;
	s31 =	sshrl.u32 s18, $0x1;
	[sflag:s6] =	ssyncset.done $0x0  }
0x21: {  	s16 =	simm.s32 $0x1F40;
	s18 =	ssub.s32 s18, s31;
	[sflag:s6] =	ssyncadd.s32 $0xFFFFF600  }
0x22: {  	[spmem:s2] =	stream.indirect.scatter.add.f32 [tilespmem:s16], [sflag:$0x1], $0x20, s15, s11, $0xb8;
	[tilespmem:$0x4840] =	vst v63  }
0x23: {  	s19 =	sadd.s32 s19, s20;
	s18 =	smax.u32 s18, $0x1;
	_ =	swait.ge [sflag:s6], $0xA00  }
0x24: {  	s19 =	sshrl.u32 s19, $0x3;
	p0 =	sne.s32 s18, $0x1;
	[sflag:s6] =	ssyncset.done $0x0  }
.Ltmp0:
0x25: {  	s17 =	sadd.s32 s19, s17;
	[sflag:s6] =	ssyncadd.s32 $0xFFFFF600;
	(pc) =	sbr.rel @!p0 .LBB2_2-.Ltmp0, $4  }
0x26: {  	s17 =	sadd.s32 $0x10600, s17;
	[bflag:$0x0] =	sbarrier.arrive $0xFFFF  }
0x27: {  	[hbm:s17], [sflag:s5] =	dma.local [spmem:s7], $0x3E0  }
0x28: {  	_ =	swait.ge [sflag:s6], $0x3E0  }
0x29: {  	s18 =	sadd.s32 $0xFFFFFFFF, s18;
	[sflag:s6] =	ssyncset.done $0x0  }
.LBB2_1:
0x2a: {  	p0 =	sne.s32 s18, $0x1;
	s18 =	sadd.s32 $0xFFFFFFFF, s18;
	[sflag:s6] =	ssyncadd.s32 $0xFFFFFC20  }
0x2b: {  	[spmem:s7], [sflag:s5] =	dma.local [hbm:s4], $0x3E0  }
0x2c: {  	_ =	swait.ge [sflag:s6], $0x3E0  }
0x2d: {  	[sflag:s6] =	ssyncset.done $0x0  }
0x2e: {  	[sflag:s6] =	ssyncadd.s32 $0xFFFFFC20  }
0x2f: {  	[tilespmem:s3], [sflag:$0x1] =	stream.linear.gather [hbm4b:s8+s3], $0x140, $0x38;
	[tilespmem:$0x4840] =	vst v63  }
0x30: {  	_ =	swait.ge [sflag:s6], $0x140  }
0x31: {  	[sflag:s6] =	ssyncset.done $0x0  }
0x32: {  	[sflag:s6] =	ssyncadd.s32 $0xFFFFFEC0  }
0x33: {  	[tilespmem:s10], [sflag:$0x1] =	stream.linear.gather [hbm4b:s9+s3], $0x2800, $0x38;
	[tilespmem:$0x4840] =	vst v63  }
0x34: {  	_ =	swait.ge [sflag:s6], $0x2800  }
0x35: {  	[sflag:s6] =	ssyncset.done $0x0  }
0x36: {  	[sflag:s6] =	ssyncadd.s32 $0xFFFFD800  }
0x37: {  	[bflag:$0x0] =	sbarrier.arrive $0xFFFF  }
0x38: {  	[spmem:s2] =	stream.indirect.scatter.add.f32 [tilespmem:s10], [sflag:$0x1], $0x20, s3, s11, $0xb8;
	[tilespmem:$0x4840] =	vst v63  }
0x39: {  	_ =	swait.ge [sflag:s6], $0xA00  }
0x3a: {  	[sflag:s6] =	ssyncset.done $0x0  }
0x3b: {  	[sflag:s6] =	ssyncadd.s32 $0xFFFFF600  }
0x3c: {  	[spmem:s2] =	stream.indirect.scatter.add.f32 [tilespmem:s12], [sflag:$0x1], $0x20, s11, s11, $0xb8;
	[tilespmem:$0x4840] =	vst v63  }
0x3d: {  	_ =	swait.ge [sflag:s6], $0xA00  }
0x3e: {  	[sflag:s6] =	ssyncset.done $0x0  }
0x3f: {  	[sflag:s6] =	ssyncadd.s32 $0xFFFFF600  }
0x40: {  	[spmem:s2] =	stream.indirect.scatter.add.f32 [tilespmem:s14], [sflag:$0x1], $0x20, s13, s11, $0xb8;
	[tilespmem:$0x4840] =	vst v63  }
0x41: {  	_ =	swait.ge [sflag:s6], $0xA00  }
0x42: {  	[sflag:s6] =	ssyncset.done $0x0  }
0x43: {  	[sflag:s6] =	ssyncadd.s32 $0xFFFFF600  }
0x44: {  	[spmem:s2] =	stream.indirect.scatter.add.f32 [tilespmem:s16], [sflag:$0x1], $0x20, s15, s11, $0xb8;
	[tilespmem:$0x4840] =	vst v63  }
0x45: {  	_ =	swait.ge [sflag:s6], $0xA00  }
0x46: {  	[sflag:s6] =	ssyncset.done $0x0  }
.Ltmp1:
0x47: {  	[sflag:s6] =	ssyncadd.s32 $0xFFFFF600;
	(pc) =	sbr.rel @p0 .LBB2_1-.Ltmp1, $4  }
0x48: {  	[bflag:$0x0] =	sbarrier.arrive $0xFFFF  }
0x49: {  	[hbm:s17], [sflag:s5] =	dma.local [spmem:s7], $0x3E0  }
0x4a: {  	_ =	swait.ge [sflag:s6], $0x3E0  }
0x4b: {  	[sflag:s6] =	ssyncset.done $0x0  }
.LBB2_2:
0x4c: {  	[sflag:s6] =	ssyncadd.s32 $0xFFFFFC20  }
0x4d: {  	_ =	sfence.sel $0x180000  }
0x4e: {  	[bflag:$0x0] =	sbarrier.arrive $0xFFFF  }
0x4f: {  	p0 =	sne.s32 s0, $0x0;
	_ =	strace $0x90000050  }
0x50: {  	s0 =	sadd.s32 @!p0 $0x100000, s1;
	[bflag:$0x2] =	sbarrier.arrive $0xFFFF  }
0x51: {  	[sflag:s0] =	ssyncadd.tile.s32 @!p0 $0x1;
	_ =	shalt  }
.Lfunc_end2:
_tile_overlayer_lowered:
.L_overlay_start_2:
0x52: {  	(tag) =	ssettag $0x2  }
0x53: {  	s0 =	rddreg [dreg:$0x0];
	s2 =	stileid.u32  }
0x54: {  	s1 =	rddreg [dreg:$0x1];
	p0 =	sne.s32 s2, $0x0  }
0x55: {  	s3 =	rddreg [dreg:$0x2];
	[bflag:$0x3] =	sbarrier.arrive $0xFFFF;
	s2 =	simm.s32 @!p0 $0x1C01  }
0x56: {  	[timem:s3], [sflag:s2] =	dma.local @!p0 [hbm:s0], s1  }
0x57: {  	s0 =	simm.s32 @!p0 $0x1  }
0x58: {  	_ =	swait.ge @!p0 [sflag:s0], s1  }
0x59: {  	s1 =	ssub.s32 @!p0 $0x0, s1;
	[sflag:s0] =	ssyncset.done @!p0 $0x0  }
0x5a: {  	[sflag:s0] =	ssyncadd.s32 @!p0 s1  }
0x5b: {  	[bflag:$0x3] =	sbarrier.arrive $0xFFFF  }
0x5c: {  	_ =	shalt  }

</sc_bundles>
